<compile_context>
chip_gen: v7x
topology: tpu7x:2x2x1
jax: 0.10.2.dev20260603
libtpu: 0.0.44.dev20260713+nightly
codegen_flags: <defaults>
</compile_context>

<pallas_src>
import jax
import jax.numpy as jnp
from jax import lax
from jax.experimental import pallas as pl
from jax.experimental.pallas import tpu as pltpu
from jax.experimental.pallas import tpu_sc as plsc

_VOCAB = 100000
_EMBED = 64
_BATCH = 1024
_CTX = 50
_NC = 2
_NS = 16
_NW = _NC * _NS
_FIRE = 8


def _sc_pool(input_ids, emb):
    batch = input_ids.shape[0]
    bpw = batch // _NW

    def body(ids_hbm, emb_hbm, out_hbm, idx_v, rows_v, out_v, sem):
        wid = lax.axis_index("s") * _NC + lax.axis_index("c")
        base = wid * bpw
        pltpu.sync_copy(ids_hbm.at[pl.ds(base, bpw), :], idx_v)

        for g in range(pl.cdiv(bpw, _FIRE)):
            cps = []
            for i in range(min(_FIRE, bpw - g * _FIRE)):
                b = g * _FIRE + i
                cps.append(
                    pltpu.async_copy(emb_hbm.at[idx_v.at[b]], rows_v.at[b],
                                     sem)
                )
            for cp in cps:
                cp.wait()

        def bbody(b, carry):
            accs = [rows_v[b, 0, pl.ds(16 * d, 16)] for d in range(4)]
            for c in range(1, _CTX):
                for d in range(4):
                    accs[d] = accs[d] + rows_v[b, c, pl.ds(16 * d, 16)]
            for d in range(4):
                out_v[b, pl.ds(16 * d, 16)] = accs[d] * (1.0 / _CTX)
            return carry

        lax.fori_loop(0, bpw, bbody, 0)
        pltpu.sync_copy(out_v, out_hbm.at[pl.ds(base, bpw), :])

    mesh = plsc.VectorSubcoreMesh(core_axis_name="c", subcore_axis_name="s")
    return pl.kernel(
        body,
        out_type=jax.ShapeDtypeStruct((batch, _EMBED), jnp.float32),
        mesh=mesh,
        compiler_params=pltpu.CompilerParams(use_tc_tiling_on_sc=False),
        scratch_types=[
            pltpu.VMEM((bpw, _CTX), jnp.int32),
            pltpu.VMEM((bpw, _CTX, _EMBED), jnp.float32),
            pltpu.VMEM((bpw, _EMBED), jnp.float32),
            pltpu.SemaphoreType.DMA,
        ],
    )(input_ids, emb)


_BSUB = 32
_NOBUF = 3
_CROWS = 16
_NCHUNK = _BSUB // _CROWS


def _tc_mlp(pooled, W1, b1, wft_bf16, bf):
    batch = pooled.shape[0]
    nstep = batch // _BSUB

    def body(pooled_ref, w1_ref, b1_ref, wft_ref, bf_ref, out_hbm,
             obuf, sems):
        i = pl.program_id(0)
        slot = lax.rem(i, _NOBUF)

        @pl.when(i >= _NOBUF)
        def _():
            for c in range(_NCHUNK):
                pltpu.make_async_copy(
                    obuf.at[slot, pl.ds(c * _CROWS, _CROWS), :],
                    out_hbm.at[
                        pl.ds((i - _NOBUF) * _BSUB + c * _CROWS, _CROWS), :],
                    sems.at[slot],
                ).wait()

        hidden = jnp.maximum(
            lax.dot_general(
                pooled_ref[...].astype(jnp.bfloat16),
                w1_ref[...].astype(jnp.bfloat16),
                (((1,), (1,)), ((), ())),
                preferred_element_type=jnp.float32,
            ) + b1_ref[...],
            0.0,
        )
        obuf[slot] = (lax.dot_general(
            hidden.astype(jnp.bfloat16), wft_ref[...],
            (((1,), (0,)), ((), ())),
            preferred_element_type=jnp.float32,
        ) + bf_ref[...]).astype(jnp.bfloat16)

        for c in range(_NCHUNK):
            pltpu.make_async_copy(
                obuf.at[slot, pl.ds(c * _CROWS, _CROWS), :],
                out_hbm.at[pl.ds(i * _BSUB + c * _CROWS, _CROWS), :],
                sems.at[slot],
            ).start()

        @pl.when(i == nstep - 1)
        def _():
            for k in range(_NOBUF):
                s = (slot - k) % _NOBUF
                for c in range(_NCHUNK):
                    pltpu.make_async_copy(
                        obuf.at[s, pl.ds(c * _CROWS, _CROWS), :],
                        out_hbm.at[
                            pl.ds((i - k) * _BSUB + c * _CROWS, _CROWS), :],
                        sems.at[s],
                    ).wait()

    return pl.pallas_call(
        body,
        grid=(nstep,),
        in_specs=[
            pl.BlockSpec((_BSUB, _EMBED), lambda i: (i, 0)),
            pl.BlockSpec((_EMBED // 2, _EMBED), lambda i: (0, 0)),
            pl.BlockSpec((1, _EMBED // 2), lambda i: (0, 0)),
            pl.BlockSpec((_EMBED // 2, _VOCAB), lambda i: (0, 0)),
            pl.BlockSpec((1, _VOCAB), lambda i: (0, 0)),
        ],
        out_specs=pl.BlockSpec(memory_space=pl.ANY),
        out_shape=jax.ShapeDtypeStruct((batch, _VOCAB), jnp.bfloat16),
        scratch_shapes=[
            pltpu.VMEM((_NOBUF, _BSUB, _VOCAB), jnp.bfloat16),
            pltpu.SemaphoreType.DMA((_NOBUF,)),
        ],
        compiler_params=pltpu.CompilerParams(
            vmem_limit_bytes=60_000_000,
        ),
    )(pooled, W1, b1.reshape(1, _EMBED // 2),
      wft_bf16, bf.reshape(1, _VOCAB))


def kernel(input_ids, emb, W1, b1, Wf, bf):
    pooled = _sc_pool(input_ids, emb)
    wft = Wf.T.astype(jnp.bfloat16)
    return _tc_mlp(pooled, W1, b1, wft, bf).astype(jnp.float32)

# --- scband reference (transcript-rebuilt; emitter-appended) ---
"""Pipeline reference for scband-cbow-55387898249674 (READ-ONLY COPY).

The authoritative reference and input builder live on the scoring server;
editing this copy changes nothing except your own understanding.
"""

import jax, jax.numpy as jnp
import numpy as np

VOCAB = 100000
EMBED = 64
BATCH = 1024
CTX = 50

def setup_inputs(seed: int = 0) -> dict:
    key = jax.random.key(seed)
    k_idx, k_emb, k_w1, k_b1, k_wf = jax.random.split(key, 5)
    input_ids = jax.random.randint(k_idx, (BATCH, CTX), 0, VOCAB, dtype=jnp.int64 if jax.config.jax_enable_x64 else jnp.int32).astype(jnp.int32)
    # embedding initialized uniform(-0.5, 0.5) per init_weights
    emb = jax.random.uniform(k_emb, (VOCAB, EMBED), dtype=jnp.float32, minval=-0.5, maxval=0.5)
    # linear1: default torch init ~ uniform(-1/sqrt(in), 1/sqrt(in))
    bound1 = 1.0 / np.sqrt(EMBED)
    W1 = jax.random.uniform(k_w1, (EMBED // 2, EMBED), dtype=jnp.float32, minval=-bound1, maxval=bound1)
    b1 = jax.random.uniform(k_b1, (EMBED // 2,), dtype=jnp.float32, minval=-bound1, maxval=bound1)
    # fc: weight uniform(-0.5, 0.5), bias zero per init_weights
    Wf = jax.random.uniform(k_wf, (VOCAB, EMBED // 2), dtype=jnp.float32, minval=-0.5, maxval=0.5)
    bf = jnp.zeros((VOCAB,), dtype=jnp.float32)
    return {"input_ids": input_ids, "emb": emb, "W1": W1, "b1": b1, "Wf": Wf, "bf": bf}

def reference(input_ids, emb, W1, b1, Wf, bf):
    # embedding lookup + mean over context window
    embedded = jnp.take(emb, input_ids, axis=0).mean(axis=1)  # [B, EMBED]
    out = jax.nn.relu(embedded @ W1.T + b1)                   # [B, EMBED//2]
    logits = out @ Wf.T + bf                                   # [B, VOCAB]
    return logits

if __name__ == "__main__":
    import jax
    _d = setup_inputs()
    print(jax.jit(kernel)(*tuple(_d.values())))

</pallas_src>

<mosaic_0001>
#map = affine_map<(d0, d1) -> (0, 0)>
module attributes {stable_mosaic.version = 14 : i64} {
  func.func @body(%arg0: i32, %arg1: i32, %arg2: memref<1024x50xi32, #tpu.memory_space<hbm>>, %arg3: memref<100000x64xf32, #tpu.memory_space<hbm>>, %arg4: memref<1024x64xf32, #tpu.memory_space<hbm>>, %arg5: memref<32x50xi32, #tpu.memory_space<vmem>>, %arg6: memref<32x50x64xf32, #tpu.memory_space<vmem>>, %arg7: memref<32x64xf32, #tpu.memory_space<vmem>>, %arg8: memref<!tpu.dma_semaphore, #tpu.memory_space<semaphore_mem>>) attributes {dimension_semantics = [#tpu.dimension_semantics<core_parallel>, #tpu.dimension_semantics<subcore_parallel>], iteration_bounds = array<i64: 2, 16>, scalar_prefetch = 0 : i64, scratch_operands = 4 : i64, tpu.core_type = #tpu.core_type<sc_vector_subcore>, window_params = [{transform_indices = #map}, {transform_indices = #map}, {transform_indices = #map}]} {
    %mul3A = arith.constant 2 : i32
    %mul3A_0 = arith.muli %arg1, %mul3A : i32
    %add3A = arith.addi %mul3A_0, %arg0 : i32
    %mul3A_1 = arith.constant 32 : i32
    %mul3A_2 = arith.muli %add3A, %mul3A_1 : i32
    "tpu.region"() ({
      %run_scoped3A = tpu.sem_alloc : memref<!tpu.dma_semaphore, #tpu.memory_space<semaphore_mem>>
      %dma_start3A_774 = arith.constant 0 : i32
      %dma_start3A_775 = tpu.memref_slice %arg2[%mul3A_2, %dma_start3A_774] : memref<1024x50xi32, #tpu.memory_space<hbm>> -> memref<32x50xi32, #tpu.memory_space<hbm>>
      %dma_start3A_776 = arith.constant 0 : i32
      %dma_start3A_777 = tpu.memref_slice %arg2[%mul3A_2, %dma_start3A_776] : memref<1024x50xi32, #tpu.memory_space<hbm>> -> memref<32x50xi32, #tpu.memory_space<hbm>>
      tpu.enqueue_dma source(%dma_start3A_777 : memref<32x50xi32, #tpu.memory_space<hbm>>) target(%arg5 : memref<32x50xi32, #tpu.memory_space<vmem>>) target_semaphore(%run_scoped3A : memref<!tpu.dma_semaphore, #tpu.memory_space<semaphore_mem>>)
      %dma_wait3A_778 = arith.constant 0 : i32
      %dma_wait3A_779 = tpu.memref_slice %arg2[%mul3A_2, %dma_wait3A_778] : memref<1024x50xi32, #tpu.memory_space<hbm>> -> memref<32x50xi32, #tpu.memory_space<hbm>>
      %dma_wait3A_780 = arith.constant 0 : i32
      %dma_wait3A_781 = tpu.memref_slice %arg2[%mul3A_2, %dma_wait3A_780] : memref<1024x50xi32, #tpu.memory_space<hbm>> -> memref<32x50xi32, #tpu.memory_space<hbm>>
      tpu.wait_dma2 semaphore(%run_scoped3A : memref<!tpu.dma_semaphore, #tpu.memory_space<semaphore_mem>>) src(%dma_wait3A_781 : memref<32x50xi32, #tpu.memory_space<hbm>>) dst(%arg5 : memref<32x50xi32, #tpu.memory_space<vmem>>)
      tpu.yield
    }) : () -> ()
    %dma_start3A = arith.constant 0 : i32
    %dma_start3A_3 = arith.constant 0 : i32
    %dma_start3A_4 = arith.constant 0 : i32
    %dma_start3A_5 = arith.constant 0 : i32
    %dma_start3A_6 = tpu.memref_slice %arg6[%dma_start3A_3, %dma_start3A_4, %dma_start3A_5] : memref<32x50x64xf32, #tpu.memory_space<vmem>> -> memref<1x50x64xf32, #tpu.memory_space<vmem>>
    %dma_start3A_7 = tpu.memref_squeeze %dma_start3A_6 : memref<1x50x64xf32, #tpu.memory_space<vmem>> -> memref<50x64xf32, #tpu.memory_space<vmem>>
    %dma_start3A_8 = arith.constant 0 : i32
    %dma_start3A_9 = tpu.memref_slice %arg5[%dma_start3A, %dma_start3A_8] : memref<32x50xi32, #tpu.memory_space<vmem>> -> memref<1x50xi32, #tpu.memory_space<vmem>>
    %dma_start3A_10 = tpu.memref_squeeze %dma_start3A_9 : memref<1x50xi32, #tpu.memory_space<vmem>> -> memref<50xi32, #tpu.memory_space<vmem>>
    %dma_start3A_11 = arith.constant 0 : i32
    %dma_start3A_12 = arith.constant 0 : i32
    %dma_start3A_13 = tpu.memref_slice %arg3[%dma_start3A_11, %dma_start3A_12] : memref<100000x64xf32, #tpu.memory_space<hbm>> -> memref<100000x64xf32, #tpu.memory_space<hbm>>
    tpu.enqueue_indirect_dma source(%dma_start3A_13 : memref<100000x64xf32, #tpu.memory_space<hbm>>) target(%dma_start3A_7 : memref<50x64xf32, #tpu.memory_space<vmem>>) offsets(%dma_start3A_10 : memref<50xi32, #tpu.memory_space<vmem>>) semaphore(%arg8 : memref<!tpu.dma_semaphore, #tpu.memory_space<semaphore_mem>>)
    %dma_start3A_14 = arith.constant 1 : i32
    %dma_start3A_15 = arith.constant 1 : i32
    %dma_start3A_16 = arith.constant 0 : i32
    %dma_start3A_17 = arith.constant 0 : i32
    %dma_start3A_18 = tpu.memref_slice %arg6[%dma_start3A_15, %dma_start3A_16, %dma_start3A_17] : memref<32x50x64xf32, #tpu.memory_space<vmem>> -> memref<1x50x64xf32, #tpu.memory_space<vmem>>
    %dma_start3A_19 = tpu.memref_squeeze %dma_start3A_18 : memref<1x50x64xf32, #tpu.memory_space<vmem>> -> memref<50x64xf32, #tpu.memory_space<vmem>>
    %dma_start3A_20 = arith.constant 0 : i32
    %dma_start3A_21 = tpu.memref_slice %arg5[%dma_start3A_14, %dma_start3A_20] : memref<32x50xi32, #tpu.memory_space<vmem>> -> memref<1x50xi32, #tpu.memory_space<vmem>>
    %dma_start3A_22 = tpu.memref_squeeze %dma_start3A_21 : memref<1x50xi32, #tpu.memory_space<vmem>> -> memref<50xi32, #tpu.memory_space<vmem>>
    %dma_start3A_23 = arith.constant 0 : i32
    %dma_start3A_24 = arith.constant 0 : i32
    %dma_start3A_25 = tpu.memref_slice %arg3[%dma_start3A_23, %dma_start3A_24] : memref<100000x64xf32, #tpu.memory_space<hbm>> -> memref<100000x64xf32, #tpu.memory_space<hbm>>
    tpu.enqueue_indirect_dma source(%dma_start3A_25 : memref<100000x64xf32, #tpu.memory_space<hbm>>) target(%dma_start3A_19 : memref<50x64xf32, #tpu.memory_space<vmem>>) offsets(%dma_start3A_22 : memref<50xi32, #tpu.memory_space<vmem>>) semaphore(%arg8 : memref<!tpu.dma_semaphore, #tpu.memory_space<semaphore_mem>>)
    %dma_start3A_26 = arith.constant 2 : i32
    %dma_start3A_27 = arith.constant 2 : i32
    %dma_start3A_28 = arith.constant 0 : i32
    %dma_start3A_29 = arith.constant 0 : i32
    %dma_start3A_30 = tpu.memref_slice %arg6[%dma_start3A_27, %dma_start3A_28, %dma_start3A_29] : memref<32x50x64xf32, #tpu.memory_space<vmem>> -> memref<1x50x64xf32, #tpu.memory_space<vmem>>
    %dma_start3A_31 = tpu.memref_squeeze %dma_start3A_30 : memref<1x50x64xf32, #tpu.memory_space<vmem>> -> memref<50x64xf32, #tpu.memory_space<vmem>>
    %dma_start3A_32 = arith.constant 0 : i32
    %dma_start3A_33 = tpu.memref_slice %arg5[%dma_start3A_26, %dma_start3A_32] : memref<32x50xi32, #tpu.memory_space<vmem>> -> memref<1x50xi32, #tpu.memory_space<vmem>>
    %dma_start3A_34 = tpu.memref_squeeze %dma_start3A_33 : memref<1x50xi32, #tpu.memory_space<vmem>> -> memref<50xi32, #tpu.memory_space<vmem>>
    %dma_start3A_35 = arith.constant 0 : i32
    %dma_start3A_36 = arith.constant 0 : i32
    %dma_start3A_37 = tpu.memref_slice %arg3[%dma_start3A_35, %dma_start3A_36] : memref<100000x64xf32, #tpu.memory_space<hbm>> -> memref<100000x64xf32, #tpu.memory_space<hbm>>
    tpu.enqueue_indirect_dma source(%dma_start3A_37 : memref<100000x64xf32, #tpu.memory_space<hbm>>) target(%dma_start3A_31 : memref<50x64xf32, #tpu.memory_space<vmem>>) offsets(%dma_start3A_34 : memref<50xi32, #tpu.memory_space<vmem>>) semaphore(%arg8 : memref<!tpu.dma_semaphore, #tpu.memory_space<semaphore_mem>>)
    %dma_start3A_38 = arith.constant 3 : i32
    %dma_start3A_39 = arith.constant 3 : i32
    %dma_start3A_40 = arith.constant 0 : i32
    %dma_start3A_41 = arith.constant 0 : i32
    %dma_start3A_42 = tpu.memref_slice %arg6[%dma_start3A_39, %dma_start3A_40, %dma_start3A_41] : memref<32x50x64xf32, #tpu.memory_space<vmem>> -> memref<1x50x64xf32, #tpu.memory_space<vmem>>
    %dma_start3A_43 = tpu.memref_squeeze %dma_start3A_42 : memref<1x50x64xf32, #tpu.memory_space<vmem>> -> memref<50x64xf32, #tpu.memory_space<vmem>>
    %dma_start3A_44 = arith.constant 0 : i32
    %dma_start3A_45 = tpu.memref_slice %arg5[%dma_start3A_38, %dma_start3A_44] : memref<32x50xi32, #tpu.memory_space<vmem>> -> memref<1x50xi32, #tpu.memory_space<vmem>>
    %dma_start3A_46 = tpu.memref_squeeze %dma_start3A_45 : memref<1x50xi32, #tpu.memory_space<vmem>> -> memref<50xi32, #tpu.memory_space<vmem>>
    %dma_start3A_47 = arith.constant 0 : i32
    %dma_start3A_48 = arith.constant 0 : i32
    %dma_start3A_49 = tpu.memref_slice %arg3[%dma_start3A_47, %dma_start3A_48] : memref<100000x64xf32, #tpu.memory_space<hbm>> -> memref<100000x64xf32, #tpu.memory_space<hbm>>
    tpu.enqueue_indirect_dma source(%dma_start3A_49 : memref<100000x64xf32, #tpu.memory_space<hbm>>) target(%dma_start3A_43 : memref<50x64xf32, #tpu.memory_space<vmem>>) offsets(%dma_start3A_46 : memref<50xi32, #tpu.memory_space<vmem>>) semaphore(%arg8 : memref<!tpu.dma_semaphore, #tpu.memory_space<semaphore_mem>>)
    %dma_start3A_50 = arith.constant 4 : i32
    %dma_start3A_51 = arith.constant 4 : i32
    %dma_start3A_52 = arith.constant 0 : i32
    %dma_start3A_53 = arith.constant 0 : i32
    %dma_start3A_54 = tpu.memref_slice %arg6[%dma_start3A_51, %dma_start3A_52, %dma_start3A_53] : memref<32x50x64xf32, #tpu.memory_space<vmem>> -> memref<1x50x64xf32, #tpu.memory_space<vmem>>
    %dma_start3A_55 = tpu.memref_squeeze %dma_start3A_54 : memref<1x50x64xf32, #tpu.memory_space<vmem>> -> memref<50x64xf32, #tpu.memory_space<vmem>>
    %dma_start3A_56 = arith.constant 0 : i32
    %dma_start3A_57 = tpu.memref_slice %arg5[%dma_start3A_50, %dma_start3A_56] : memref<32x50xi32, #tpu.memory_space<vmem>> -> memref<1x50xi32, #tpu.memory_space<vmem>>
    %dma_start3A_58 = tpu.memref_squeeze %dma_start3A_57 : memref<1x50xi32, #tpu.memory_space<vmem>> -> memref<50xi32, #tpu.memory_space<vmem>>
    %dma_start3A_59 = arith.constant 0 : i32
    %dma_start3A_60 = arith.constant 0 : i32
    %dma_start3A_61 = tpu.memref_slice %arg3[%dma_start3A_59, %dma_start3A_60] : memref<100000x64xf32, #tpu.memory_space<hbm>> -> memref<100000x64xf32, #tpu.memory_space<hbm>>
    tpu.enqueue_indirect_dma source(%dma_start3A_61 : memref<100000x64xf32, #tpu.memory_space<hbm>>) target(%dma_start3A_55 : memref<50x64xf32, #tpu.memory_space<vmem>>) offsets(%dma_start3A_58 : memref<50xi32, #tpu.memory_space<vmem>>) semaphore(%arg8 : memref<!tpu.dma_semaphore, #tpu.memory_space<semaphore_mem>>)
    %dma_start3A_62 = arith.constant 5 : i32
    %dma_start3A_63 = arith.constant 5 : i32
    %dma_start3A_64 = arith.constant 0 : i32
    %dma_start3A_65 = arith.constant 0 : i32
    %dma_start3A_66 = tpu.memref_slice %arg6[%dma_start3A_63, %dma_start3A_64, %dma_start3A_65] : memref<32x50x64xf32, #tpu.memory_space<vmem>> -> memref<1x50x64xf32, #tpu.memory_space<vmem>>
    %dma_start3A_67 = tpu.memref_squeeze %dma_start3A_66 : memref<1x50x64xf32, #tpu.memory_space<vmem>> -> memref<50x64xf32, #tpu.memory_space<vmem>>
    %dma_start3A_68 = arith.constant 0 : i32
    %dma_start3A_69 = tpu.memref_slice %arg5[%dma_start3A_62, %dma_start3A_68] : memref<32x50xi32, #tpu.memory_space<vmem>> -> memref<1x50xi32, #tpu.memory_space<vmem>>
    %dma_start3A_70 = tpu.memref_squeeze %dma_start3A_69 : memref<1x50xi32, #tpu.memory_space<vmem>> -> memref<50xi32, #tpu.memory_space<vmem>>
    %dma_start3A_71 = arith.constant 0 : i32
    %dma_start3A_72 = arith.constant 0 : i32
    %dma_start3A_73 = tpu.memref_slice %arg3[%dma_start3A_71, %dma_start3A_72] : memref<100000x64xf32, #tpu.memory_space<hbm>> -> memref<100000x64xf32, #tpu.memory_space<hbm>>
    tpu.enqueue_indirect_dma source(%dma_start3A_73 : memref<100000x64xf32, #tpu.memory_space<hbm>>) target(%dma_start3A_67 : memref<50x64xf32, #tpu.memory_space<vmem>>) offsets(%dma_start3A_70 : memref<50xi32, #tpu.memory_space<vmem>>) semaphore(%arg8 : memref<!tpu.dma_semaphore, #tpu.memory_space<semaphore_mem>>)
    %dma_start3A_74 = arith.constant 6 : i32
    %dma_start3A_75 = arith.constant 6 : i32
    %dma_start3A_76 = arith.constant 0 : i32
    %dma_start3A_77 = arith.constant 0 : i32
    %dma_start3A_78 = tpu.memref_slice %arg6[%dma_start3A_75, %dma_start3A_76, %dma_start3A_77] : memref<32x50x64xf32, #tpu.memory_space<vmem>> -> memref<1x50x64xf32, #tpu.memory_space<vmem>>
    %dma_start3A_79 = tpu.memref_squeeze %dma_start3A_78 : memref<1x50x64xf32, #tpu.memory_space<vmem>> -> memref<50x64xf32, #tpu.memory_space<vmem>>
    %dma_start3A_80 = arith.constant 0 : i32
    %dma_start3A_81 = tpu.memref_slice %arg5[%dma_start3A_74, %dma_start3A_80] : memref<32x50xi32, #tpu.memory_space<vmem>> -> memref<1x50xi32, #tpu.memory_space<vmem>>
    %dma_start3A_82 = tpu.memref_squeeze %dma_start3A_81 : memref<1x50xi32, #tpu.memory_space<vmem>> -> memref<50xi32, #tpu.memory_space<vmem>>
    %dma_start3A_83 = arith.constant 0 : i32
    %dma_start3A_84 = arith.constant 0 : i32
    %dma_start3A_85 = tpu.memref_slice %arg3[%dma_start3A_83, %dma_start3A_84] : memref<100000x64xf32, #tpu.memory_space<hbm>> -> memref<100000x64xf32, #tpu.memory_space<hbm>>
    tpu.enqueue_indirect_dma source(%dma_start3A_85 : memref<100000x64xf32, #tpu.memory_space<hbm>>) target(%dma_start3A_79 : memref<50x64xf32, #tpu.memory_space<vmem>>) offsets(%dma_start3A_82 : memref<50xi32, #tpu.memory_space<vmem>>) semaphore(%arg8 : memref<!tpu.dma_semaphore, #tpu.memory_space<semaphore_mem>>)
    %dma_start3A_86 = arith.constant 7 : i32
    %dma_start3A_87 = arith.constant 7 : i32
    %dma_start3A_88 = arith.constant 0 : i32
    %dma_start3A_89 = arith.constant 0 : i32
    %dma_start3A_90 = tpu.memref_slice %arg6[%dma_start3A_87, %dma_start3A_88, %dma_start3A_89] : memref<32x50x64xf32, #tpu.memory_space<vmem>> -> memref<1x50x64xf32, #tpu.memory_space<vmem>>
    %dma_start3A_91 = tpu.memref_squeeze %dma_start3A_90 : memref<1x50x64xf32, #tpu.memory_space<vmem>> -> memref<50x64xf32, #tpu.memory_space<vmem>>
    %dma_start3A_92 = arith.constant 0 : i32
    %dma_start3A_93 = tpu.memref_slice %arg5[%dma_start3A_86, %dma_start3A_92] : memref<32x50xi32, #tpu.memory_space<vmem>> -> memref<1x50xi32, #tpu.memory_space<vmem>>
    %dma_start3A_94 = tpu.memref_squeeze %dma_start3A_93 : memref<1x50xi32, #tpu.memory_space<vmem>> -> memref<50xi32, #tpu.memory_space<vmem>>
    %dma_start3A_95 = arith.constant 0 : i32
    %dma_start3A_96 = arith.constant 0 : i32
    %dma_start3A_97 = tpu.memref_slice %arg3[%dma_start3A_95, %dma_start3A_96] : memref<100000x64xf32, #tpu.memory_space<hbm>> -> memref<100000x64xf32, #tpu.memory_space<hbm>>
    tpu.enqueue_indirect_dma source(%dma_start3A_97 : memref<100000x64xf32, #tpu.memory_space<hbm>>) target(%dma_start3A_91 : memref<50x64xf32, #tpu.memory_space<vmem>>) offsets(%dma_start3A_94 : memref<50xi32, #tpu.memory_space<vmem>>) semaphore(%arg8 : memref<!tpu.dma_semaphore, #tpu.memory_space<semaphore_mem>>)
    %dma_wait3A = arith.constant 0 : i32
    %dma_wait3A_98 = arith.constant 0 : i32
    %dma_wait3A_99 = arith.constant 0 : i32
    %dma_wait3A_100 = arith.constant 0 : i32
    %dma_wait3A_101 = tpu.memref_slice %arg6[%dma_wait3A_98, %dma_wait3A_99, %dma_wait3A_100] : memref<32x50x64xf32, #tpu.memory_space<vmem>> -> memref<1x50x64xf32, #tpu.memory_space<vmem>>
    %dma_wait3A_102 = tpu.memref_squeeze %dma_wait3A_101 : memref<1x50x64xf32, #tpu.memory_space<vmem>> -> memref<50x64xf32, #tpu.memory_space<vmem>>
    %dma_wait3A_103 = arith.constant 0 : i32
    %dma_wait3A_104 = tpu.memref_slice %arg5[%dma_wait3A, %dma_wait3A_103] : memref<32x50xi32, #tpu.memory_space<vmem>> -> memref<1x50xi32, #tpu.memory_space<vmem>>
    %dma_wait3A_105 = tpu.memref_squeeze %dma_wait3A_104 : memref<1x50xi32, #tpu.memory_space<vmem>> -> memref<50xi32, #tpu.memory_space<vmem>>
    %dma_wait3A_106 = arith.constant 0 : i32
    %dma_wait3A_107 = arith.constant 0 : i32
    %dma_wait3A_108 = tpu.memref_slice %arg3[%dma_wait3A_106, %dma_wait3A_107] : memref<100000x64xf32, #tpu.memory_space<hbm>> -> memref<100000x64xf32, #tpu.memory_space<hbm>>
    tpu.wait_indirect_dma semaphore(%arg8 : memref<!tpu.dma_semaphore, #tpu.memory_space<semaphore_mem>>) src(%dma_wait3A_108 : memref<100000x64xf32, #tpu.memory_space<hbm>>) dst(%dma_wait3A_102 : memref<50x64xf32, #tpu.memory_space<vmem>>)
    %dma_wait3A_109 = arith.constant 1 : i32
    %dma_wait3A_110 = arith.constant 1 : i32
    %dma_wait3A_111 = arith.constant 0 : i32
    %dma_wait3A_112 = arith.constant 0 : i32
    %dma_wait3A_113 = tpu.memref_slice %arg6[%dma_wait3A_110, %dma_wait3A_111, %dma_wait3A_112] : memref<32x50x64xf32, #tpu.memory_space<vmem>> -> memref<1x50x64xf32, #tpu.memory_space<vmem>>
    %dma_wait3A_114 = tpu.memref_squeeze %dma_wait3A_113 : memref<1x50x64xf32, #tpu.memory_space<vmem>> -> memref<50x64xf32, #tpu.memory_space<vmem>>
    %dma_wait3A_115 = arith.constant 0 : i32
    %dma_wait3A_116 = tpu.memref_slice %arg5[%dma_wait3A_109, %dma_wait3A_115] : memref<32x50xi32, #tpu.memory_space<vmem>> -> memref<1x50xi32, #tpu.memory_space<vmem>>
    %dma_wait3A_117 = tpu.memref_squeeze %dma_wait3A_116 : memref<1x50xi32, #tpu.memory_space<vmem>> -> memref<50xi32, #tpu.memory_space<vmem>>
    %dma_wait3A_118 = arith.constant 0 : i32
    %dma_wait3A_119 = arith.constant 0 : i32
    %dma_wait3A_120 = tpu.memref_slice %arg3[%dma_wait3A_118, %dma_wait3A_119] : memref<100000x64xf32, #tpu.memory_space<hbm>> -> memref<100000x64xf32, #tpu.memory_space<hbm>>
    tpu.wait_indirect_dma semaphore(%arg8 : memref<!tpu.dma_semaphore, #tpu.memory_space<semaphore_mem>>) src(%dma_wait3A_120 : memref<100000x64xf32, #tpu.memory_space<hbm>>) dst(%dma_wait3A_114 : memref<50x64xf32, #tpu.memory_space<vmem>>)
    %dma_wait3A_121 = arith.constant 2 : i32
    %dma_wait3A_122 = arith.constant 2 : i32
    %dma_wait3A_123 = arith.constant 0 : i32
    %dma_wait3A_124 = arith.constant 0 : i32
    %dma_wait3A_125 = tpu.memref_slice %arg6[%dma_wait3A_122, %dma_wait3A_123, %dma_wait3A_124] : memref<32x50x64xf32, #tpu.memory_space<vmem>> -> memref<1x50x64xf32, #tpu.memory_space<vmem>>
    %dma_wait3A_126 = tpu.memref_squeeze %dma_wait3A_125 : memref<1x50x64xf32, #tpu.memory_space<vmem>> -> memref<50x64xf32, #tpu.memory_space<vmem>>
    %dma_wait3A_127 = arith.constant 0 : i32
    %dma_wait3A_128 = tpu.memref_slice %arg5[%dma_wait3A_121, %dma_wait3A_127] : memref<32x50xi32, #tpu.memory_space<vmem>> -> memref<1x50xi32, #tpu.memory_space<vmem>>
    %dma_wait3A_129 = tpu.memref_squeeze %dma_wait3A_128 : memref<1x50xi32, #tpu.memory_space<vmem>> -> memref<50xi32, #tpu.memory_space<vmem>>
    %dma_wait3A_130 = arith.constant 0 : i32
    %dma_wait3A_131 = arith.constant 0 : i32
    %dma_wait3A_132 = tpu.memref_slice %arg3[%dma_wait3A_130, %dma_wait3A_131] : memref<100000x64xf32, #tpu.memory_space<hbm>> -> memref<100000x64xf32, #tpu.memory_space<hbm>>
    tpu.wait_indirect_dma semaphore(%arg8 : memref<!tpu.dma_semaphore, #tpu.memory_space<semaphore_mem>>) src(%dma_wait3A_132 : memref<100000x64xf32, #tpu.memory_space<hbm>>) dst(%dma_wait3A_126 : memref<50x64xf32, #tpu.memory_space<vmem>>)
    %dma_wait3A_133 = arith.constant 3 : i32
    %dma_wait3A_134 = arith.constant 3 : i32
    %dma_wait3A_135 = arith.constant 0 : i32
    %dma_wait3A_136 = arith.constant 0 : i32
    %dma_wait3A_137 = tpu.memref_slice %arg6[%dma_wait3A_134, %dma_wait3A_135, %dma_wait3A_136] : memref<32x50x64xf32, #tpu.memory_space<vmem>> -> memref<1x50x64xf32, #tpu.memory_space<vmem>>
    %dma_wait3A_138 = tpu.memref_squeeze %dma_wait3A_137 : memref<1x50x64xf32, #tpu.memory_space<vmem>> -> memref<50x64xf32, #tpu.memory_space<vmem>>
    %dma_wait3A_139 = arith.constant 0 : i32
    %dma_wait3A_140 = tpu.memref_slice %arg5[%dma_wait3A_133, %dma_wait3A_139] : memref<32x50xi32, #tpu.memory_space<vmem>> -> memref<1x50xi32, #tpu.memory_space<vmem>>
    %dma_wait3A_141 = tpu.memref_squeeze %dma_wait3A_140 : memref<1x50xi32, #tpu.memory_space<vmem>> -> memref<50xi32, #tpu.memory_space<vmem>>
    %dma_wait3A_142 = arith.constant 0 : i32
    %dma_wait3A_143 = arith.constant 0 : i32
    %dma_wait3A_144 = tpu.memref_slice %arg3[%dma_wait3A_142, %dma_wait3A_143] : memref<100000x64xf32, #tpu.memory_space<hbm>> -> memref<100000x64xf32, #tpu.memory_space<hbm>>
    tpu.wait_indirect_dma semaphore(%arg8 : memref<!tpu.dma_semaphore, #tpu.memory_space<semaphore_mem>>) src(%dma_wait3A_144 : memref<100000x64xf32, #tpu.memory_space<hbm>>) dst(%dma_wait3A_138 : memref<50x64xf32, #tpu.memory_space<vmem>>)
    %dma_wait3A_145 = arith.constant 4 : i32
    %dma_wait3A_146 = arith.constant 4 : i32
    %dma_wait3A_147 = arith.constant 0 : i32
    %dma_wait3A_148 = arith.constant 0 : i32
    %dma_wait3A_149 = tpu.memref_slice %arg6[%dma_wait3A_146, %dma_wait3A_147, %dma_wait3A_148] : memref<32x50x64xf32, #tpu.memory_space<vmem>> -> memref<1x50x64xf32, #tpu.memory_space<vmem>>
    %dma_wait3A_150 = tpu.memref_squeeze %dma_wait3A_149 : memref<1x50x64xf32, #tpu.memory_space<vmem>> -> memref<50x64xf32, #tpu.memory_space<vmem>>
    %dma_wait3A_151 = arith.constant 0 : i32
    %dma_wait3A_152 = tpu.memref_slice %arg5[%dma_wait3A_145, %dma_wait3A_151] : memref<32x50xi32, #tpu.memory_space<vmem>> -> memref<1x50xi32, #tpu.memory_space<vmem>>
    %dma_wait3A_153 = tpu.memref_squeeze %dma_wait3A_152 : memref<1x50xi32, #tpu.memory_space<vmem>> -> memref<50xi32, #tpu.memory_space<vmem>>
    %dma_wait3A_154 = arith.constant 0 : i32
    %dma_wait3A_155 = arith.constant 0 : i32
    %dma_wait3A_156 = tpu.memref_slice %arg3[%dma_wait3A_154, %dma_wait3A_155] : memref<100000x64xf32, #tpu.memory_space<hbm>> -> memref<100000x64xf32, #tpu.memory_space<hbm>>
    tpu.wait_indirect_dma semaphore(%arg8 : memref<!tpu.dma_semaphore, #tpu.memory_space<semaphore_mem>>) src(%dma_wait3A_156 : memref<100000x64xf32, #tpu.memory_space<hbm>>) dst(%dma_wait3A_150 : memref<50x64xf32, #tpu.memory_space<vmem>>)
    %dma_wait3A_157 = arith.constant 5 : i32
    %dma_wait3A_158 = arith.constant 5 : i32
    %dma_wait3A_159 = arith.constant 0 : i32
    %dma_wait3A_160 = arith.constant 0 : i32
    %dma_wait3A_161 = tpu.memref_slice %arg6[%dma_wait3A_158, %dma_wait3A_159, %dma_wait3A_160] : memref<32x50x64xf32, #tpu.memory_space<vmem>> -> memref<1x50x64xf32, #tpu.memory_space<vmem>>
    %dma_wait3A_162 = tpu.memref_squeeze %dma_wait3A_161 : memref<1x50x64xf32, #tpu.memory_space<vmem>> -> memref<50x64xf32, #tpu.memory_space<vmem>>
    %dma_wait3A_163 = arith.constant 0 : i32
    %dma_wait3A_164 = tpu.memref_slice %arg5[%dma_wait3A_157, %dma_wait3A_163] : memref<32x50xi32, #tpu.memory_space<vmem>> -> memref<1x50xi32, #tpu.memory_space<vmem>>
    %dma_wait3A_165 = tpu.memref_squeeze %dma_wait3A_164 : memref<1x50xi32, #tpu.memory_space<vmem>> -> memref<50xi32, #tpu.memory_space<vmem>>
    %dma_wait3A_166 = arith.constant 0 : i32
    %dma_wait3A_167 = arith.constant 0 : i32
    %dma_wait3A_168 = tpu.memref_slice %arg3[%dma_wait3A_166, %dma_wait3A_167] : memref<100000x64xf32, #tpu.memory_space<hbm>> -> memref<100000x64xf32, #tpu.memory_space<hbm>>
    tpu.wait_indirect_dma semaphore(%arg8 : memref<!tpu.dma_semaphore, #tpu.memory_space<semaphore_mem>>) src(%dma_wait3A_168 : memref<100000x64xf32, #tpu.memory_space<hbm>>) dst(%dma_wait3A_162 : memref<50x64xf32, #tpu.memory_space<vmem>>)
    %dma_wait3A_169 = arith.constant 6 : i32
    %dma_wait3A_170 = arith.constant 6 : i32
    %dma_wait3A_171 = arith.constant 0 : i32
    %dma_wait3A_172 = arith.constant 0 : i32
    %dma_wait3A_173 = tpu.memref_slice %arg6[%dma_wait3A_170, %dma_wait3A_171, %dma_wait3A_172] : memref<32x50x64xf32, #tpu.memory_space<vmem>> -> memref<1x50x64xf32, #tpu.memory_space<vmem>>
    %dma_wait3A_174 = tpu.memref_squeeze %dma_wait3A_173 : memref<1x50x64xf32, #tpu.memory_space<vmem>> -> memref<50x64xf32, #tpu.memory_space<vmem>>
    %dma_wait3A_175 = arith.constant 0 : i32
    %dma_wait3A_176 = tpu.memref_slice %arg5[%dma_wait3A_169, %dma_wait3A_175] : memref<32x50xi32, #tpu.memory_space<vmem>> -> memref<1x50xi32, #tpu.memory_space<vmem>>
    %dma_wait3A_177 = tpu.memref_squeeze %dma_wait3A_176 : memref<1x50xi32, #tpu.memory_space<vmem>> -> memref<50xi32, #tpu.memory_space<vmem>>
    %dma_wait3A_178 = arith.constant 0 : i32
    %dma_wait3A_179 = arith.constant 0 : i32
    %dma_wait3A_180 = tpu.memref_slice %arg3[%dma_wait3A_178, %dma_wait3A_179] : memref<100000x64xf32, #tpu.memory_space<hbm>> -> memref<100000x64xf32, #tpu.memory_space<hbm>>
    tpu.wait_indirect_dma semaphore(%arg8 : memref<!tpu.dma_semaphore, #tpu.memory_space<semaphore_mem>>) src(%dma_wait3A_180 : memref<100000x64xf32, #tpu.memory_space<hbm>>) dst(%dma_wait3A_174 : memref<50x64xf32, #tpu.memory_space<vmem>>)
    %dma_wait3A_181 = arith.constant 7 : i32
    %dma_wait3A_182 = arith.constant 7 : i32
    %dma_wait3A_183 = arith.constant 0 : i32
    %dma_wait3A_184 = arith.constant 0 : i32
    %dma_wait3A_185 = tpu.memref_slice %arg6[%dma_wait3A_182, %dma_wait3A_183, %dma_wait3A_184] : memref<32x50x64xf32, #tpu.memory_space<vmem>> -> memref<1x50x64xf32, #tpu.memory_space<vmem>>
    %dma_wait3A_186 = tpu.memref_squeeze %dma_wait3A_185 : memref<1x50x64xf32, #tpu.memory_space<vmem>> -> memref<50x64xf32, #tpu.memory_space<vmem>>
    %dma_wait3A_187 = arith.constant 0 : i32
    %dma_wait3A_188 = tpu.memref_slice %arg5[%dma_wait3A_181, %dma_wait3A_187] : memref<32x50xi32, #tpu.memory_space<vmem>> -> memref<1x50xi32, #tpu.memory_space<vmem>>
    %dma_wait3A_189 = tpu.memref_squeeze %dma_wait3A_188 : memref<1x50xi32, #tpu.memory_space<vmem>> -> memref<50xi32, #tpu.memory_space<vmem>>
    %dma_wait3A_190 = arith.constant 0 : i32
    %dma_wait3A_191 = arith.constant 0 : i32
    %dma_wait3A_192 = tpu.memref_slice %arg3[%dma_wait3A_190, %dma_wait3A_191] : memref<100000x64xf32, #tpu.memory_space<hbm>> -> memref<100000x64xf32, #tpu.memory_space<hbm>>
    tpu.wait_indirect_dma semaphore(%arg8 : memref<!tpu.dma_semaphore, #tpu.memory_space<semaphore_mem>>) src(%dma_wait3A_192 : memref<100000x64xf32, #tpu.memory_space<hbm>>) dst(%dma_wait3A_186 : memref<50x64xf32, #tpu.memory_space<vmem>>)
    %dma_start3A_193 = arith.constant 8 : i32
    %dma_start3A_194 = arith.constant 8 : i32
    %dma_start3A_195 = arith.constant 0 : i32
    %dma_start3A_196 = arith.constant 0 : i32
    %dma_start3A_197 = tpu.memref_slice %arg6[%dma_start3A_194, %dma_start3A_195, %dma_start3A_196] : memref<32x50x64xf32, #tpu.memory_space<vmem>> -> memref<1x50x64xf32, #tpu.memory_space<vmem>>
    %dma_start3A_198 = tpu.memref_squeeze %dma_start3A_197 : memref<1x50x64xf32, #tpu.memory_space<vmem>> -> memref<50x64xf32, #tpu.memory_space<vmem>>
    %dma_start3A_199 = arith.constant 0 : i32
    %dma_start3A_200 = tpu.memref_slice %arg5[%dma_start3A_193, %dma_start3A_199] : memref<32x50xi32, #tpu.memory_space<vmem>> -> memref<1x50xi32, #tpu.memory_space<vmem>>
    %dma_start3A_201 = tpu.memref_squeeze %dma_start3A_200 : memref<1x50xi32, #tpu.memory_space<vmem>> -> memref<50xi32, #tpu.memory_space<vmem>>
    %dma_start3A_202 = arith.constant 0 : i32
    %dma_start3A_203 = arith.constant 0 : i32
    %dma_start3A_204 = tpu.memref_slice %arg3[%dma_start3A_202, %dma_start3A_203] : memref<100000x64xf32, #tpu.memory_space<hbm>> -> memref<100000x64xf32, #tpu.memory_space<hbm>>
    tpu.enqueue_indirect_dma source(%dma_start3A_204 : memref<100000x64xf32, #tpu.memory_space<hbm>>) target(%dma_start3A_198 : memref<50x64xf32, #tpu.memory_space<vmem>>) offsets(%dma_start3A_201 : memref<50xi32, #tpu.memory_space<vmem>>) semaphore(%arg8 : memref<!tpu.dma_semaphore, #tpu.memory_space<semaphore_mem>>)
    %dma_start3A_205 = arith.constant 9 : i32
    %dma_start3A_206 = arith.constant 9 : i32
    %dma_start3A_207 = arith.constant 0 : i32
    %dma_start3A_208 = arith.constant 0 : i32
    %dma_start3A_209 = tpu.memref_slice %arg6[%dma_start3A_206, %dma_start3A_207, %dma_start3A_208] : memref<32x50x64xf32, #tpu.memory_space<vmem>> -> memref<1x50x64xf32, #tpu.memory_space<vmem>>
    %dma_start3A_210 = tpu.memref_squeeze %dma_start3A_209 : memref<1x50x64xf32, #tpu.memory_space<vmem>> -> memref<50x64xf32, #tpu.memory_space<vmem>>
    %dma_start3A_211 = arith.constant 0 : i32
    %dma_start3A_212 = tpu.memref_slice %arg5[%dma_start3A_205, %dma_start3A_211] : memref<32x50xi32, #tpu.memory_space<vmem>> -> memref<1x50xi32, #tpu.memory_space<vmem>>
    %dma_start3A_213 = tpu.memref_squeeze %dma_start3A_212 : memref<1x50xi32, #tpu.memory_space<vmem>> -> memref<50xi32, #tpu.memory_space<vmem>>
    %dma_start3A_214 = arith.constant 0 : i32
    %dma_start3A_215 = arith.constant 0 : i32
    %dma_start3A_216 = tpu.memref_slice %arg3[%dma_start3A_214, %dma_start3A_215] : memref<100000x64xf32, #tpu.memory_space<hbm>> -> memref<100000x64xf32, #tpu.memory_space<hbm>>
    tpu.enqueue_indirect_dma source(%dma_start3A_216 : memref<100000x64xf32, #tpu.memory_space<hbm>>) target(%dma_start3A_210 : memref<50x64xf32, #tpu.memory_space<vmem>>) offsets(%dma_start3A_213 : memref<50xi32, #tpu.memory_space<vmem>>) semaphore(%arg8 : memref<!tpu.dma_semaphore, #tpu.memory_space<semaphore_mem>>)
    %dma_start3A_217 = arith.constant 10 : i32
    %dma_start3A_218 = arith.constant 10 : i32
    %dma_start3A_219 = arith.constant 0 : i32
    %dma_start3A_220 = arith.constant 0 : i32
    %dma_start3A_221 = tpu.memref_slice %arg6[%dma_start3A_218, %dma_start3A_219, %dma_start3A_220] : memref<32x50x64xf32, #tpu.memory_space<vmem>> -> memref<1x50x64xf32, #tpu.memory_space<vmem>>
    %dma_start3A_222 = tpu.memref_squeeze %dma_start3A_221 : memref<1x50x64xf32, #tpu.memory_space<vmem>> -> memref<50x64xf32, #tpu.memory_space<vmem>>
    %dma_start3A_223 = arith.constant 0 : i32
    %dma_start3A_224 = tpu.memref_slice %arg5[%dma_start3A_217, %dma_start3A_223] : memref<32x50xi32, #tpu.memory_space<vmem>> -> memref<1x50xi32, #tpu.memory_space<vmem>>
    %dma_start3A_225 = tpu.memref_squeeze %dma_start3A_224 : memref<1x50xi32, #tpu.memory_space<vmem>> -> memref<50xi32, #tpu.memory_space<vmem>>
    %dma_start3A_226 = arith.constant 0 : i32
    %dma_start3A_227 = arith.constant 0 : i32
    %dma_start3A_228 = tpu.memref_slice %arg3[%dma_start3A_226, %dma_start3A_227] : memref<100000x64xf32, #tpu.memory_space<hbm>> -> memref<100000x64xf32, #tpu.memory_space<hbm>>
    tpu.enqueue_indirect_dma source(%dma_start3A_228 : memref<100000x64xf32, #tpu.memory_space<hbm>>) target(%dma_start3A_222 : memref<50x64xf32, #tpu.memory_space<vmem>>) offsets(%dma_start3A_225 : memref<50xi32, #tpu.memory_space<vmem>>) semaphore(%arg8 : memref<!tpu.dma_semaphore, #tpu.memory_space<semaphore_mem>>)
    %dma_start3A_229 = arith.constant 11 : i32
    %dma_start3A_230 = arith.constant 11 : i32
    %dma_start3A_231 = arith.constant 0 : i32
    %dma_start3A_232 = arith.constant 0 : i32
    %dma_start3A_233 = tpu.memref_slice %arg6[%dma_start3A_230, %dma_start3A_231, %dma_start3A_232] : memref<32x50x64xf32, #tpu.memory_space<vmem>> -> memref<1x50x64xf32, #tpu.memory_space<vmem>>
    %dma_start3A_234 = tpu.memref_squeeze %dma_start3A_233 : memref<1x50x64xf32, #tpu.memory_space<vmem>> -> memref<50x64xf32, #tpu.memory_space<vmem>>
    %dma_start3A_235 = arith.constant 0 : i32
    %dma_start3A_236 = tpu.memref_slice %arg5[%dma_start3A_229, %dma_start3A_235] : memref<32x50xi32, #tpu.memory_space<vmem>> -> memref<1x50xi32, #tpu.memory_space<vmem>>
    %dma_start3A_237 = tpu.memref_squeeze %dma_start3A_236 : memref<1x50xi32, #tpu.memory_space<vmem>> -> memref<50xi32, #tpu.memory_space<vmem>>
    %dma_start3A_238 = arith.constant 0 : i32
    %dma_start3A_239 = arith.constant 0 : i32
    %dma_start3A_240 = tpu.memref_slice %arg3[%dma_start3A_238, %dma_start3A_239] : memref<100000x64xf32, #tpu.memory_space<hbm>> -> memref<100000x64xf32, #tpu.memory_space<hbm>>
    tpu.enqueue_indirect_dma source(%dma_start3A_240 : memref<100000x64xf32, #tpu.memory_space<hbm>>) target(%dma_start3A_234 : memref<50x64xf32, #tpu.memory_space<vmem>>) offsets(%dma_start3A_237 : memref<50xi32, #tpu.memory_space<vmem>>) semaphore(%arg8 : memref<!tpu.dma_semaphore, #tpu.memory_space<semaphore_mem>>)
    %dma_start3A_241 = arith.constant 12 : i32
    %dma_start3A_242 = arith.constant 12 : i32
    %dma_start3A_243 = arith.constant 0 : i32
    %dma_start3A_244 = arith.constant 0 : i32
    %dma_start3A_245 = tpu.memref_slice %arg6[%dma_start3A_242, %dma_start3A_243, %dma_start3A_244] : memref<32x50x64xf32, #tpu.memory_space<vmem>> -> memref<1x50x64xf32, #tpu.memory_space<vmem>>
    %dma_start3A_246 = tpu.memref_squeeze %dma_start3A_245 : memref<1x50x64xf32, #tpu.memory_space<vmem>> -> memref<50x64xf32, #tpu.memory_space<vmem>>
    %dma_start3A_247 = arith.constant 0 : i32
    %dma_start3A_248 = tpu.memref_slice %arg5[%dma_start3A_241, %dma_start3A_247] : memref<32x50xi32, #tpu.memory_space<vmem>> -> memref<1x50xi32, #tpu.memory_space<vmem>>
    %dma_start3A_249 = tpu.memref_squeeze %dma_start3A_248 : memref<1x50xi32, #tpu.memory_space<vmem>> -> memref<50xi32, #tpu.memory_space<vmem>>
    %dma_start3A_250 = arith.constant 0 : i32
    %dma_start3A_251 = arith.constant 0 : i32
    %dma_start3A_252 = tpu.memref_slice %arg3[%dma_start3A_250, %dma_start3A_251] : memref<100000x64xf32, #tpu.memory_space<hbm>> -> memref<100000x64xf32, #tpu.memory_space<hbm>>
    tpu.enqueue_indirect_dma source(%dma_start3A_252 : memref<100000x64xf32, #tpu.memory_space<hbm>>) target(%dma_start3A_246 : memref<50x64xf32, #tpu.memory_space<vmem>>) offsets(%dma_start3A_249 : memref<50xi32, #tpu.memory_space<vmem>>) semaphore(%arg8 : memref<!tpu.dma_semaphore, #tpu.memory_space<semaphore_mem>>)
    %dma_start3A_253 = arith.constant 13 : i32
    %dma_start3A_254 = arith.constant 13 : i32
    %dma_start3A_255 = arith.constant 0 : i32
    %dma_start3A_256 = arith.constant 0 : i32
    %dma_start3A_257 = tpu.memref_slice %arg6[%dma_start3A_254, %dma_start3A_255, %dma_start3A_256] : memref<32x50x64xf32, #tpu.memory_space<vmem>> -> memref<1x50x64xf32, #tpu.memory_space<vmem>>
    %dma_start3A_258 = tpu.memref_squeeze %dma_start3A_257 : memref<1x50x64xf32, #tpu.memory_space<vmem>> -> memref<50x64xf32, #tpu.memory_space<vmem>>
    %dma_start3A_259 = arith.constant 0 : i32
    %dma_start3A_260 = tpu.memref_slice %arg5[%dma_start3A_253, %dma_start3A_259] : memref<32x50xi32, #tpu.memory_space<vmem>> -> memref<1x50xi32, #tpu.memory_space<vmem>>
    %dma_start3A_261 = tpu.memref_squeeze %dma_start3A_260 : memref<1x50xi32, #tpu.memory_space<vmem>> -> memref<50xi32, #tpu.memory_space<vmem>>
    %dma_start3A_262 = arith.constant 0 : i32
    %dma_start3A_263 = arith.constant 0 : i32
    %dma_start3A_264 = tpu.memref_slice %arg3[%dma_start3A_262, %dma_start3A_263] : memref<100000x64xf32, #tpu.memory_space<hbm>> -> memref<100000x64xf32, #tpu.memory_space<hbm>>
    tpu.enqueue_indirect_dma source(%dma_start3A_264 : memref<100000x64xf32, #tpu.memory_space<hbm>>) target(%dma_start3A_258 : memref<50x64xf32, #tpu.memory_space<vmem>>) offsets(%dma_start3A_261 : memref<50xi32, #tpu.memory_space<vmem>>) semaphore(%arg8 : memref<!tpu.dma_semaphore, #tpu.memory_space<semaphore_mem>>)
    %dma_start3A_265 = arith.constant 14 : i32
    %dma_start3A_266 = arith.constant 14 : i32
    %dma_start3A_267 = arith.constant 0 : i32
    %dma_start3A_268 = arith.constant 0 : i32
    %dma_start3A_269 = tpu.memref_slice %arg6[%dma_start3A_266, %dma_start3A_267, %dma_start3A_268] : memref<32x50x64xf32, #tpu.memory_space<vmem>> -> memref<1x50x64xf32, #tpu.memory_space<vmem>>
    %dma_start3A_270 = tpu.memref_squeeze %dma_start3A_269 : memref<1x50x64xf32, #tpu.memory_space<vmem>> -> memref<50x64xf32, #tpu.memory_space<vmem>>
    %dma_start3A_271 = arith.constant 0 : i32
    %dma_start3A_272 = tpu.memref_slice %arg5[%dma_start3A_265, %dma_start3A_271] : memref<32x50xi32, #tpu.memory_space<vmem>> -> memref<1x50xi32, #tpu.memory_space<vmem>>
    %dma_start3A_273 = tpu.memref_squeeze %dma_start3A_272 : memref<1x50xi32, #tpu.memory_space<vmem>> -> memref<50xi32, #tpu.memory_space<vmem>>
    %dma_start3A_274 = arith.constant 0 : i32
    %dma_start3A_275 = arith.constant 0 : i32
    %dma_start3A_276 = tpu.memref_slice %arg3[%dma_start3A_274, %dma_start3A_275] : memref<100000x64xf32, #tpu.memory_space<hbm>> -> memref<100000x64xf32, #tpu.memory_space<hbm>>
    tpu.enqueue_indirect_dma source(%dma_start3A_276 : memref<100000x64xf32, #tpu.memory_space<hbm>>) target(%dma_start3A_270 : memref<50x64xf32, #tpu.memory_space<vmem>>) offsets(%dma_start3A_273 : memref<50xi32, #tpu.memory_space<vmem>>) semaphore(%arg8 : memref<!tpu.dma_semaphore, #tpu.memory_space<semaphore_mem>>)
    %dma_start3A_277 = arith.constant 15 : i32
    %dma_start3A_278 = arith.constant 15 : i32
    %dma_start3A_279 = arith.constant 0 : i32
    %dma_start3A_280 = arith.constant 0 : i32
    %dma_start3A_281 = tpu.memref_slice %arg6[%dma_start3A_278, %dma_start3A_279, %dma_start3A_280] : memref<32x50x64xf32, #tpu.memory_space<vmem>> -> memref<1x50x64xf32, #tpu.memory_space<vmem>>
    %dma_start3A_282 = tpu.memref_squeeze %dma_start3A_281 : memref<1x50x64xf32, #tpu.memory_space<vmem>> -> memref<50x64xf32, #tpu.memory_space<vmem>>
    %dma_start3A_283 = arith.constant 0 : i32
    %dma_start3A_284 = tpu.memref_slice %arg5[%dma_start3A_277, %dma_start3A_283] : memref<32x50xi32, #tpu.memory_space<vmem>> -> memref<1x50xi32, #tpu.memory_space<vmem>>
    %dma_start3A_285 = tpu.memref_squeeze %dma_start3A_284 : memref<1x50xi32, #tpu.memory_space<vmem>> -> memref<50xi32, #tpu.memory_space<vmem>>
    %dma_start3A_286 = arith.constant 0 : i32
    %dma_start3A_287 = arith.constant 0 : i32
    %dma_start3A_288 = tpu.memref_slice %arg3[%dma_start3A_286, %dma_start3A_287] : memref<100000x64xf32, #tpu.memory_space<hbm>> -> memref<100000x64xf32, #tpu.memory_space<hbm>>
    tpu.enqueue_indirect_dma source(%dma_start3A_288 : memref<100000x64xf32, #tpu.memory_space<hbm>>) target(%dma_start3A_282 : memref<50x64xf32, #tpu.memory_space<vmem>>) offsets(%dma_start3A_285 : memref<50xi32, #tpu.memory_space<vmem>>) semaphore(%arg8 : memref<!tpu.dma_semaphore, #tpu.memory_space<semaphore_mem>>)
    %dma_wait3A_289 = arith.constant 8 : i32
    %dma_wait3A_290 = arith.constant 8 : i32
    %dma_wait3A_291 = arith.constant 0 : i32
    %dma_wait3A_292 = arith.constant 0 : i32
    %dma_wait3A_293 = tpu.memref_slice %arg6[%dma_wait3A_290, %dma_wait3A_291, %dma_wait3A_292] : memref<32x50x64xf32, #tpu.memory_space<vmem>> -> memref<1x50x64xf32, #tpu.memory_space<vmem>>
    %dma_wait3A_294 = tpu.memref_squeeze %dma_wait3A_293 : memref<1x50x64xf32, #tpu.memory_space<vmem>> -> memref<50x64xf32, #tpu.memory_space<vmem>>
    %dma_wait3A_295 = arith.constant 0 : i32
    %dma_wait3A_296 = tpu.memref_slice %arg5[%dma_wait3A_289, %dma_wait3A_295] : memref<32x50xi32, #tpu.memory_space<vmem>> -> memref<1x50xi32, #tpu.memory_space<vmem>>
    %dma_wait3A_297 = tpu.memref_squeeze %dma_wait3A_296 : memref<1x50xi32, #tpu.memory_space<vmem>> -> memref<50xi32, #tpu.memory_space<vmem>>
    %dma_wait3A_298 = arith.constant 0 : i32
    %dma_wait3A_299 = arith.constant 0 : i32
    %dma_wait3A_300 = tpu.memref_slice %arg3[%dma_wait3A_298, %dma_wait3A_299] : memref<100000x64xf32, #tpu.memory_space<hbm>> -> memref<100000x64xf32, #tpu.memory_space<hbm>>
    tpu.wait_indirect_dma semaphore(%arg8 : memref<!tpu.dma_semaphore, #tpu.memory_space<semaphore_mem>>) src(%dma_wait3A_300 : memref<100000x64xf32, #tpu.memory_space<hbm>>) dst(%dma_wait3A_294 : memref<50x64xf32, #tpu.memory_space<vmem>>)
    %dma_wait3A_301 = arith.constant 9 : i32
    %dma_wait3A_302 = arith.constant 9 : i32
    %dma_wait3A_303 = arith.constant 0 : i32
    %dma_wait3A_304 = arith.constant 0 : i32
    %dma_wait3A_305 = tpu.memref_slice %arg6[%dma_wait3A_302, %dma_wait3A_303, %dma_wait3A_304] : memref<32x50x64xf32, #tpu.memory_space<vmem>> -> memref<1x50x64xf32, #tpu.memory_space<vmem>>
    %dma_wait3A_306 = tpu.memref_squeeze %dma_wait3A_305 : memref<1x50x64xf32, #tpu.memory_space<vmem>> -> memref<50x64xf32, #tpu.memory_space<vmem>>
    %dma_wait3A_307 = arith.constant 0 : i32
    %dma_wait3A_308 = tpu.memref_slice %arg5[%dma_wait3A_301, %dma_wait3A_307] : memref<32x50xi32, #tpu.memory_space<vmem>> -> memref<1x50xi32, #tpu.memory_space<vmem>>
    %dma_wait3A_309 = tpu.memref_squeeze %dma_wait3A_308 : memref<1x50xi32, #tpu.memory_space<vmem>> -> memref<50xi32, #tpu.memory_space<vmem>>
    %dma_wait3A_310 = arith.constant 0 : i32
    %dma_wait3A_311 = arith.constant 0 : i32
    %dma_wait3A_312 = tpu.memref_slice %arg3[%dma_wait3A_310, %dma_wait3A_311] : memref<100000x64xf32, #tpu.memory_space<hbm>> -> memref<100000x64xf32, #tpu.memory_space<hbm>>
    tpu.wait_indirect_dma semaphore(%arg8 : memref<!tpu.dma_semaphore, #tpu.memory_space<semaphore_mem>>) src(%dma_wait3A_312 : memref<100000x64xf32, #tpu.memory_space<hbm>>) dst(%dma_wait3A_306 : memref<50x64xf32, #tpu.memory_space<vmem>>)
    %dma_wait3A_313 = arith.constant 10 : i32
    %dma_wait3A_314 = arith.constant 10 : i32
    %dma_wait3A_315 = arith.constant 0 : i32
    %dma_wait3A_316 = arith.constant 0 : i32
    %dma_wait3A_317 = tpu.memref_slice %arg6[%dma_wait3A_314, %dma_wait3A_315, %dma_wait3A_316] : memref<32x50x64xf32, #tpu.memory_space<vmem>> -> memref<1x50x64xf32, #tpu.memory_space<vmem>>
    %dma_wait3A_318 = tpu.memref_squeeze %dma_wait3A_317 : memref<1x50x64xf32, #tpu.memory_space<vmem>> -> memref<50x64xf32, #tpu.memory_space<vmem>>
    %dma_wait3A_319 = arith.constant 0 : i32
    %dma_wait3A_320 = tpu.memref_slice %arg5[%dma_wait3A_313, %dma_wait3A_319] : memref<32x50xi32, #tpu.memory_space<vmem>> -> memref<1x50xi32, #tpu.memory_space<vmem>>
    %dma_wait3A_321 = tpu.memref_squeeze %dma_wait3A_320 : memref<1x50xi32, #tpu.memory_space<vmem>> -> memref<50xi32, #tpu.memory_space<vmem>>
    %dma_wait3A_322 = arith.constant 0 : i32
    %dma_wait3A_323 = arith.constant 0 : i32
    %dma_wait3A_324 = tpu.memref_slice %arg3[%dma_wait3A_322, %dma_wait3A_323] : memref<100000x64xf32, #tpu.memory_space<hbm>> -> memref<100000x64xf32, #tpu.memory_space<hbm>>
    tpu.wait_indirect_dma semaphore(%arg8 : memref<!tpu.dma_semaphore, #tpu.memory_space<semaphore_mem>>) src(%dma_wait3A_324 : memref<100000x64xf32, #tpu.memory_space<hbm>>) dst(%dma_wait3A_318 : memref<50x64xf32, #tpu.memory_space<vmem>>)
    %dma_wait3A_325 = arith.constant 11 : i32
    %dma_wait3A_326 = arith.constant 11 : i32
    %dma_wait3A_327 = arith.constant 0 : i32
    %dma_wait3A_328 = arith.constant 0 : i32
    %dma_wait3A_329 = tpu.memref_slice %arg6[%dma_wait3A_326, %dma_wait3A_327, %dma_wait3A_328] : memref<32x50x64xf32, #tpu.memory_space<vmem>> -> memref<1x50x64xf32, #tpu.memory_space<vmem>>
    %dma_wait3A_330 = tpu.memref_squeeze %dma_wait3A_329 : memref<1x50x64xf32, #tpu.memory_space<vmem>> -> memref<50x64xf32, #tpu.memory_space<vmem>>
    %dma_wait3A_331 = arith.constant 0 : i32
    %dma_wait3A_332 = tpu.memref_slice %arg5[%dma_wait3A_325, %dma_wait3A_331] : memref<32x50xi32, #tpu.memory_space<vmem>> -> memref<1x50xi32, #tpu.memory_space<vmem>>
    %dma_wait3A_333 = tpu.memref_squeeze %dma_wait3A_332 : memref<1x50xi32, #tpu.memory_space<vmem>> -> memref<50xi32, #tpu.memory_space<vmem>>
    %dma_wait3A_334 = arith.constant 0 : i32
    %dma_wait3A_335 = arith.constant 0 : i32
    %dma_wait3A_336 = tpu.memref_slice %arg3[%dma_wait3A_334, %dma_wait3A_335] : memref<100000x64xf32, #tpu.memory_space<hbm>> -> memref<100000x64xf32, #tpu.memory_space<hbm>>
    tpu.wait_indirect_dma semaphore(%arg8 : memref<!tpu.dma_semaphore, #tpu.memory_space<semaphore_mem>>) src(%dma_wait3A_336 : memref<100000x64xf32, #tpu.memory_space<hbm>>) dst(%dma_wait3A_330 : memref<50x64xf32, #tpu.memory_space<vmem>>)
    %dma_wait3A_337 = arith.constant 12 : i32
    %dma_wait3A_338 = arith.constant 12 : i32
    %dma_wait3A_339 = arith.constant 0 : i32
    %dma_wait3A_340 = arith.constant 0 : i32
    %dma_wait3A_341 = tpu.memref_slice %arg6[%dma_wait3A_338, %dma_wait3A_339, %dma_wait3A_340] : memref<32x50x64xf32, #tpu.memory_space<vmem>> -> memref<1x50x64xf32, #tpu.memory_space<vmem>>
    %dma_wait3A_342 = tpu.memref_squeeze %dma_wait3A_341 : memref<1x50x64xf32, #tpu.memory_space<vmem>> -> memref<50x64xf32, #tpu.memory_space<vmem>>
    %dma_wait3A_343 = arith.constant 0 : i32
    %dma_wait3A_344 = tpu.memref_slice %arg5[%dma_wait3A_337, %dma_wait3A_343] : memref<32x50xi32, #tpu.memory_space<vmem>> -> memref<1x50xi32, #tpu.memory_space<vmem>>
    %dma_wait3A_345 = tpu.memref_squeeze %dma_wait3A_344 : memref<1x50xi32, #tpu.memory_space<vmem>> -> memref<50xi32, #tpu.memory_space<vmem>>
    %dma_wait3A_346 = arith.constant 0 : i32
    %dma_wait3A_347 = arith.constant 0 : i32
    %dma_wait3A_348 = tpu.memref_slice %arg3[%dma_wait3A_346, %dma_wait3A_347] : memref<100000x64xf32, #tpu.memory_space<hbm>> -> memref<100000x64xf32, #tpu.memory_space<hbm>>
    tpu.wait_indirect_dma semaphore(%arg8 : memref<!tpu.dma_semaphore, #tpu.memory_space<semaphore_mem>>) src(%dma_wait3A_348 : memref<100000x64xf32, #tpu.memory_space<hbm>>) dst(%dma_wait3A_342 : memref<50x64xf32, #tpu.memory_space<vmem>>)
    %dma_wait3A_349 = arith.constant 13 : i32
    %dma_wait3A_350 = arith.constant 13 : i32
    %dma_wait3A_351 = arith.constant 0 : i32
    %dma_wait3A_352 = arith.constant 0 : i32
    %dma_wait3A_353 = tpu.memref_slice %arg6[%dma_wait3A_350, %dma_wait3A_351, %dma_wait3A_352] : memref<32x50x64xf32, #tpu.memory_space<vmem>> -> memref<1x50x64xf32, #tpu.memory_space<vmem>>
    %dma_wait3A_354 = tpu.memref_squeeze %dma_wait3A_353 : memref<1x50x64xf32, #tpu.memory_space<vmem>> -> memref<50x64xf32, #tpu.memory_space<vmem>>
    %dma_wait3A_355 = arith.constant 0 : i32
    %dma_wait3A_356 = tpu.memref_slice %arg5[%dma_wait3A_349, %dma_wait3A_355] : memref<32x50xi32, #tpu.memory_space<vmem>> -> memref<1x50xi32, #tpu.memory_space<vmem>>
    %dma_wait3A_357 = tpu.memref_squeeze %dma_wait3A_356 : memref<1x50xi32, #tpu.memory_space<vmem>> -> memref<50xi32, #tpu.memory_space<vmem>>
    %dma_wait3A_358 = arith.constant 0 : i32
    %dma_wait3A_359 = arith.constant 0 : i32
    %dma_wait3A_360 = tpu.memref_slice %arg3[%dma_wait3A_358, %dma_wait3A_359] : memref<100000x64xf32, #tpu.memory_space<hbm>> -> memref<100000x64xf32, #tpu.memory_space<hbm>>
    tpu.wait_indirect_dma semaphore(%arg8 : memref<!tpu.dma_semaphore, #tpu.memory_space<semaphore_mem>>) src(%dma_wait3A_360 : memref<100000x64xf32, #tpu.memory_space<hbm>>) dst(%dma_wait3A_354 : memref<50x64xf32, #tpu.memory_space<vmem>>)
    %dma_wait3A_361 = arith.constant 14 : i32
    %dma_wait3A_362 = arith.constant 14 : i32
    %dma_wait3A_363 = arith.constant 0 : i32
    %dma_wait3A_364 = arith.constant 0 : i32
    %dma_wait3A_365 = tpu.memref_slice %arg6[%dma_wait3A_362, %dma_wait3A_363, %dma_wait3A_364] : memref<32x50x64xf32, #tpu.memory_space<vmem>> -> memref<1x50x64xf32, #tpu.memory_space<vmem>>
    %dma_wait3A_366 = tpu.memref_squeeze %dma_wait3A_365 : memref<1x50x64xf32, #tpu.memory_space<vmem>> -> memref<50x64xf32, #tpu.memory_space<vmem>>
    %dma_wait3A_367 = arith.constant 0 : i32
    %dma_wait3A_368 = tpu.memref_slice %arg5[%dma_wait3A_361, %dma_wait3A_367] : memref<32x50xi32, #tpu.memory_space<vmem>> -> memref<1x50xi32, #tpu.memory_space<vmem>>
    %dma_wait3A_369 = tpu.memref_squeeze %dma_wait3A_368 : memref<1x50xi32, #tpu.memory_space<vmem>> -> memref<50xi32, #tpu.memory_space<vmem>>
    %dma_wait3A_370 = arith.constant 0 : i32
    %dma_wait3A_371 = arith.constant 0 : i32
    %dma_wait3A_372 = tpu.memref_slice %arg3[%dma_wait3A_370, %dma_wait3A_371] : memref<100000x64xf32, #tpu.memory_space<hbm>> -> memref<100000x64xf32, #tpu.memory_space<hbm>>
    tpu.wait_indirect_dma semaphore(%arg8 : memref<!tpu.dma_semaphore, #tpu.memory_space<semaphore_mem>>) src(%dma_wait3A_372 : memref<100000x64xf32, #tpu.memory_space<hbm>>) dst(%dma_wait3A_366 : memref<50x64xf32, #tpu.memory_space<vmem>>)
    %dma_wait3A_373 = arith.constant 15 : i32
    %dma_wait3A_374 = arith.constant 15 : i32
    %dma_wait3A_375 = arith.constant 0 : i32
    %dma_wait3A_376 = arith.constant 0 : i32
    %dma_wait3A_377 = tpu.memref_slice %arg6[%dma_wait3A_374, %dma_wait3A_375, %dma_wait3A_376] : memref<32x50x64xf32, #tpu.memory_space<vmem>> -> memref<1x50x64xf32, #tpu.memory_space<vmem>>
    %dma_wait3A_378 = tpu.memref_squeeze %dma_wait3A_377 : memref<1x50x64xf32, #tpu.memory_space<vmem>> -> memref<50x64xf32, #tpu.memory_space<vmem>>
    %dma_wait3A_379 = arith.constant 0 : i32
    %dma_wait3A_380 = tpu.memref_slice %arg5[%dma_wait3A_373, %dma_wait3A_379] : memref<32x50xi32, #tpu.memory_space<vmem>> -> memref<1x50xi32, #tpu.memory_space<vmem>>
    %dma_wait3A_381 = tpu.memref_squeeze %dma_wait3A_380 : memref<1x50xi32, #tpu.memory_space<vmem>> -> memref<50xi32, #tpu.memory_space<vmem>>
    %dma_wait3A_382 = arith.constant 0 : i32
    %dma_wait3A_383 = arith.constant 0 : i32
    %dma_wait3A_384 = tpu.memref_slice %arg3[%dma_wait3A_382, %dma_wait3A_383] : memref<100000x64xf32, #tpu.memory_space<hbm>> -> memref<100000x64xf32, #tpu.memory_space<hbm>>
    tpu.wait_indirect_dma semaphore(%arg8 : memref<!tpu.dma_semaphore, #tpu.memory_space<semaphore_mem>>) src(%dma_wait3A_384 : memref<100000x64xf32, #tpu.memory_space<hbm>>) dst(%dma_wait3A_378 : memref<50x64xf32, #tpu.memory_space<vmem>>)
    %dma_start3A_385 = arith.constant 16 : i32
    %dma_start3A_386 = arith.constant 16 : i32
    %dma_start3A_387 = arith.constant 0 : i32
    %dma_start3A_388 = arith.constant 0 : i32
    %dma_start3A_389 = tpu.memref_slice %arg6[%dma_start3A_386, %dma_start3A_387, %dma_start3A_388] : memref<32x50x64xf32, #tpu.memory_space<vmem>> -> memref<1x50x64xf32, #tpu.memory_space<vmem>>
    %dma_start3A_390 = tpu.memref_squeeze %dma_start3A_389 : memref<1x50x64xf32, #tpu.memory_space<vmem>> -> memref<50x64xf32, #tpu.memory_space<vmem>>
    %dma_start3A_391 = arith.constant 0 : i32
    %dma_start3A_392 = tpu.memref_slice %arg5[%dma_start3A_385, %dma_start3A_391] : memref<32x50xi32, #tpu.memory_space<vmem>> -> memref<1x50xi32, #tpu.memory_space<vmem>>
    %dma_start3A_393 = tpu.memref_squeeze %dma_start3A_392 : memref<1x50xi32, #tpu.memory_space<vmem>> -> memref<50xi32, #tpu.memory_space<vmem>>
    %dma_start3A_394 = arith.constant 0 : i32
    %dma_start3A_395 = arith.constant 0 : i32
    %dma_start3A_396 = tpu.memref_slice %arg3[%dma_start3A_394, %dma_start3A_395] : memref<100000x64xf32, #tpu.memory_space<hbm>> -> memref<100000x64xf32, #tpu.memory_space<hbm>>
    tpu.enqueue_indirect_dma source(%dma_start3A_396 : memref<100000x64xf32, #tpu.memory_space<hbm>>) target(%dma_start3A_390 : memref<50x64xf32, #tpu.memory_space<vmem>>) offsets(%dma_start3A_393 : memref<50xi32, #tpu.memory_space<vmem>>) semaphore(%arg8 : memref<!tpu.dma_semaphore, #tpu.memory_space<semaphore_mem>>)
    %dma_start3A_397 = arith.constant 17 : i32
    %dma_start3A_398 = arith.constant 17 : i32
    %dma_start3A_399 = arith.constant 0 : i32
    %dma_start3A_400 = arith.constant 0 : i32
    %dma_start3A_401 = tpu.memref_slice %arg6[%dma_start3A_398, %dma_start3A_399, %dma_start3A_400] : memref<32x50x64xf32, #tpu.memory_space<vmem>> -> memref<1x50x64xf32, #tpu.memory_space<vmem>>
    %dma_start3A_402 = tpu.memref_squeeze %dma_start3A_401 : memref<1x50x64xf32, #tpu.memory_space<vmem>> -> memref<50x64xf32, #tpu.memory_space<vmem>>
    %dma_start3A_403 = arith.constant 0 : i32
    %dma_start3A_404 = tpu.memref_slice %arg5[%dma_start3A_397, %dma_start3A_403] : memref<32x50xi32, #tpu.memory_space<vmem>> -> memref<1x50xi32, #tpu.memory_space<vmem>>
    %dma_start3A_405 = tpu.memref_squeeze %dma_start3A_404 : memref<1x50xi32, #tpu.memory_space<vmem>> -> memref<50xi32, #tpu.memory_space<vmem>>
    %dma_start3A_406 = arith.constant 0 : i32
    %dma_start3A_407 = arith.constant 0 : i32
    %dma_start3A_408 = tpu.memref_slice %arg3[%dma_start3A_406, %dma_start3A_407] : memref<100000x64xf32, #tpu.memory_space<hbm>> -> memref<100000x64xf32, #tpu.memory_space<hbm>>
    tpu.enqueue_indirect_dma source(%dma_start3A_408 : memref<100000x64xf32, #tpu.memory_space<hbm>>) target(%dma_start3A_402 : memref<50x64xf32, #tpu.memory_space<vmem>>) offsets(%dma_start3A_405 : memref<50xi32, #tpu.memory_space<vmem>>) semaphore(%arg8 : memref<!tpu.dma_semaphore, #tpu.memory_space<semaphore_mem>>)
    %dma_start3A_409 = arith.constant 18 : i32
    %dma_start3A_410 = arith.constant 18 : i32
    %dma_start3A_411 = arith.constant 0 : i32
    %dma_start3A_412 = arith.constant 0 : i32
    %dma_start3A_413 = tpu.memref_slice %arg6[%dma_start3A_410, %dma_start3A_411, %dma_start3A_412] : memref<32x50x64xf32, #tpu.memory_space<vmem>> -> memref<1x50x64xf32, #tpu.memory_space<vmem>>
    %dma_start3A_414 = tpu.memref_squeeze %dma_start3A_413 : memref<1x50x64xf32, #tpu.memory_space<vmem>> -> memref<50x64xf32, #tpu.memory_space<vmem>>
    %dma_start3A_415 = arith.constant 0 : i32
    %dma_start3A_416 = tpu.memref_slice %arg5[%dma_start3A_409, %dma_start3A_415] : memref<32x50xi32, #tpu.memory_space<vmem>> -> memref<1x50xi32, #tpu.memory_space<vmem>>
    %dma_start3A_417 = tpu.memref_squeeze %dma_start3A_416 : memref<1x50xi32, #tpu.memory_space<vmem>> -> memref<50xi32, #tpu.memory_space<vmem>>
    %dma_start3A_418 = arith.constant 0 : i32
    %dma_start3A_419 = arith.constant 0 : i32
    %dma_start3A_420 = tpu.memref_slice %arg3[%dma_start3A_418, %dma_start3A_419] : memref<100000x64xf32, #tpu.memory_space<hbm>> -> memref<100000x64xf32, #tpu.memory_space<hbm>>
    tpu.enqueue_indirect_dma source(%dma_start3A_420 : memref<100000x64xf32, #tpu.memory_space<hbm>>) target(%dma_start3A_414 : memref<50x64xf32, #tpu.memory_space<vmem>>) offsets(%dma_start3A_417 : memref<50xi32, #tpu.memory_space<vmem>>) semaphore(%arg8 : memref<!tpu.dma_semaphore, #tpu.memory_space<semaphore_mem>>)
    %dma_start3A_421 = arith.constant 19 : i32
    %dma_start3A_422 = arith.constant 19 : i32
    %dma_start3A_423 = arith.constant 0 : i32
    %dma_start3A_424 = arith.constant 0 : i32
    %dma_start3A_425 = tpu.memref_slice %arg6[%dma_start3A_422, %dma_start3A_423, %dma_start3A_424] : memref<32x50x64xf32, #tpu.memory_space<vmem>> -> memref<1x50x64xf32, #tpu.memory_space<vmem>>
    %dma_start3A_426 = tpu.memref_squeeze %dma_start3A_425 : memref<1x50x64xf32, #tpu.memory_space<vmem>> -> memref<50x64xf32, #tpu.memory_space<vmem>>
    %dma_start3A_427 = arith.constant 0 : i32
    %dma_start3A_428 = tpu.memref_slice %arg5[%dma_start3A_421, %dma_start3A_427] : memref<32x50xi32, #tpu.memory_space<vmem>> -> memref<1x50xi32, #tpu.memory_space<vmem>>
    %dma_start3A_429 = tpu.memref_squeeze %dma_start3A_428 : memref<1x50xi32, #tpu.memory_space<vmem>> -> memref<50xi32, #tpu.memory_space<vmem>>
    %dma_start3A_430 = arith.constant 0 : i32
    %dma_start3A_431 = arith.constant 0 : i32
    %dma_start3A_432 = tpu.memref_slice %arg3[%dma_start3A_430, %dma_start3A_431] : memref<100000x64xf32, #tpu.memory_space<hbm>> -> memref<100000x64xf32, #tpu.memory_space<hbm>>
    tpu.enqueue_indirect_dma source(%dma_start3A_432 : memref<100000x64xf32, #tpu.memory_space<hbm>>) target(%dma_start3A_426 : memref<50x64xf32, #tpu.memory_space<vmem>>) offsets(%dma_start3A_429 : memref<50xi32, #tpu.memory_space<vmem>>) semaphore(%arg8 : memref<!tpu.dma_semaphore, #tpu.memory_space<semaphore_mem>>)
    %dma_start3A_433 = arith.constant 20 : i32
    %dma_start3A_434 = arith.constant 20 : i32
    %dma_start3A_435 = arith.constant 0 : i32
    %dma_start3A_436 = arith.constant 0 : i32
    %dma_start3A_437 = tpu.memref_slice %arg6[%dma_start3A_434, %dma_start3A_435, %dma_start3A_436] : memref<32x50x64xf32, #tpu.memory_space<vmem>> -> memref<1x50x64xf32, #tpu.memory_space<vmem>>
    %dma_start3A_438 = tpu.memref_squeeze %dma_start3A_437 : memref<1x50x64xf32, #tpu.memory_space<vmem>> -> memref<50x64xf32, #tpu.memory_space<vmem>>
    %dma_start3A_439 = arith.constant 0 : i32
    %dma_start3A_440 = tpu.memref_slice %arg5[%dma_start3A_433, %dma_start3A_439] : memref<32x50xi32, #tpu.memory_space<vmem>> -> memref<1x50xi32, #tpu.memory_space<vmem>>
    %dma_start3A_441 = tpu.memref_squeeze %dma_start3A_440 : memref<1x50xi32, #tpu.memory_space<vmem>> -> memref<50xi32, #tpu.memory_space<vmem>>
    %dma_start3A_442 = arith.constant 0 : i32
    %dma_start3A_443 = arith.constant 0 : i32
    %dma_start3A_444 = tpu.memref_slice %arg3[%dma_start3A_442, %dma_start3A_443] : memref<100000x64xf32, #tpu.memory_space<hbm>> -> memref<100000x64xf32, #tpu.memory_space<hbm>>
    tpu.enqueue_indirect_dma source(%dma_start3A_444 : memref<100000x64xf32, #tpu.memory_space<hbm>>) target(%dma_start3A_438 : memref<50x64xf32, #tpu.memory_space<vmem>>) offsets(%dma_start3A_441 : memref<50xi32, #tpu.memory_space<vmem>>) semaphore(%arg8 : memref<!tpu.dma_semaphore, #tpu.memory_space<semaphore_mem>>)
    %dma_start3A_445 = arith.constant 21 : i32
    %dma_start3A_446 = arith.constant 21 : i32
    %dma_start3A_447 = arith.constant 0 : i32
    %dma_start3A_448 = arith.constant 0 : i32
    %dma_start3A_449 = tpu.memref_slice %arg6[%dma_start3A_446, %dma_start3A_447, %dma_start3A_448] : memref<32x50x64xf32, #tpu.memory_space<vmem>> -> memref<1x50x64xf32, #tpu.memory_space<vmem>>
    %dma_start3A_450 = tpu.memref_squeeze %dma_start3A_449 : memref<1x50x64xf32, #tpu.memory_space<vmem>> -> memref<50x64xf32, #tpu.memory_space<vmem>>
    %dma_start3A_451 = arith.constant 0 : i32
    %dma_start3A_452 = tpu.memref_slice %arg5[%dma_start3A_445, %dma_start3A_451] : memref<32x50xi32, #tpu.memory_space<vmem>> -> memref<1x50xi32, #tpu.memory_space<vmem>>
    %dma_start3A_453 = tpu.memref_squeeze %dma_start3A_452 : memref<1x50xi32, #tpu.memory_space<vmem>> -> memref<50xi32, #tpu.memory_space<vmem>>
    %dma_start3A_454 = arith.constant 0 : i32
    %dma_start3A_455 = arith.constant 0 : i32
    %dma_start3A_456 = tpu.memref_slice %arg3[%dma_start3A_454, %dma_start3A_455] : memref<100000x64xf32, #tpu.memory_space<hbm>> -> memref<100000x64xf32, #tpu.memory_space<hbm>>
    tpu.enqueue_indirect_dma source(%dma_start3A_456 : memref<100000x64xf32, #tpu.memory_space<hbm>>) target(%dma_start3A_450 : memref<50x64xf32, #tpu.memory_space<vmem>>) offsets(%dma_start3A_453 : memref<50xi32, #tpu.memory_space<vmem>>) semaphore(%arg8 : memref<!tpu.dma_semaphore, #tpu.memory_space<semaphore_mem>>)
    %dma_start3A_457 = arith.constant 22 : i32
    %dma_start3A_458 = arith.constant 22 : i32
    %dma_start3A_459 = arith.constant 0 : i32
    %dma_start3A_460 = arith.constant 0 : i32
    %dma_start3A_461 = tpu.memref_slice %arg6[%dma_start3A_458, %dma_start3A_459, %dma_start3A_460] : memref<32x50x64xf32, #tpu.memory_space<vmem>> -> memref<1x50x64xf32, #tpu.memory_space<vmem>>
    %dma_start3A_462 = tpu.memref_squeeze %dma_start3A_461 : memref<1x50x64xf32, #tpu.memory_space<vmem>> -> memref<50x64xf32, #tpu.memory_space<vmem>>
    %dma_start3A_463 = arith.constant 0 : i32
    %dma_start3A_464 = tpu.memref_slice %arg5[%dma_start3A_457, %dma_start3A_463] : memref<32x50xi32, #tpu.memory_space<vmem>> -> memref<1x50xi32, #tpu.memory_space<vmem>>
    %dma_start3A_465 = tpu.memref_squeeze %dma_start3A_464 : memref<1x50xi32, #tpu.memory_space<vmem>> -> memref<50xi32, #tpu.memory_space<vmem>>
    %dma_start3A_466 = arith.constant 0 : i32
    %dma_start3A_467 = arith.constant 0 : i32
    %dma_start3A_468 = tpu.memref_slice %arg3[%dma_start3A_466, %dma_start3A_467] : memref<100000x64xf32, #tpu.memory_space<hbm>> -> memref<100000x64xf32, #tpu.memory_space<hbm>>
    tpu.enqueue_indirect_dma source(%dma_start3A_468 : memref<100000x64xf32, #tpu.memory_space<hbm>>) target(%dma_start3A_462 : memref<50x64xf32, #tpu.memory_space<vmem>>) offsets(%dma_start3A_465 : memref<50xi32, #tpu.memory_space<vmem>>) semaphore(%arg8 : memref<!tpu.dma_semaphore, #tpu.memory_space<semaphore_mem>>)
    %dma_start3A_469 = arith.constant 23 : i32
    %dma_start3A_470 = arith.constant 23 : i32
    %dma_start3A_471 = arith.constant 0 : i32
    %dma_start3A_472 = arith.constant 0 : i32
    %dma_start3A_473 = tpu.memref_slice %arg6[%dma_start3A_470, %dma_start3A_471, %dma_start3A_472] : memref<32x50x64xf32, #tpu.memory_space<vmem>> -> memref<1x50x64xf32, #tpu.memory_space<vmem>>
    %dma_start3A_474 = tpu.memref_squeeze %dma_start3A_473 : memref<1x50x64xf32, #tpu.memory_space<vmem>> -> memref<50x64xf32, #tpu.memory_space<vmem>>
    %dma_start3A_475 = arith.constant 0 : i32
    %dma_start3A_476 = tpu.memref_slice %arg5[%dma_start3A_469, %dma_start3A_475] : memref<32x50xi32, #tpu.memory_space<vmem>> -> memref<1x50xi32, #tpu.memory_space<vmem>>
    %dma_start3A_477 = tpu.memref_squeeze %dma_start3A_476 : memref<1x50xi32, #tpu.memory_space<vmem>> -> memref<50xi32, #tpu.memory_space<vmem>>
    %dma_start3A_478 = arith.constant 0 : i32
    %dma_start3A_479 = arith.constant 0 : i32
    %dma_start3A_480 = tpu.memref_slice %arg3[%dma_start3A_478, %dma_start3A_479] : memref<100000x64xf32, #tpu.memory_space<hbm>> -> memref<100000x64xf32, #tpu.memory_space<hbm>>
    tpu.enqueue_indirect_dma source(%dma_start3A_480 : memref<100000x64xf32, #tpu.memory_space<hbm>>) target(%dma_start3A_474 : memref<50x64xf32, #tpu.memory_space<vmem>>) offsets(%dma_start3A_477 : memref<50xi32, #tpu.memory_space<vmem>>) semaphore(%arg8 : memref<!tpu.dma_semaphore, #tpu.memory_space<semaphore_mem>>)
    %dma_wait3A_481 = arith.constant 16 : i32
    %dma_wait3A_482 = arith.constant 16 : i32
    %dma_wait3A_483 = arith.constant 0 : i32
    %dma_wait3A_484 = arith.constant 0 : i32
    %dma_wait3A_485 = tpu.memref_slice %arg6[%dma_wait3A_482, %dma_wait3A_483, %dma_wait3A_484] : memref<32x50x64xf32, #tpu.memory_space<vmem>> -> memref<1x50x64xf32, #tpu.memory_space<vmem>>
    %dma_wait3A_486 = tpu.memref_squeeze %dma_wait3A_485 : memref<1x50x64xf32, #tpu.memory_space<vmem>> -> memref<50x64xf32, #tpu.memory_space<vmem>>
    %dma_wait3A_487 = arith.constant 0 : i32
    %dma_wait3A_488 = tpu.memref_slice %arg5[%dma_wait3A_481, %dma_wait3A_487] : memref<32x50xi32, #tpu.memory_space<vmem>> -> memref<1x50xi32, #tpu.memory_space<vmem>>
    %dma_wait3A_489 = tpu.memref_squeeze %dma_wait3A_488 : memref<1x50xi32, #tpu.memory_space<vmem>> -> memref<50xi32, #tpu.memory_space<vmem>>
    %dma_wait3A_490 = arith.constant 0 : i32
    %dma_wait3A_491 = arith.constant 0 : i32
    %dma_wait3A_492 = tpu.memref_slice %arg3[%dma_wait3A_490, %dma_wait3A_491] : memref<100000x64xf32, #tpu.memory_space<hbm>> -> memref<100000x64xf32, #tpu.memory_space<hbm>>
    tpu.wait_indirect_dma semaphore(%arg8 : memref<!tpu.dma_semaphore, #tpu.memory_space<semaphore_mem>>) src(%dma_wait3A_492 : memref<100000x64xf32, #tpu.memory_space<hbm>>) dst(%dma_wait3A_486 : memref<50x64xf32, #tpu.memory_space<vmem>>)
    %dma_wait3A_493 = arith.constant 17 : i32
    %dma_wait3A_494 = arith.constant 17 : i32
    %dma_wait3A_495 = arith.constant 0 : i32
    %dma_wait3A_496 = arith.constant 0 : i32
    %dma_wait3A_497 = tpu.memref_slice %arg6[%dma_wait3A_494, %dma_wait3A_495, %dma_wait3A_496] : memref<32x50x64xf32, #tpu.memory_space<vmem>> -> memref<1x50x64xf32, #tpu.memory_space<vmem>>
    %dma_wait3A_498 = tpu.memref_squeeze %dma_wait3A_497 : memref<1x50x64xf32, #tpu.memory_space<vmem>> -> memref<50x64xf32, #tpu.memory_space<vmem>>
    %dma_wait3A_499 = arith.constant 0 : i32
    %dma_wait3A_500 = tpu.memref_slice %arg5[%dma_wait3A_493, %dma_wait3A_499] : memref<32x50xi32, #tpu.memory_space<vmem>> -> memref<1x50xi32, #tpu.memory_space<vmem>>
    %dma_wait3A_501 = tpu.memref_squeeze %dma_wait3A_500 : memref<1x50xi32, #tpu.memory_space<vmem>> -> memref<50xi32, #tpu.memory_space<vmem>>
    %dma_wait3A_502 = arith.constant 0 : i32
    %dma_wait3A_503 = arith.constant 0 : i32
    %dma_wait3A_504 = tpu.memref_slice %arg3[%dma_wait3A_502, %dma_wait3A_503] : memref<100000x64xf32, #tpu.memory_space<hbm>> -> memref<100000x64xf32, #tpu.memory_space<hbm>>
    tpu.wait_indirect_dma semaphore(%arg8 : memref<!tpu.dma_semaphore, #tpu.memory_space<semaphore_mem>>) src(%dma_wait3A_504 : memref<100000x64xf32, #tpu.memory_space<hbm>>) dst(%dma_wait3A_498 : memref<50x64xf32, #tpu.memory_space<vmem>>)
    %dma_wait3A_505 = arith.constant 18 : i32
    %dma_wait3A_506 = arith.constant 18 : i32
    %dma_wait3A_507 = arith.constant 0 : i32
    %dma_wait3A_508 = arith.constant 0 : i32
    %dma_wait3A_509 = tpu.memref_slice %arg6[%dma_wait3A_506, %dma_wait3A_507, %dma_wait3A_508] : memref<32x50x64xf32, #tpu.memory_space<vmem>> -> memref<1x50x64xf32, #tpu.memory_space<vmem>>
    %dma_wait3A_510 = tpu.memref_squeeze %dma_wait3A_509 : memref<1x50x64xf32, #tpu.memory_space<vmem>> -> memref<50x64xf32, #tpu.memory_space<vmem>>
    %dma_wait3A_511 = arith.constant 0 : i32
    %dma_wait3A_512 = tpu.memref_slice %arg5[%dma_wait3A_505, %dma_wait3A_511] : memref<32x50xi32, #tpu.memory_space<vmem>> -> memref<1x50xi32, #tpu.memory_space<vmem>>
    %dma_wait3A_513 = tpu.memref_squeeze %dma_wait3A_512 : memref<1x50xi32, #tpu.memory_space<vmem>> -> memref<50xi32, #tpu.memory_space<vmem>>
    %dma_wait3A_514 = arith.constant 0 : i32
    %dma_wait3A_515 = arith.constant 0 : i32
    %dma_wait3A_516 = tpu.memref_slice %arg3[%dma_wait3A_514, %dma_wait3A_515] : memref<100000x64xf32, #tpu.memory_space<hbm>> -> memref<100000x64xf32, #tpu.memory_space<hbm>>
    tpu.wait_indirect_dma semaphore(%arg8 : memref<!tpu.dma_semaphore, #tpu.memory_space<semaphore_mem>>) src(%dma_wait3A_516 : memref<100000x64xf32, #tpu.memory_space<hbm>>) dst(%dma_wait3A_510 : memref<50x64xf32, #tpu.memory_space<vmem>>)
    %dma_wait3A_517 = arith.constant 19 : i32
    %dma_wait3A_518 = arith.constant 19 : i32
    %dma_wait3A_519 = arith.constant 0 : i32
    %dma_wait3A_520 = arith.constant 0 : i32
    %dma_wait3A_521 = tpu.memref_slice %arg6[%dma_wait3A_518, %dma_wait3A_519, %dma_wait3A_520] : memref<32x50x64xf32, #tpu.memory_space<vmem>> -> memref<1x50x64xf32, #tpu.memory_space<vmem>>
    %dma_wait3A_522 = tpu.memref_squeeze %dma_wait3A_521 : memref<1x50x64xf32, #tpu.memory_space<vmem>> -> memref<50x64xf32, #tpu.memory_space<vmem>>
    %dma_wait3A_523 = arith.constant 0 : i32
    %dma_wait3A_524 = tpu.memref_slice %arg5[%dma_wait3A_517, %dma_wait3A_523] : memref<32x50xi32, #tpu.memory_space<vmem>> -> memref<1x50xi32, #tpu.memory_space<vmem>>
    %dma_wait3A_525 = tpu.memref_squeeze %dma_wait3A_524 : memref<1x50xi32, #tpu.memory_space<vmem>> -> memref<50xi32, #tpu.memory_space<vmem>>
    %dma_wait3A_526 = arith.constant 0 : i32
    %dma_wait3A_527 = arith.constant 0 : i32
    %dma_wait3A_528 = tpu.memref_slice %arg3[%dma_wait3A_526, %dma_wait3A_527] : memref<100000x64xf32, #tpu.memory_space<hbm>> -> memref<100000x64xf32, #tpu.memory_space<hbm>>
    tpu.wait_indirect_dma semaphore(%arg8 : memref<!tpu.dma_semaphore, #tpu.memory_space<semaphore_mem>>) src(%dma_wait3A_528 : memref<100000x64xf32, #tpu.memory_space<hbm>>) dst(%dma_wait3A_522 : memref<50x64xf32, #tpu.memory_space<vmem>>)
    %dma_wait3A_529 = arith.constant 20 : i32
    %dma_wait3A_530 = arith.constant 20 : i32
    %dma_wait3A_531 = arith.constant 0 : i32
    %dma_wait3A_532 = arith.constant 0 : i32
    %dma_wait3A_533 = tpu.memref_slice %arg6[%dma_wait3A_530, %dma_wait3A_531, %dma_wait3A_532] : memref<32x50x64xf32, #tpu.memory_space<vmem>> -> memref<1x50x64xf32, #tpu.memory_space<vmem>>
    %dma_wait3A_534 = tpu.memref_squeeze %dma_wait3A_533 : memref<1x50x64xf32, #tpu.memory_space<vmem>> -> memref<50x64xf32, #tpu.memory_space<vmem>>
    %dma_wait3A_535 = arith.constant 0 : i32
    %dma_wait3A_536 = tpu.memref_slice %arg5[%dma_wait3A_529, %dma_wait3A_535] : memref<32x50xi32, #tpu.memory_space<vmem>> -> memref<1x50xi32, #tpu.memory_space<vmem>>
    %dma_wait3A_537 = tpu.memref_squeeze %dma_wait3A_536 : memref<1x50xi32, #tpu.memory_space<vmem>> -> memref<50xi32, #tpu.memory_space<vmem>>
    %dma_wait3A_538 = arith.constant 0 : i32
    %dma_wait3A_539 = arith.constant 0 : i32
    %dma_wait3A_540 = tpu.memref_slice %arg3[%dma_wait3A_538, %dma_wait3A_539] : memref<100000x64xf32, #tpu.memory_space<hbm>> -> memref<100000x64xf32, #tpu.memory_space<hbm>>
    tpu.wait_indirect_dma semaphore(%arg8 : memref<!tpu.dma_semaphore, #tpu.memory_space<semaphore_mem>>) src(%dma_wait3A_540 : memref<100000x64xf32, #tpu.memory_space<hbm>>) dst(%dma_wait3A_534 : memref<50x64xf32, #tpu.memory_space<vmem>>)
    %dma_wait3A_541 = arith.constant 21 : i32
    %dma_wait3A_542 = arith.constant 21 : i32
    %dma_wait3A_543 = arith.constant 0 : i32
    %dma_wait3A_544 = arith.constant 0 : i32
    %dma_wait3A_545 = tpu.memref_slice %arg6[%dma_wait3A_542, %dma_wait3A_543, %dma_wait3A_544] : memref<32x50x64xf32, #tpu.memory_space<vmem>> -> memref<1x50x64xf32, #tpu.memory_space<vmem>>
    %dma_wait3A_546 = tpu.memref_squeeze %dma_wait3A_545 : memref<1x50x64xf32, #tpu.memory_space<vmem>> -> memref<50x64xf32, #tpu.memory_space<vmem>>
    %dma_wait3A_547 = arith.constant 0 : i32
    %dma_wait3A_548 = tpu.memref_slice %arg5[%dma_wait3A_541, %dma_wait3A_547] : memref<32x50xi32, #tpu.memory_space<vmem>> -> memref<1x50xi32, #tpu.memory_space<vmem>>
    %dma_wait3A_549 = tpu.memref_squeeze %dma_wait3A_548 : memref<1x50xi32, #tpu.memory_space<vmem>> -> memref<50xi32, #tpu.memory_space<vmem>>
    %dma_wait3A_550 = arith.constant 0 : i32
    %dma_wait3A_551 = arith.constant 0 : i32
    %dma_wait3A_552 = tpu.memref_slice %arg3[%dma_wait3A_550, %dma_wait3A_551] : memref<100000x64xf32, #tpu.memory_space<hbm>> -> memref<100000x64xf32, #tpu.memory_space<hbm>>
    tpu.wait_indirect_dma semaphore(%arg8 : memref<!tpu.dma_semaphore, #tpu.memory_space<semaphore_mem>>) src(%dma_wait3A_552 : memref<100000x64xf32, #tpu.memory_space<hbm>>) dst(%dma_wait3A_546 : memref<50x64xf32, #tpu.memory_space<vmem>>)
    %dma_wait3A_553 = arith.constant 22 : i32
    %dma_wait3A_554 = arith.constant 22 : i32
    %dma_wait3A_555 = arith.constant 0 : i32
    %dma_wait3A_556 = arith.constant 0 : i32
    %dma_wait3A_557 = tpu.memref_slice %arg6[%dma_wait3A_554, %dma_wait3A_555, %dma_wait3A_556] : memref<32x50x64xf32, #tpu.memory_space<vmem>> -> memref<1x50x64xf32, #tpu.memory_space<vmem>>
    %dma_wait3A_558 = tpu.memref_squeeze %dma_wait3A_557 : memref<1x50x64xf32, #tpu.memory_space<vmem>> -> memref<50x64xf32, #tpu.memory_space<vmem>>
    %dma_wait3A_559 = arith.constant 0 : i32
    %dma_wait3A_560 = tpu.memref_slice %arg5[%dma_wait3A_553, %dma_wait3A_559] : memref<32x50xi32, #tpu.memory_space<vmem>> -> memref<1x50xi32, #tpu.memory_space<vmem>>
    %dma_wait3A_561 = tpu.memref_squeeze %dma_wait3A_560 : memref<1x50xi32, #tpu.memory_space<vmem>> -> memref<50xi32, #tpu.memory_space<vmem>>
    %dma_wait3A_562 = arith.constant 0 : i32
    %dma_wait3A_563 = arith.constant 0 : i32
    %dma_wait3A_564 = tpu.memref_slice %arg3[%dma_wait3A_562, %dma_wait3A_563] : memref<100000x64xf32, #tpu.memory_space<hbm>> -> memref<100000x64xf32, #tpu.memory_space<hbm>>
    tpu.wait_indirect_dma semaphore(%arg8 : memref<!tpu.dma_semaphore, #tpu.memory_space<semaphore_mem>>) src(%dma_wait3A_564 : memref<100000x64xf32, #tpu.memory_space<hbm>>) dst(%dma_wait3A_558 : memref<50x64xf32, #tpu.memory_space<vmem>>)
    %dma_wait3A_565 = arith.constant 23 : i32
    %dma_wait3A_566 = arith.constant 23 : i32
    %dma_wait3A_567 = arith.constant 0 : i32
    %dma_wait3A_568 = arith.constant 0 : i32
    %dma_wait3A_569 = tpu.memref_slice %arg6[%dma_wait3A_566, %dma_wait3A_567, %dma_wait3A_568] : memref<32x50x64xf32, #tpu.memory_space<vmem>> -> memref<1x50x64xf32, #tpu.memory_space<vmem>>
    %dma_wait3A_570 = tpu.memref_squeeze %dma_wait3A_569 : memref<1x50x64xf32, #tpu.memory_space<vmem>> -> memref<50x64xf32, #tpu.memory_space<vmem>>
    %dma_wait3A_571 = arith.constant 0 : i32
    %dma_wait3A_572 = tpu.memref_slice %arg5[%dma_wait3A_565, %dma_wait3A_571] : memref<32x50xi32, #tpu.memory_space<vmem>> -> memref<1x50xi32, #tpu.memory_space<vmem>>
    %dma_wait3A_573 = tpu.memref_squeeze %dma_wait3A_572 : memref<1x50xi32, #tpu.memory_space<vmem>> -> memref<50xi32, #tpu.memory_space<vmem>>
    %dma_wait3A_574 = arith.constant 0 : i32
    %dma_wait3A_575 = arith.constant 0 : i32
    %dma_wait3A_576 = tpu.memref_slice %arg3[%dma_wait3A_574, %dma_wait3A_575] : memref<100000x64xf32, #tpu.memory_space<hbm>> -> memref<100000x64xf32, #tpu.memory_space<hbm>>
    tpu.wait_indirect_dma semaphore(%arg8 : memref<!tpu.dma_semaphore, #tpu.memory_space<semaphore_mem>>) src(%dma_wait3A_576 : memref<100000x64xf32, #tpu.memory_space<hbm>>) dst(%dma_wait3A_570 : memref<50x64xf32, #tpu.memory_space<vmem>>)
    %dma_start3A_577 = arith.constant 24 : i32
    %dma_start3A_578 = arith.constant 24 : i32
    %dma_start3A_579 = arith.constant 0 : i32
    %dma_start3A_580 = arith.constant 0 : i32
    %dma_start3A_581 = tpu.memref_slice %arg6[%dma_start3A_578, %dma_start3A_579, %dma_start3A_580] : memref<32x50x64xf32, #tpu.memory_space<vmem>> -> memref<1x50x64xf32, #tpu.memory_space<vmem>>
    %dma_start3A_582 = tpu.memref_squeeze %dma_start3A_581 : memref<1x50x64xf32, #tpu.memory_space<vmem>> -> memref<50x64xf32, #tpu.memory_space<vmem>>
    %dma_start3A_583 = arith.constant 0 : i32
    %dma_start3A_584 = tpu.memref_slice %arg5[%dma_start3A_577, %dma_start3A_583] : memref<32x50xi32, #tpu.memory_space<vmem>> -> memref<1x50xi32, #tpu.memory_space<vmem>>
    %dma_start3A_585 = tpu.memref_squeeze %dma_start3A_584 : memref<1x50xi32, #tpu.memory_space<vmem>> -> memref<50xi32, #tpu.memory_space<vmem>>
    %dma_start3A_586 = arith.constant 0 : i32
    %dma_start3A_587 = arith.constant 0 : i32
    %dma_start3A_588 = tpu.memref_slice %arg3[%dma_start3A_586, %dma_start3A_587] : memref<100000x64xf32, #tpu.memory_space<hbm>> -> memref<100000x64xf32, #tpu.memory_space<hbm>>
    tpu.enqueue_indirect_dma source(%dma_start3A_588 : memref<100000x64xf32, #tpu.memory_space<hbm>>) target(%dma_start3A_582 : memref<50x64xf32, #tpu.memory_space<vmem>>) offsets(%dma_start3A_585 : memref<50xi32, #tpu.memory_space<vmem>>) semaphore(%arg8 : memref<!tpu.dma_semaphore, #tpu.memory_space<semaphore_mem>>)
    %dma_start3A_589 = arith.constant 25 : i32
    %dma_start3A_590 = arith.constant 25 : i32
    %dma_start3A_591 = arith.constant 0 : i32
    %dma_start3A_592 = arith.constant 0 : i32
    %dma_start3A_593 = tpu.memref_slice %arg6[%dma_start3A_590, %dma_start3A_591, %dma_start3A_592] : memref<32x50x64xf32, #tpu.memory_space<vmem>> -> memref<1x50x64xf32, #tpu.memory_space<vmem>>
    %dma_start3A_594 = tpu.memref_squeeze %dma_start3A_593 : memref<1x50x64xf32, #tpu.memory_space<vmem>> -> memref<50x64xf32, #tpu.memory_space<vmem>>
    %dma_start3A_595 = arith.constant 0 : i32
    %dma_start3A_596 = tpu.memref_slice %arg5[%dma_start3A_589, %dma_start3A_595] : memref<32x50xi32, #tpu.memory_space<vmem>> -> memref<1x50xi32, #tpu.memory_space<vmem>>
    %dma_start3A_597 = tpu.memref_squeeze %dma_start3A_596 : memref<1x50xi32, #tpu.memory_space<vmem>> -> memref<50xi32, #tpu.memory_space<vmem>>
    %dma_start3A_598 = arith.constant 0 : i32
    %dma_start3A_599 = arith.constant 0 : i32
    %dma_start3A_600 = tpu.memref_slice %arg3[%dma_start3A_598, %dma_start3A_599] : memref<100000x64xf32, #tpu.memory_space<hbm>> -> memref<100000x64xf32, #tpu.memory_space<hbm>>
    tpu.enqueue_indirect_dma source(%dma_start3A_600 : memref<100000x64xf32, #tpu.memory_space<hbm>>) target(%dma_start3A_594 : memref<50x64xf32, #tpu.memory_space<vmem>>) offsets(%dma_start3A_597 : memref<50xi32, #tpu.memory_space<vmem>>) semaphore(%arg8 : memref<!tpu.dma_semaphore, #tpu.memory_space<semaphore_mem>>)
    %dma_start3A_601 = arith.constant 26 : i32
    %dma_start3A_602 = arith.constant 26 : i32
    %dma_start3A_603 = arith.constant 0 : i32
    %dma_start3A_604 = arith.constant 0 : i32
    %dma_start3A_605 = tpu.memref_slice %arg6[%dma_start3A_602, %dma_start3A_603, %dma_start3A_604] : memref<32x50x64xf32, #tpu.memory_space<vmem>> -> memref<1x50x64xf32, #tpu.memory_space<vmem>>
    %dma_start3A_606 = tpu.memref_squeeze %dma_start3A_605 : memref<1x50x64xf32, #tpu.memory_space<vmem>> -> memref<50x64xf32, #tpu.memory_space<vmem>>
    %dma_start3A_607 = arith.constant 0 : i32
    %dma_start3A_608 = tpu.memref_slice %arg5[%dma_start3A_601, %dma_start3A_607] : memref<32x50xi32, #tpu.memory_space<vmem>> -> memref<1x50xi32, #tpu.memory_space<vmem>>
    %dma_start3A_609 = tpu.memref_squeeze %dma_start3A_608 : memref<1x50xi32, #tpu.memory_space<vmem>> -> memref<50xi32, #tpu.memory_space<vmem>>
    %dma_start3A_610 = arith.constant 0 : i32
    %dma_start3A_611 = arith.constant 0 : i32
    %dma_start3A_612 = tpu.memref_slice %arg3[%dma_start3A_610, %dma_start3A_611] : memref<100000x64xf32, #tpu.memory_space<hbm>> -> memref<100000x64xf32, #tpu.memory_space<hbm>>
    tpu.enqueue_indirect_dma source(%dma_start3A_612 : memref<100000x64xf32, #tpu.memory_space<hbm>>) target(%dma_start3A_606 : memref<50x64xf32, #tpu.memory_space<vmem>>) offsets(%dma_start3A_609 : memref<50xi32, #tpu.memory_space<vmem>>) semaphore(%arg8 : memref<!tpu.dma_semaphore, #tpu.memory_space<semaphore_mem>>)
    %dma_start3A_613 = arith.constant 27 : i32
    %dma_start3A_614 = arith.constant 27 : i32
    %dma_start3A_615 = arith.constant 0 : i32
    %dma_start3A_616 = arith.constant 0 : i32
    %dma_start3A_617 = tpu.memref_slice %arg6[%dma_start3A_614, %dma_start3A_615, %dma_start3A_616] : memref<32x50x64xf32, #tpu.memory_space<vmem>> -> memref<1x50x64xf32, #tpu.memory_space<vmem>>
    %dma_start3A_618 = tpu.memref_squeeze %dma_start3A_617 : memref<1x50x64xf32, #tpu.memory_space<vmem>> -> memref<50x64xf32, #tpu.memory_space<vmem>>
    %dma_start3A_619 = arith.constant 0 : i32
    %dma_start3A_620 = tpu.memref_slice %arg5[%dma_start3A_613, %dma_start3A_619] : memref<32x50xi32, #tpu.memory_space<vmem>> -> memref<1x50xi32, #tpu.memory_space<vmem>>
    %dma_start3A_621 = tpu.memref_squeeze %dma_start3A_620 : memref<1x50xi32, #tpu.memory_space<vmem>> -> memref<50xi32, #tpu.memory_space<vmem>>
    %dma_start3A_622 = arith.constant 0 : i32
    %dma_start3A_623 = arith.constant 0 : i32
    %dma_start3A_624 = tpu.memref_slice %arg3[%dma_start3A_622, %dma_start3A_623] : memref<100000x64xf32, #tpu.memory_space<hbm>> -> memref<100000x64xf32, #tpu.memory_space<hbm>>
    tpu.enqueue_indirect_dma source(%dma_start3A_624 : memref<100000x64xf32, #tpu.memory_space<hbm>>) target(%dma_start3A_618 : memref<50x64xf32, #tpu.memory_space<vmem>>) offsets(%dma_start3A_621 : memref<50xi32, #tpu.memory_space<vmem>>) semaphore(%arg8 : memref<!tpu.dma_semaphore, #tpu.memory_space<semaphore_mem>>)
    %dma_start3A_625 = arith.constant 28 : i32
    %dma_start3A_626 = arith.constant 28 : i32
    %dma_start3A_627 = arith.constant 0 : i32
    %dma_start3A_628 = arith.constant 0 : i32
    %dma_start3A_629 = tpu.memref_slice %arg6[%dma_start3A_626, %dma_start3A_627, %dma_start3A_628] : memref<32x50x64xf32, #tpu.memory_space<vmem>> -> memref<1x50x64xf32, #tpu.memory_space<vmem>>
    %dma_start3A_630 = tpu.memref_squeeze %dma_start3A_629 : memref<1x50x64xf32, #tpu.memory_space<vmem>> -> memref<50x64xf32, #tpu.memory_space<vmem>>
    %dma_start3A_631 = arith.constant 0 : i32
    %dma_start3A_632 = tpu.memref_slice %arg5[%dma_start3A_625, %dma_start3A_631] : memref<32x50xi32, #tpu.memory_space<vmem>> -> memref<1x50xi32, #tpu.memory_space<vmem>>
    %dma_start3A_633 = tpu.memref_squeeze %dma_start3A_632 : memref<1x50xi32, #tpu.memory_space<vmem>> -> memref<50xi32, #tpu.memory_space<vmem>>
    %dma_start3A_634 = arith.constant 0 : i32
    %dma_start3A_635 = arith.constant 0 : i32
    %dma_start3A_636 = tpu.memref_slice %arg3[%dma_start3A_634, %dma_start3A_635] : memref<100000x64xf32, #tpu.memory_space<hbm>> -> memref<100000x64xf32, #tpu.memory_space<hbm>>
    tpu.enqueue_indirect_dma source(%dma_start3A_636 : memref<100000x64xf32, #tpu.memory_space<hbm>>) target(%dma_start3A_630 : memref<50x64xf32, #tpu.memory_space<vmem>>) offsets(%dma_start3A_633 : memref<50xi32, #tpu.memory_space<vmem>>) semaphore(%arg8 : memref<!tpu.dma_semaphore, #tpu.memory_space<semaphore_mem>>)
    %dma_start3A_637 = arith.constant 29 : i32
    %dma_start3A_638 = arith.constant 29 : i32
    %dma_start3A_639 = arith.constant 0 : i32
    %dma_start3A_640 = arith.constant 0 : i32
    %dma_start3A_641 = tpu.memref_slice %arg6[%dma_start3A_638, %dma_start3A_639, %dma_start3A_640] : memref<32x50x64xf32, #tpu.memory_space<vmem>> -> memref<1x50x64xf32, #tpu.memory_space<vmem>>
    %dma_start3A_642 = tpu.memref_squeeze %dma_start3A_641 : memref<1x50x64xf32, #tpu.memory_space<vmem>> -> memref<50x64xf32, #tpu.memory_space<vmem>>
    %dma_start3A_643 = arith.constant 0 : i32
    %dma_start3A_644 = tpu.memref_slice %arg5[%dma_start3A_637, %dma_start3A_643] : memref<32x50xi32, #tpu.memory_space<vmem>> -> memref<1x50xi32, #tpu.memory_space<vmem>>
    %dma_start3A_645 = tpu.memref_squeeze %dma_start3A_644 : memref<1x50xi32, #tpu.memory_space<vmem>> -> memref<50xi32, #tpu.memory_space<vmem>>
    %dma_start3A_646 = arith.constant 0 : i32
    %dma_start3A_647 = arith.constant 0 : i32
    %dma_start3A_648 = tpu.memref_slice %arg3[%dma_start3A_646, %dma_start3A_647] : memref<100000x64xf32, #tpu.memory_space<hbm>> -> memref<100000x64xf32, #tpu.memory_space<hbm>>
    tpu.enqueue_indirect_dma source(%dma_start3A_648 : memref<100000x64xf32, #tpu.memory_space<hbm>>) target(%dma_start3A_642 : memref<50x64xf32, #tpu.memory_space<vmem>>) offsets(%dma_start3A_645 : memref<50xi32, #tpu.memory_space<vmem>>) semaphore(%arg8 : memref<!tpu.dma_semaphore, #tpu.memory_space<semaphore_mem>>)
    %dma_start3A_649 = arith.constant 30 : i32
    %dma_start3A_650 = arith.constant 30 : i32
    %dma_start3A_651 = arith.constant 0 : i32
    %dma_start3A_652 = arith.constant 0 : i32
    %dma_start3A_653 = tpu.memref_slice %arg6[%dma_start3A_650, %dma_start3A_651, %dma_start3A_652] : memref<32x50x64xf32, #tpu.memory_space<vmem>> -> memref<1x50x64xf32, #tpu.memory_space<vmem>>
    %dma_start3A_654 = tpu.memref_squeeze %dma_start3A_653 : memref<1x50x64xf32, #tpu.memory_space<vmem>> -> memref<50x64xf32, #tpu.memory_space<vmem>>
    %dma_start3A_655 = arith.constant 0 : i32
    %dma_start3A_656 = tpu.memref_slice %arg5[%dma_start3A_649, %dma_start3A_655] : memref<32x50xi32, #tpu.memory_space<vmem>> -> memref<1x50xi32, #tpu.memory_space<vmem>>
    %dma_start3A_657 = tpu.memref_squeeze %dma_start3A_656 : memref<1x50xi32, #tpu.memory_space<vmem>> -> memref<50xi32, #tpu.memory_space<vmem>>
    %dma_start3A_658 = arith.constant 0 : i32
    %dma_start3A_659 = arith.constant 0 : i32
    %dma_start3A_660 = tpu.memref_slice %arg3[%dma_start3A_658, %dma_start3A_659] : memref<100000x64xf32, #tpu.memory_space<hbm>> -> memref<100000x64xf32, #tpu.memory_space<hbm>>
    tpu.enqueue_indirect_dma source(%dma_start3A_660 : memref<100000x64xf32, #tpu.memory_space<hbm>>) target(%dma_start3A_654 : memref<50x64xf32, #tpu.memory_space<vmem>>) offsets(%dma_start3A_657 : memref<50xi32, #tpu.memory_space<vmem>>) semaphore(%arg8 : memref<!tpu.dma_semaphore, #tpu.memory_space<semaphore_mem>>)
    %dma_start3A_661 = arith.constant 31 : i32
    %dma_start3A_662 = arith.constant 31 : i32
    %dma_start3A_663 = arith.constant 0 : i32
    %dma_start3A_664 = arith.constant 0 : i32
    %dma_start3A_665 = tpu.memref_slice %arg6[%dma_start3A_662, %dma_start3A_663, %dma_start3A_664] : memref<32x50x64xf32, #tpu.memory_space<vmem>> -> memref<1x50x64xf32, #tpu.memory_space<vmem>>
    %dma_start3A_666 = tpu.memref_squeeze %dma_start3A_665 : memref<1x50x64xf32, #tpu.memory_space<vmem>> -> memref<50x64xf32, #tpu.memory_space<vmem>>
    %dma_start3A_667 = arith.constant 0 : i32
    %dma_start3A_668 = tpu.memref_slice %arg5[%dma_start3A_661, %dma_start3A_667] : memref<32x50xi32, #tpu.memory_space<vmem>> -> memref<1x50xi32, #tpu.memory_space<vmem>>
    %dma_start3A_669 = tpu.memref_squeeze %dma_start3A_668 : memref<1x50xi32, #tpu.memory_space<vmem>> -> memref<50xi32, #tpu.memory_space<vmem>>
    %dma_start3A_670 = arith.constant 0 : i32
    %dma_start3A_671 = arith.constant 0 : i32
    %dma_start3A_672 = tpu.memref_slice %arg3[%dma_start3A_670, %dma_start3A_671] : memref<100000x64xf32, #tpu.memory_space<hbm>> -> memref<100000x64xf32, #tpu.memory_space<hbm>>
    tpu.enqueue_indirect_dma source(%dma_start3A_672 : memref<100000x64xf32, #tpu.memory_space<hbm>>) target(%dma_start3A_666 : memref<50x64xf32, #tpu.memory_space<vmem>>) offsets(%dma_start3A_669 : memref<50xi32, #tpu.memory_space<vmem>>) semaphore(%arg8 : memref<!tpu.dma_semaphore, #tpu.memory_space<semaphore_mem>>)
    %dma_wait3A_673 = arith.constant 24 : i32
    %dma_wait3A_674 = arith.constant 24 : i32
    %dma_wait3A_675 = arith.constant 0 : i32
    %dma_wait3A_676 = arith.constant 0 : i32
    %dma_wait3A_677 = tpu.memref_slice %arg6[%dma_wait3A_674, %dma_wait3A_675, %dma_wait3A_676] : memref<32x50x64xf32, #tpu.memory_space<vmem>> -> memref<1x50x64xf32, #tpu.memory_space<vmem>>
    %dma_wait3A_678 = tpu.memref_squeeze %dma_wait3A_677 : memref<1x50x64xf32, #tpu.memory_space<vmem>> -> memref<50x64xf32, #tpu.memory_space<vmem>>
    %dma_wait3A_679 = arith.constant 0 : i32
    %dma_wait3A_680 = tpu.memref_slice %arg5[%dma_wait3A_673, %dma_wait3A_679] : memref<32x50xi32, #tpu.memory_space<vmem>> -> memref<1x50xi32, #tpu.memory_space<vmem>>
    %dma_wait3A_681 = tpu.memref_squeeze %dma_wait3A_680 : memref<1x50xi32, #tpu.memory_space<vmem>> -> memref<50xi32, #tpu.memory_space<vmem>>
    %dma_wait3A_682 = arith.constant 0 : i32
    %dma_wait3A_683 = arith.constant 0 : i32
    %dma_wait3A_684 = tpu.memref_slice %arg3[%dma_wait3A_682, %dma_wait3A_683] : memref<100000x64xf32, #tpu.memory_space<hbm>> -> memref<100000x64xf32, #tpu.memory_space<hbm>>
    tpu.wait_indirect_dma semaphore(%arg8 : memref<!tpu.dma_semaphore, #tpu.memory_space<semaphore_mem>>) src(%dma_wait3A_684 : memref<100000x64xf32, #tpu.memory_space<hbm>>) dst(%dma_wait3A_678 : memref<50x64xf32, #tpu.memory_space<vmem>>)
    %dma_wait3A_685 = arith.constant 25 : i32
    %dma_wait3A_686 = arith.constant 25 : i32
    %dma_wait3A_687 = arith.constant 0 : i32
    %dma_wait3A_688 = arith.constant 0 : i32
    %dma_wait3A_689 = tpu.memref_slice %arg6[%dma_wait3A_686, %dma_wait3A_687, %dma_wait3A_688] : memref<32x50x64xf32, #tpu.memory_space<vmem>> -> memref<1x50x64xf32, #tpu.memory_space<vmem>>
    %dma_wait3A_690 = tpu.memref_squeeze %dma_wait3A_689 : memref<1x50x64xf32, #tpu.memory_space<vmem>> -> memref<50x64xf32, #tpu.memory_space<vmem>>
    %dma_wait3A_691 = arith.constant 0 : i32
    %dma_wait3A_692 = tpu.memref_slice %arg5[%dma_wait3A_685, %dma_wait3A_691] : memref<32x50xi32, #tpu.memory_space<vmem>> -> memref<1x50xi32, #tpu.memory_space<vmem>>
    %dma_wait3A_693 = tpu.memref_squeeze %dma_wait3A_692 : memref<1x50xi32, #tpu.memory_space<vmem>> -> memref<50xi32, #tpu.memory_space<vmem>>
    %dma_wait3A_694 = arith.constant 0 : i32
    %dma_wait3A_695 = arith.constant 0 : i32
    %dma_wait3A_696 = tpu.memref_slice %arg3[%dma_wait3A_694, %dma_wait3A_695] : memref<100000x64xf32, #tpu.memory_space<hbm>> -> memref<100000x64xf32, #tpu.memory_space<hbm>>
    tpu.wait_indirect_dma semaphore(%arg8 : memref<!tpu.dma_semaphore, #tpu.memory_space<semaphore_mem>>) src(%dma_wait3A_696 : memref<100000x64xf32, #tpu.memory_space<hbm>>) dst(%dma_wait3A_690 : memref<50x64xf32, #tpu.memory_space<vmem>>)
    %dma_wait3A_697 = arith.constant 26 : i32
    %dma_wait3A_698 = arith.constant 26 : i32
    %dma_wait3A_699 = arith.constant 0 : i32
    %dma_wait3A_700 = arith.constant 0 : i32
    %dma_wait3A_701 = tpu.memref_slice %arg6[%dma_wait3A_698, %dma_wait3A_699, %dma_wait3A_700] : memref<32x50x64xf32, #tpu.memory_space<vmem>> -> memref<1x50x64xf32, #tpu.memory_space<vmem>>
    %dma_wait3A_702 = tpu.memref_squeeze %dma_wait3A_701 : memref<1x50x64xf32, #tpu.memory_space<vmem>> -> memref<50x64xf32, #tpu.memory_space<vmem>>
    %dma_wait3A_703 = arith.constant 0 : i32
    %dma_wait3A_704 = tpu.memref_slice %arg5[%dma_wait3A_697, %dma_wait3A_703] : memref<32x50xi32, #tpu.memory_space<vmem>> -> memref<1x50xi32, #tpu.memory_space<vmem>>
    %dma_wait3A_705 = tpu.memref_squeeze %dma_wait3A_704 : memref<1x50xi32, #tpu.memory_space<vmem>> -> memref<50xi32, #tpu.memory_space<vmem>>
    %dma_wait3A_706 = arith.constant 0 : i32
    %dma_wait3A_707 = arith.constant 0 : i32
    %dma_wait3A_708 = tpu.memref_slice %arg3[%dma_wait3A_706, %dma_wait3A_707] : memref<100000x64xf32, #tpu.memory_space<hbm>> -> memref<100000x64xf32, #tpu.memory_space<hbm>>
    tpu.wait_indirect_dma semaphore(%arg8 : memref<!tpu.dma_semaphore, #tpu.memory_space<semaphore_mem>>) src(%dma_wait3A_708 : memref<100000x64xf32, #tpu.memory_space<hbm>>) dst(%dma_wait3A_702 : memref<50x64xf32, #tpu.memory_space<vmem>>)
    %dma_wait3A_709 = arith.constant 27 : i32
    %dma_wait3A_710 = arith.constant 27 : i32
    %dma_wait3A_711 = arith.constant 0 : i32
    %dma_wait3A_712 = arith.constant 0 : i32
    %dma_wait3A_713 = tpu.memref_slice %arg6[%dma_wait3A_710, %dma_wait3A_711, %dma_wait3A_712] : memref<32x50x64xf32, #tpu.memory_space<vmem>> -> memref<1x50x64xf32, #tpu.memory_space<vmem>>
    %dma_wait3A_714 = tpu.memref_squeeze %dma_wait3A_713 : memref<1x50x64xf32, #tpu.memory_space<vmem>> -> memref<50x64xf32, #tpu.memory_space<vmem>>
    %dma_wait3A_715 = arith.constant 0 : i32
    %dma_wait3A_716 = tpu.memref_slice %arg5[%dma_wait3A_709, %dma_wait3A_715] : memref<32x50xi32, #tpu.memory_space<vmem>> -> memref<1x50xi32, #tpu.memory_space<vmem>>
    %dma_wait3A_717 = tpu.memref_squeeze %dma_wait3A_716 : memref<1x50xi32, #tpu.memory_space<vmem>> -> memref<50xi32, #tpu.memory_space<vmem>>
    %dma_wait3A_718 = arith.constant 0 : i32
    %dma_wait3A_719 = arith.constant 0 : i32
    %dma_wait3A_720 = tpu.memref_slice %arg3[%dma_wait3A_718, %dma_wait3A_719] : memref<100000x64xf32, #tpu.memory_space<hbm>> -> memref<100000x64xf32, #tpu.memory_space<hbm>>
    tpu.wait_indirect_dma semaphore(%arg8 : memref<!tpu.dma_semaphore, #tpu.memory_space<semaphore_mem>>) src(%dma_wait3A_720 : memref<100000x64xf32, #tpu.memory_space<hbm>>) dst(%dma_wait3A_714 : memref<50x64xf32, #tpu.memory_space<vmem>>)
    %dma_wait3A_721 = arith.constant 28 : i32
    %dma_wait3A_722 = arith.constant 28 : i32
    %dma_wait3A_723 = arith.constant 0 : i32
    %dma_wait3A_724 = arith.constant 0 : i32
    %dma_wait3A_725 = tpu.memref_slice %arg6[%dma_wait3A_722, %dma_wait3A_723, %dma_wait3A_724] : memref<32x50x64xf32, #tpu.memory_space<vmem>> -> memref<1x50x64xf32, #tpu.memory_space<vmem>>
    %dma_wait3A_726 = tpu.memref_squeeze %dma_wait3A_725 : memref<1x50x64xf32, #tpu.memory_space<vmem>> -> memref<50x64xf32, #tpu.memory_space<vmem>>
    %dma_wait3A_727 = arith.constant 0 : i32
    %dma_wait3A_728 = tpu.memref_slice %arg5[%dma_wait3A_721, %dma_wait3A_727] : memref<32x50xi32, #tpu.memory_space<vmem>> -> memref<1x50xi32, #tpu.memory_space<vmem>>
    %dma_wait3A_729 = tpu.memref_squeeze %dma_wait3A_728 : memref<1x50xi32, #tpu.memory_space<vmem>> -> memref<50xi32, #tpu.memory_space<vmem>>
    %dma_wait3A_730 = arith.constant 0 : i32
    %dma_wait3A_731 = arith.constant 0 : i32
    %dma_wait3A_732 = tpu.memref_slice %arg3[%dma_wait3A_730, %dma_wait3A_731] : memref<100000x64xf32, #tpu.memory_space<hbm>> -> memref<100000x64xf32, #tpu.memory_space<hbm>>
    tpu.wait_indirect_dma semaphore(%arg8 : memref<!tpu.dma_semaphore, #tpu.memory_space<semaphore_mem>>) src(%dma_wait3A_732 : memref<100000x64xf32, #tpu.memory_space<hbm>>) dst(%dma_wait3A_726 : memref<50x64xf32, #tpu.memory_space<vmem>>)
    %dma_wait3A_733 = arith.constant 29 : i32
    %dma_wait3A_734 = arith.constant 29 : i32
    %dma_wait3A_735 = arith.constant 0 : i32
    %dma_wait3A_736 = arith.constant 0 : i32
    %dma_wait3A_737 = tpu.memref_slice %arg6[%dma_wait3A_734, %dma_wait3A_735, %dma_wait3A_736] : memref<32x50x64xf32, #tpu.memory_space<vmem>> -> memref<1x50x64xf32, #tpu.memory_space<vmem>>
    %dma_wait3A_738 = tpu.memref_squeeze %dma_wait3A_737 : memref<1x50x64xf32, #tpu.memory_space<vmem>> -> memref<50x64xf32, #tpu.memory_space<vmem>>
    %dma_wait3A_739 = arith.constant 0 : i32
    %dma_wait3A_740 = tpu.memref_slice %arg5[%dma_wait3A_733, %dma_wait3A_739] : memref<32x50xi32, #tpu.memory_space<vmem>> -> memref<1x50xi32, #tpu.memory_space<vmem>>
    %dma_wait3A_741 = tpu.memref_squeeze %dma_wait3A_740 : memref<1x50xi32, #tpu.memory_space<vmem>> -> memref<50xi32, #tpu.memory_space<vmem>>
    %dma_wait3A_742 = arith.constant 0 : i32
    %dma_wait3A_743 = arith.constant 0 : i32
    %dma_wait3A_744 = tpu.memref_slice %arg3[%dma_wait3A_742, %dma_wait3A_743] : memref<100000x64xf32, #tpu.memory_space<hbm>> -> memref<100000x64xf32, #tpu.memory_space<hbm>>
    tpu.wait_indirect_dma semaphore(%arg8 : memref<!tpu.dma_semaphore, #tpu.memory_space<semaphore_mem>>) src(%dma_wait3A_744 : memref<100000x64xf32, #tpu.memory_space<hbm>>) dst(%dma_wait3A_738 : memref<50x64xf32, #tpu.memory_space<vmem>>)
    %dma_wait3A_745 = arith.constant 30 : i32
    %dma_wait3A_746 = arith.constant 30 : i32
    %dma_wait3A_747 = arith.constant 0 : i32
    %dma_wait3A_748 = arith.constant 0 : i32
    %dma_wait3A_749 = tpu.memref_slice %arg6[%dma_wait3A_746, %dma_wait3A_747, %dma_wait3A_748] : memref<32x50x64xf32, #tpu.memory_space<vmem>> -> memref<1x50x64xf32, #tpu.memory_space<vmem>>
    %dma_wait3A_750 = tpu.memref_squeeze %dma_wait3A_749 : memref<1x50x64xf32, #tpu.memory_space<vmem>> -> memref<50x64xf32, #tpu.memory_space<vmem>>
    %dma_wait3A_751 = arith.constant 0 : i32
    %dma_wait3A_752 = tpu.memref_slice %arg5[%dma_wait3A_745, %dma_wait3A_751] : memref<32x50xi32, #tpu.memory_space<vmem>> -> memref<1x50xi32, #tpu.memory_space<vmem>>
    %dma_wait3A_753 = tpu.memref_squeeze %dma_wait3A_752 : memref<1x50xi32, #tpu.memory_space<vmem>> -> memref<50xi32, #tpu.memory_space<vmem>>
    %dma_wait3A_754 = arith.constant 0 : i32
    %dma_wait3A_755 = arith.constant 0 : i32
    %dma_wait3A_756 = tpu.memref_slice %arg3[%dma_wait3A_754, %dma_wait3A_755] : memref<100000x64xf32, #tpu.memory_space<hbm>> -> memref<100000x64xf32, #tpu.memory_space<hbm>>
    tpu.wait_indirect_dma semaphore(%arg8 : memref<!tpu.dma_semaphore, #tpu.memory_space<semaphore_mem>>) src(%dma_wait3A_756 : memref<100000x64xf32, #tpu.memory_space<hbm>>) dst(%dma_wait3A_750 : memref<50x64xf32, #tpu.memory_space<vmem>>)
    %dma_wait3A_757 = arith.constant 31 : i32
    %dma_wait3A_758 = arith.constant 31 : i32
    %dma_wait3A_759 = arith.constant 0 : i32
    %dma_wait3A_760 = arith.constant 0 : i32
    %dma_wait3A_761 = tpu.memref_slice %arg6[%dma_wait3A_758, %dma_wait3A_759, %dma_wait3A_760] : memref<32x50x64xf32, #tpu.memory_space<vmem>> -> memref<1x50x64xf32, #tpu.memory_space<vmem>>
    %dma_wait3A_762 = tpu.memref_squeeze %dma_wait3A_761 : memref<1x50x64xf32, #tpu.memory_space<vmem>> -> memref<50x64xf32, #tpu.memory_space<vmem>>
    %dma_wait3A_763 = arith.constant 0 : i32
    %dma_wait3A_764 = tpu.memref_slice %arg5[%dma_wait3A_757, %dma_wait3A_763] : memref<32x50xi32, #tpu.memory_space<vmem>> -> memref<1x50xi32, #tpu.memory_space<vmem>>
    %dma_wait3A_765 = tpu.memref_squeeze %dma_wait3A_764 : memref<1x50xi32, #tpu.memory_space<vmem>> -> memref<50xi32, #tpu.memory_space<vmem>>
    %dma_wait3A_766 = arith.constant 0 : i32
    %dma_wait3A_767 = arith.constant 0 : i32
    %dma_wait3A_768 = tpu.memref_slice %arg3[%dma_wait3A_766, %dma_wait3A_767] : memref<100000x64xf32, #tpu.memory_space<hbm>> -> memref<100000x64xf32, #tpu.memory_space<hbm>>
    tpu.wait_indirect_dma semaphore(%arg8 : memref<!tpu.dma_semaphore, #tpu.memory_space<semaphore_mem>>) src(%dma_wait3A_768 : memref<100000x64xf32, #tpu.memory_space<hbm>>) dst(%dma_wait3A_762 : memref<50x64xf32, #tpu.memory_space<vmem>>)
    %scan3A = arith.constant 0 : i32
    %scan3A_769 = arith.constant 0 : i32
    %scan3A_770 = arith.constant 32 : i32
    %scan3A_771 = arith.addi %scan3A_769, %scan3A_770 : i32
    %scan3A_772 = arith.constant 1 : i32
    scf.for %scan3A_774 = %scan3A_769 to %scan3A_771 step %scan3A_772  : i32 {
      %get3A = arith.constant 0 : i32
      %get3A_775 = arith.index_cast %scan3A_774 : i32 to index
      %get3A_776 = arith.index_cast %get3A : i32 to index
      %get3A_777 = arith.constant 0 : index
      %get3A_778 = tpu.vector_load %arg6[%get3A_775, %get3A_776, %get3A_777] {strides = array<i32>} : memref<32x50x64xf32, #tpu.memory_space<vmem>>, vector<1x1x16xf32>,
      %get3A_779 = vector.shape_cast %get3A_778 : vector<1x1x16xf32> to vector<16xf32>
      %get3A_780 = arith.constant 0 : i32
      %get3A_781 = arith.index_cast %scan3A_774 : i32 to index
      %get3A_782 = arith.index_cast %get3A_780 : i32 to index
      %get3A_783 = arith.constant 16 : index
      %get3A_784 = tpu.vector_load %arg6[%get3A_781, %get3A_782, %get3A_783] {strides = array<i32>} : memref<32x50x64xf32, #tpu.memory_space<vmem>>, vector<1x1x16xf32>,
      %get3A_785 = vector.shape_cast %get3A_784 : vector<1x1x16xf32> to vector<16xf32>
      %get3A_786 = arith.constant 0 : i32
      %get3A_787 = arith.index_cast %scan3A_774 : i32 to index
      %get3A_788 = arith.index_cast %get3A_786 : i32 to index
      %get3A_789 = arith.constant 32 : index
      %get3A_790 = tpu.vector_load %arg6[%get3A_787, %get3A_788, %get3A_789] {strides = array<i32>} : memref<32x50x64xf32, #tpu.memory_space<vmem>>, vector<1x1x16xf32>,
      %get3A_791 = vector.shape_cast %get3A_790 : vector<1x1x16xf32> to vector<16xf32>
      %get3A_792 = arith.constant 0 : i32
      %get3A_793 = arith.index_cast %scan3A_774 : i32 to index
      %get3A_794 = arith.index_cast %get3A_792 : i32 to index
      %get3A_795 = arith.constant 48 : index
      %get3A_796 = tpu.vector_load %arg6[%get3A_793, %get3A_794, %get3A_795] {strides = array<i32>} : memref<32x50x64xf32, #tpu.memory_space<vmem>>, vector<1x1x16xf32>,
      %get3A_797 = vector.shape_cast %get3A_796 : vector<1x1x16xf32> to vector<16xf32>
      %get3A_798 = arith.constant 1 : i32
      %get3A_799 = arith.index_cast %scan3A_774 : i32 to index
      %get3A_800 = arith.index_cast %get3A_798 : i32 to index
      %get3A_801 = arith.constant 0 : index
      %get3A_802 = tpu.vector_load %arg6[%get3A_799, %get3A_800, %get3A_801] {strides = array<i32>} : memref<32x50x64xf32, #tpu.memory_space<vmem>>, vector<1x1x16xf32>,
      %get3A_803 = vector.shape_cast %get3A_802 : vector<1x1x16xf32> to vector<16xf32>
      %add3A_804 = arith.addf %get3A_779, %get3A_803 : vector<16xf32>
      %get3A_805 = arith.constant 1 : i32
      %get3A_806 = arith.index_cast %scan3A_774 : i32 to index
      %get3A_807 = arith.index_cast %get3A_805 : i32 to index
      %get3A_808 = arith.constant 16 : index
      %get3A_809 = tpu.vector_load %arg6[%get3A_806, %get3A_807, %get3A_808] {strides = array<i32>} : memref<32x50x64xf32, #tpu.memory_space<vmem>>, vector<1x1x16xf32>,
      %get3A_810 = vector.shape_cast %get3A_809 : vector<1x1x16xf32> to vector<16xf32>
      %add3A_811 = arith.addf %get3A_785, %get3A_810 : vector<16xf32>
      %get3A_812 = arith.constant 1 : i32
      %get3A_813 = arith.index_cast %scan3A_774 : i32 to index
      %get3A_814 = arith.index_cast %get3A_812 : i32 to index
      %get3A_815 = arith.constant 32 : index
      %get3A_816 = tpu.vector_load %arg6[%get3A_813, %get3A_814, %get3A_815] {strides = array<i32>} : memref<32x50x64xf32, #tpu.memory_space<vmem>>, vector<1x1x16xf32>,
      %get3A_817 = vector.shape_cast %get3A_816 : vector<1x1x16xf32> to vector<16xf32>
      %add3A_818 = arith.addf %get3A_791, %get3A_817 : vector<16xf32>
      %get3A_819 = arith.constant 1 : i32
      %get3A_820 = arith.index_cast %scan3A_774 : i32 to index
      %get3A_821 = arith.index_cast %get3A_819 : i32 to index
      %get3A_822 = arith.constant 48 : index
      %get3A_823 = tpu.vector_load %arg6[%get3A_820, %get3A_821, %get3A_822] {strides = array<i32>} : memref<32x50x64xf32, #tpu.memory_space<vmem>>, vector<1x1x16xf32>,
      %get3A_824 = vector.shape_cast %get3A_823 : vector<1x1x16xf32> to vector<16xf32>
      %add3A_825 = arith.addf %get3A_797, %get3A_824 : vector<16xf32>
      %get3A_826 = arith.constant 2 : i32
      %get3A_827 = arith.index_cast %scan3A_774 : i32 to index
      %get3A_828 = arith.index_cast %get3A_826 : i32 to index
      %get3A_829 = arith.constant 0 : index
      %get3A_830 = tpu.vector_load %arg6[%get3A_827, %get3A_828, %get3A_829] {strides = array<i32>} : memref<32x50x64xf32, #tpu.memory_space<vmem>>, vector<1x1x16xf32>,
      %get3A_831 = vector.shape_cast %get3A_830 : vector<1x1x16xf32> to vector<16xf32>
      %add3A_832 = arith.addf %add3A_804, %get3A_831 : vector<16xf32>
      %get3A_833 = arith.constant 2 : i32
      %get3A_834 = arith.index_cast %scan3A_774 : i32 to index
      %get3A_835 = arith.index_cast %get3A_833 : i32 to index
      %get3A_836 = arith.constant 16 : index
      %get3A_837 = tpu.vector_load %arg6[%get3A_834, %get3A_835, %get3A_836] {strides = array<i32>} : memref<32x50x64xf32, #tpu.memory_space<vmem>>, vector<1x1x16xf32>,
      %get3A_838 = vector.shape_cast %get3A_837 : vector<1x1x16xf32> to vector<16xf32>
      %add3A_839 = arith.addf %add3A_811, %get3A_838 : vector<16xf32>
      %get3A_840 = arith.constant 2 : i32
      %get3A_841 = arith.index_cast %scan3A_774 : i32 to index
      %get3A_842 = arith.index_cast %get3A_840 : i32 to index
      %get3A_843 = arith.constant 32 : index
      %get3A_844 = tpu.vector_load %arg6[%get3A_841, %get3A_842, %get3A_843] {strides = array<i32>} : memref<32x50x64xf32, #tpu.memory_space<vmem>>, vector<1x1x16xf32>,
      %get3A_845 = vector.shape_cast %get3A_844 : vector<1x1x16xf32> to vector<16xf32>
      %add3A_846 = arith.addf %add3A_818, %get3A_845 : vector<16xf32>
      %get3A_847 = arith.constant 2 : i32
      %get3A_848 = arith.index_cast %scan3A_774 : i32 to index
      %get3A_849 = arith.index_cast %get3A_847 : i32 to index
      %get3A_850 = arith.constant 48 : index
      %get3A_851 = tpu.vector_load %arg6[%get3A_848, %get3A_849, %get3A_850] {strides = array<i32>} : memref<32x50x64xf32, #tpu.memory_space<vmem>>, vector<1x1x16xf32>,
      %get3A_852 = vector.shape_cast %get3A_851 : vector<1x1x16xf32> to vector<16xf32>
      %add3A_853 = arith.addf %add3A_825, %get3A_852 : vector<16xf32>
      %get3A_854 = arith.constant 3 : i32
      %get3A_855 = arith.index_cast %scan3A_774 : i32 to index
      %get3A_856 = arith.index_cast %get3A_854 : i32 to index
      %get3A_857 = arith.constant 0 : index
      %get3A_858 = tpu.vector_load %arg6[%get3A_855, %get3A_856, %get3A_857] {strides = array<i32>} : memref<32x50x64xf32, #tpu.memory_space<vmem>>, vector<1x1x16xf32>,
      %get3A_859 = vector.shape_cast %get3A_858 : vector<1x1x16xf32> to vector<16xf32>
      %add3A_860 = arith.addf %add3A_832, %get3A_859 : vector<16xf32>
      %get3A_861 = arith.constant 3 : i32
      %get3A_862 = arith.index_cast %scan3A_774 : i32 to index
      %get3A_863 = arith.index_cast %get3A_861 : i32 to index
      %get3A_864 = arith.constant 16 : index
      %get3A_865 = tpu.vector_load %arg6[%get3A_862, %get3A_863, %get3A_864] {strides = array<i32>} : memref<32x50x64xf32, #tpu.memory_space<vmem>>, vector<1x1x16xf32>,
      %get3A_866 = vector.shape_cast %get3A_865 : vector<1x1x16xf32> to vector<16xf32>
      %add3A_867 = arith.addf %add3A_839, %get3A_866 : vector<16xf32>
      %get3A_868 = arith.constant 3 : i32
      %get3A_869 = arith.index_cast %scan3A_774 : i32 to index
      %get3A_870 = arith.index_cast %get3A_868 : i32 to index
      %get3A_871 = arith.constant 32 : index
      %get3A_872 = tpu.vector_load %arg6[%get3A_869, %get3A_870, %get3A_871] {strides = array<i32>} : memref<32x50x64xf32, #tpu.memory_space<vmem>>, vector<1x1x16xf32>,
      %get3A_873 = vector.shape_cast %get3A_872 : vector<1x1x16xf32> to vector<16xf32>
      %add3A_874 = arith.addf %add3A_846, %get3A_873 : vector<16xf32>
      %get3A_875 = arith.constant 3 : i32
      %get3A_876 = arith.index_cast %scan3A_774 : i32 to index
      %get3A_877 = arith.index_cast %get3A_875 : i32 to index
      %get3A_878 = arith.constant 48 : index
      %get3A_879 = tpu.vector_load %arg6[%get3A_876, %get3A_877, %get3A_878] {strides = array<i32>} : memref<32x50x64xf32, #tpu.memory_space<vmem>>, vector<1x1x16xf32>,
      %get3A_880 = vector.shape_cast %get3A_879 : vector<1x1x16xf32> to vector<16xf32>
      %add3A_881 = arith.addf %add3A_853, %get3A_880 : vector<16xf32>
      %get3A_882 = arith.constant 4 : i32
      %get3A_883 = arith.index_cast %scan3A_774 : i32 to index
      %get3A_884 = arith.index_cast %get3A_882 : i32 to index
      %get3A_885 = arith.constant 0 : index
      %get3A_886 = tpu.vector_load %arg6[%get3A_883, %get3A_884, %get3A_885] {strides = array<i32>} : memref<32x50x64xf32, #tpu.memory_space<vmem>>, vector<1x1x16xf32>,
      %get3A_887 = vector.shape_cast %get3A_886 : vector<1x1x16xf32> to vector<16xf32>
      %add3A_888 = arith.addf %add3A_860, %get3A_887 : vector<16xf32>
      %get3A_889 = arith.constant 4 : i32
      %get3A_890 = arith.index_cast %scan3A_774 : i32 to index
      %get3A_891 = arith.index_cast %get3A_889 : i32 to index
      %get3A_892 = arith.constant 16 : index
      %get3A_893 = tpu.vector_load %arg6[%get3A_890, %get3A_891, %get3A_892] {strides = array<i32>} : memref<32x50x64xf32, #tpu.memory_space<vmem>>, vector<1x1x16xf32>,
      %get3A_894 = vector.shape_cast %get3A_893 : vector<1x1x16xf32> to vector<16xf32>
      %add3A_895 = arith.addf %add3A_867, %get3A_894 : vector<16xf32>
      %get3A_896 = arith.constant 4 : i32
      %get3A_897 = arith.index_cast %scan3A_774 : i32 to index
      %get3A_898 = arith.index_cast %get3A_896 : i32 to index
      %get3A_899 = arith.constant 32 : index
      %get3A_900 = tpu.vector_load %arg6[%get3A_897, %get3A_898, %get3A_899] {strides = array<i32>} : memref<32x50x64xf32, #tpu.memory_space<vmem>>, vector<1x1x16xf32>,
      %get3A_901 = vector.shape_cast %get3A_900 : vector<1x1x16xf32> to vector<16xf32>
      %add3A_902 = arith.addf %add3A_874, %get3A_901 : vector<16xf32>
      %get3A_903 = arith.constant 4 : i32
      %get3A_904 = arith.index_cast %scan3A_774 : i32 to index
      %get3A_905 = arith.index_cast %get3A_903 : i32 to index
      %get3A_906 = arith.constant 48 : index
      %get3A_907 = tpu.vector_load %arg6[%get3A_904, %get3A_905, %get3A_906] {strides = array<i32>} : memref<32x50x64xf32, #tpu.memory_space<vmem>>, vector<1x1x16xf32>,
      %get3A_908 = vector.shape_cast %get3A_907 : vector<1x1x16xf32> to vector<16xf32>
      %add3A_909 = arith.addf %add3A_881, %get3A_908 : vector<16xf32>
      %get3A_910 = arith.constant 5 : i32
      %get3A_911 = arith.index_cast %scan3A_774 : i32 to index
      %get3A_912 = arith.index_cast %get3A_910 : i32 to index
      %get3A_913 = arith.constant 0 : index
      %get3A_914 = tpu.vector_load %arg6[%get3A_911, %get3A_912, %get3A_913] {strides = array<i32>} : memref<32x50x64xf32, #tpu.memory_space<vmem>>, vector<1x1x16xf32>,
      %get3A_915 = vector.shape_cast %get3A_914 : vector<1x1x16xf32> to vector<16xf32>
      %add3A_916 = arith.addf %add3A_888, %get3A_915 : vector<16xf32>
      %get3A_917 = arith.constant 5 : i32
      %get3A_918 = arith.index_cast %scan3A_774 : i32 to index
      %get3A_919 = arith.index_cast %get3A_917 : i32 to index
      %get3A_920 = arith.constant 16 : index
      %get3A_921 = tpu.vector_load %arg6[%get3A_918, %get3A_919, %get3A_920] {strides = array<i32>} : memref<32x50x64xf32, #tpu.memory_space<vmem>>, vector<1x1x16xf32>,
      %get3A_922 = vector.shape_cast %get3A_921 : vector<1x1x16xf32> to vector<16xf32>
      %add3A_923 = arith.addf %add3A_895, %get3A_922 : vector<16xf32>
      %get3A_924 = arith.constant 5 : i32
      %get3A_925 = arith.index_cast %scan3A_774 : i32 to index
      %get3A_926 = arith.index_cast %get3A_924 : i32 to index
      %get3A_927 = arith.constant 32 : index
      %get3A_928 = tpu.vector_load %arg6[%get3A_925, %get3A_926, %get3A_927] {strides = array<i32>} : memref<32x50x64xf32, #tpu.memory_space<vmem>>, vector<1x1x16xf32>,
      %get3A_929 = vector.shape_cast %get3A_928 : vector<1x1x16xf32> to vector<16xf32>
      %add3A_930 = arith.addf %add3A_902, %get3A_929 : vector<16xf32>
      %get3A_931 = arith.constant 5 : i32
      %get3A_932 = arith.index_cast %scan3A_774 : i32 to index
      %get3A_933 = arith.index_cast %get3A_931 : i32 to index
      %get3A_934 = arith.constant 48 : index
      %get3A_935 = tpu.vector_load %arg6[%get3A_932, %get3A_933, %get3A_934] {strides = array<i32>} : memref<32x50x64xf32, #tpu.memory_space<vmem>>, vector<1x1x16xf32>,
      %get3A_936 = vector.shape_cast %get3A_935 : vector<1x1x16xf32> to vector<16xf32>
      %add3A_937 = arith.addf %add3A_909, %get3A_936 : vector<16xf32>
      %get3A_938 = arith.constant 6 : i32
      %get3A_939 = arith.index_cast %scan3A_774 : i32 to index
      %get3A_940 = arith.index_cast %get3A_938 : i32 to index
      %get3A_941 = arith.constant 0 : index
      %get3A_942 = tpu.vector_load %arg6[%get3A_939, %get3A_940, %get3A_941] {strides = array<i32>} : memref<32x50x64xf32, #tpu.memory_space<vmem>>, vector<1x1x16xf32>,
      %get3A_943 = vector.shape_cast %get3A_942 : vector<1x1x16xf32> to vector<16xf32>
      %add3A_944 = arith.addf %add3A_916, %get3A_943 : vector<16xf32>
      %get3A_945 = arith.constant 6 : i32
      %get3A_946 = arith.index_cast %scan3A_774 : i32 to index
      %get3A_947 = arith.index_cast %get3A_945 : i32 to index
      %get3A_948 = arith.constant 16 : index
      %get3A_949 = tpu.vector_load %arg6[%get3A_946, %get3A_947, %get3A_948] {strides = array<i32>} : memref<32x50x64xf32, #tpu.memory_space<vmem>>, vector<1x1x16xf32>,
      %get3A_950 = vector.shape_cast %get3A_949 : vector<1x1x16xf32> to vector<16xf32>
      %add3A_951 = arith.addf %add3A_923, %get3A_950 : vector<16xf32>
      %get3A_952 = arith.constant 6 : i32
      %get3A_953 = arith.index_cast %scan3A_774 : i32 to index
      %get3A_954 = arith.index_cast %get3A_952 : i32 to index
      %get3A_955 = arith.constant 32 : index
      %get3A_956 = tpu.vector_load %arg6[%get3A_953, %get3A_954, %get3A_955] {strides = array<i32>} : memref<32x50x64xf32, #tpu.memory_space<vmem>>, vector<1x1x16xf32>,
      %get3A_957 = vector.shape_cast %get3A_956 : vector<1x1x16xf32> to vector<16xf32>
      %add3A_958 = arith.addf %add3A_930, %get3A_957 : vector<16xf32>
      %get3A_959 = arith.constant 6 : i32
      %get3A_960 = arith.index_cast %scan3A_774 : i32 to index
      %get3A_961 = arith.index_cast %get3A_959 : i32 to index
      %get3A_962 = arith.constant 48 : index
      %get3A_963 = tpu.vector_load %arg6[%get3A_960, %get3A_961, %get3A_962] {strides = array<i32>} : memref<32x50x64xf32, #tpu.memory_space<vmem>>, vector<1x1x16xf32>,
      %get3A_964 = vector.shape_cast %get3A_963 : vector<1x1x16xf32> to vector<16xf32>
      %add3A_965 = arith.addf %add3A_937, %get3A_964 : vector<16xf32>
      %get3A_966 = arith.constant 7 : i32
      %get3A_967 = arith.index_cast %scan3A_774 : i32 to index
      %get3A_968 = arith.index_cast %get3A_966 : i32 to index
      %get3A_969 = arith.constant 0 : index
      %get3A_970 = tpu.vector_load %arg6[%get3A_967, %get3A_968, %get3A_969] {strides = array<i32>} : memref<32x50x64xf32, #tpu.memory_space<vmem>>, vector<1x1x16xf32>,
      %get3A_971 = vector.shape_cast %get3A_970 : vector<1x1x16xf32> to vector<16xf32>
      %add3A_972 = arith.addf %add3A_944, %get3A_971 : vector<16xf32>
      %get3A_973 = arith.constant 7 : i32
      %get3A_974 = arith.index_cast %scan3A_774 : i32 to index
      %get3A_975 = arith.index_cast %get3A_973 : i32 to index
      %get3A_976 = arith.constant 16 : index
      %get3A_977 = tpu.vector_load %arg6[%get3A_974, %get3A_975, %get3A_976] {strides = array<i32>} : memref<32x50x64xf32, #tpu.memory_space<vmem>>, vector<1x1x16xf32>,
      %get3A_978 = vector.shape_cast %get3A_977 : vector<1x1x16xf32> to vector<16xf32>
      %add3A_979 = arith.addf %add3A_951, %get3A_978 : vector<16xf32>
      %get3A_980 = arith.constant 7 : i32
      %get3A_981 = arith.index_cast %scan3A_774 : i32 to index
      %get3A_982 = arith.index_cast %get3A_980 : i32 to index
      %get3A_983 = arith.constant 32 : index
      %get3A_984 = tpu.vector_load %arg6[%get3A_981, %get3A_982, %get3A_983] {strides = array<i32>} : memref<32x50x64xf32, #tpu.memory_space<vmem>>, vector<1x1x16xf32>,
      %get3A_985 = vector.shape_cast %get3A_984 : vector<1x1x16xf32> to vector<16xf32>
      %add3A_986 = arith.addf %add3A_958, %get3A_985 : vector<16xf32>
      %get3A_987 = arith.constant 7 : i32
      %get3A_988 = arith.index_cast %scan3A_774 : i32 to index
      %get3A_989 = arith.index_cast %get3A_987 : i32 to index
      %get3A_990 = arith.constant 48 : index
      %get3A_991 = tpu.vector_load %arg6[%get3A_988, %get3A_989, %get3A_990] {strides = array<i32>} : memref<32x50x64xf32, #tpu.memory_space<vmem>>, vector<1x1x16xf32>,
      %get3A_992 = vector.shape_cast %get3A_991 : vector<1x1x16xf32> to vector<16xf32>
      %add3A_993 = arith.addf %add3A_965, %get3A_992 : vector<16xf32>
      %get3A_994 = arith.constant 8 : i32
      %get3A_995 = arith.index_cast %scan3A_774 : i32 to index
      %get3A_996 = arith.index_cast %get3A_994 : i32 to index
      %get3A_997 = arith.constant 0 : index
      %get3A_998 = tpu.vector_load %arg6[%get3A_995, %get3A_996, %get3A_997] {strides = array<i32>} : memref<32x50x64xf32, #tpu.memory_space<vmem>>, vector<1x1x16xf32>,
      %get3A_999 = vector.shape_cast %get3A_998 : vector<1x1x16xf32> to vector<16xf32>
      %add3A_1000 = arith.addf %add3A_972, %get3A_999 : vector<16xf32>
      %get3A_1001 = arith.constant 8 : i32
      %get3A_1002 = arith.index_cast %scan3A_774 : i32 to index
      %get3A_1003 = arith.index_cast %get3A_1001 : i32 to index
      %get3A_1004 = arith.constant 16 : index
      %get3A_1005 = tpu.vector_load %arg6[%get3A_1002, %get3A_1003, %get3A_1004] {strides = array<i32>} : memref<32x50x64xf32, #tpu.memory_space<vmem>>, vector<1x1x16xf32>,
      %get3A_1006 = vector.shape_cast %get3A_1005 : vector<1x1x16xf32> to vector<16xf32>
      %add3A_1007 = arith.addf %add3A_979, %get3A_1006 : vector<16xf32>
      %get3A_1008 = arith.constant 8 : i32
      %get3A_1009 = arith.index_cast %scan3A_774 : i32 to index
      %get3A_1010 = arith.index_cast %get3A_1008 : i32 to index
      %get3A_1011 = arith.constant 32 : index
      %get3A_1012 = tpu.vector_load %arg6[%get3A_1009, %get3A_1010, %get3A_1011] {strides = array<i32>} : memref<32x50x64xf32, #tpu.memory_space<vmem>>, vector<1x1x16xf32>,
      %get3A_1013 = vector.shape_cast %get3A_1012 : vector<1x1x16xf32> to vector<16xf32>
      %add3A_1014 = arith.addf %add3A_986, %get3A_1013 : vector<16xf32>
      %get3A_1015 = arith.constant 8 : i32
      %get3A_1016 = arith.index_cast %scan3A_774 : i32 to index
      %get3A_1017 = arith.index_cast %get3A_1015 : i32 to index
      %get3A_1018 = arith.constant 48 : index
      %get3A_1019 = tpu.vector_load %arg6[%get3A_1016, %get3A_1017, %get3A_1018] {strides = array<i32>} : memref<32x50x64xf32, #tpu.memory_space<vmem>>, vector<1x1x16xf32>,
      %get3A_1020 = vector.shape_cast %get3A_1019 : vector<1x1x16xf32> to vector<16xf32>
      %add3A_1021 = arith.addf %add3A_993, %get3A_1020 : vector<16xf32>
      %get3A_1022 = arith.constant 9 : i32
      %get3A_1023 = arith.index_cast %scan3A_774 : i32 to index
      %get3A_1024 = arith.index_cast %get3A_1022 : i32 to index
      %get3A_1025 = arith.constant 0 : index
      %get3A_1026 = tpu.vector_load %arg6[%get3A_1023, %get3A_1024, %get3A_1025] {strides = array<i32>} : memref<32x50x64xf32, #tpu.memory_space<vmem>>, vector<1x1x16xf32>,
      %get3A_1027 = vector.shape_cast %get3A_1026 : vector<1x1x16xf32> to vector<16xf32>
      %add3A_1028 = arith.addf %add3A_1000, %get3A_1027 : vector<16xf32>
      %get3A_1029 = arith.constant 9 : i32
      %get3A_1030 = arith.index_cast %scan3A_774 : i32 to index
      %get3A_1031 = arith.index_cast %get3A_1029 : i32 to index
      %get3A_1032 = arith.constant 16 : index
      %get3A_1033 = tpu.vector_load %arg6[%get3A_1030, %get3A_1031, %get3A_1032] {strides = array<i32>} : memref<32x50x64xf32, #tpu.memory_space<vmem>>, vector<1x1x16xf32>,
      %get3A_1034 = vector.shape_cast %get3A_1033 : vector<1x1x16xf32> to vector<16xf32>
      %add3A_1035 = arith.addf %add3A_1007, %get3A_1034 : vector<16xf32>
      %get3A_1036 = arith.constant 9 : i32
      %get3A_1037 = arith.index_cast %scan3A_774 : i32 to index
      %get3A_1038 = arith.index_cast %get3A_1036 : i32 to index
      %get3A_1039 = arith.constant 32 : index
      %get3A_1040 = tpu.vector_load %arg6[%get3A_1037, %get3A_1038, %get3A_1039] {strides = array<i32>} : memref<32x50x64xf32, #tpu.memory_space<vmem>>, vector<1x1x16xf32>,
      %get3A_1041 = vector.shape_cast %get3A_1040 : vector<1x1x16xf32> to vector<16xf32>
      %add3A_1042 = arith.addf %add3A_1014, %get3A_1041 : vector<16xf32>
      %get3A_1043 = arith.constant 9 : i32
      %get3A_1044 = arith.index_cast %scan3A_774 : i32 to index
      %get3A_1045 = arith.index_cast %get3A_1043 : i32 to index
      %get3A_1046 = arith.constant 48 : index
      %get3A_1047 = tpu.vector_load %arg6[%get3A_1044, %get3A_1045, %get3A_1046] {strides = array<i32>} : memref<32x50x64xf32, #tpu.memory_space<vmem>>, vector<1x1x16xf32>,
      %get3A_1048 = vector.shape_cast %get3A_1047 : vector<1x1x16xf32> to vector<16xf32>
      %add3A_1049 = arith.addf %add3A_1021, %get3A_1048 : vector<16xf32>
      %get3A_1050 = arith.constant 10 : i32
      %get3A_1051 = arith.index_cast %scan3A_774 : i32 to index
      %get3A_1052 = arith.index_cast %get3A_1050 : i32 to index
      %get3A_1053 = arith.constant 0 : index
      %get3A_1054 = tpu.vector_load %arg6[%get3A_1051, %get3A_1052, %get3A_1053] {strides = array<i32>} : memref<32x50x64xf32, #tpu.memory_space<vmem>>, vector<1x1x16xf32>,
      %get3A_1055 = vector.shape_cast %get3A_1054 : vector<1x1x16xf32> to vector<16xf32>
      %add3A_1056 = arith.addf %add3A_1028, %get3A_1055 : vector<16xf32>
      %get3A_1057 = arith.constant 10 : i32
      %get3A_1058 = arith.index_cast %scan3A_774 : i32 to index
      %get3A_1059 = arith.index_cast %get3A_1057 : i32 to index
      %get3A_1060 = arith.constant 16 : index
      %get3A_1061 = tpu.vector_load %arg6[%get3A_1058, %get3A_1059, %get3A_1060] {strides = array<i32>} : memref<32x50x64xf32, #tpu.memory_space<vmem>>, vector<1x1x16xf32>,
      %get3A_1062 = vector.shape_cast %get3A_1061 : vector<1x1x16xf32> to vector<16xf32>
      %add3A_1063 = arith.addf %add3A_1035, %get3A_1062 : vector<16xf32>
      %get3A_1064 = arith.constant 10 : i32
      %get3A_1065 = arith.index_cast %scan3A_774 : i32 to index
      %get3A_1066 = arith.index_cast %get3A_1064 : i32 to index
      %get3A_1067 = arith.constant 32 : index
      %get3A_1068 = tpu.vector_load %arg6[%get3A_1065, %get3A_1066, %get3A_1067] {strides = array<i32>} : memref<32x50x64xf32, #tpu.memory_space<vmem>>, vector<1x1x16xf32>,
      %get3A_1069 = vector.shape_cast %get3A_1068 : vector<1x1x16xf32> to vector<16xf32>
      %add3A_1070 = arith.addf %add3A_1042, %get3A_1069 : vector<16xf32>
      %get3A_1071 = arith.constant 10 : i32
      %get3A_1072 = arith.index_cast %scan3A_774 : i32 to index
      %get3A_1073 = arith.index_cast %get3A_1071 : i32 to index
      %get3A_1074 = arith.constant 48 : index
      %get3A_1075 = tpu.vector_load %arg6[%get3A_1072, %get3A_1073, %get3A_1074] {strides = array<i32>} : memref<32x50x64xf32, #tpu.memory_space<vmem>>, vector<1x1x16xf32>,
      %get3A_1076 = vector.shape_cast %get3A_1075 : vector<1x1x16xf32> to vector<16xf32>
      %add3A_1077 = arith.addf %add3A_1049, %get3A_1076 : vector<16xf32>
      %get3A_1078 = arith.constant 11 : i32
      %get3A_1079 = arith.index_cast %scan3A_774 : i32 to index
      %get3A_1080 = arith.index_cast %get3A_1078 : i32 to index
      %get3A_1081 = arith.constant 0 : index
      %get3A_1082 = tpu.vector_load %arg6[%get3A_1079, %get3A_1080, %get3A_1081] {strides = array<i32>} : memref<32x50x64xf32, #tpu.memory_space<vmem>>, vector<1x1x16xf32>,
      %get3A_1083 = vector.shape_cast %get3A_1082 : vector<1x1x16xf32> to vector<16xf32>
      %add3A_1084 = arith.addf %add3A_1056, %get3A_1083 : vector<16xf32>
      %get3A_1085 = arith.constant 11 : i32
      %get3A_1086 = arith.index_cast %scan3A_774 : i32 to index
      %get3A_1087 = arith.index_cast %get3A_1085 : i32 to index
      %get3A_1088 = arith.constant 16 : index
      %get3A_1089 = tpu.vector_load %arg6[%get3A_1086, %get3A_1087, %get3A_1088] {strides = array<i32>} : memref<32x50x64xf32, #tpu.memory_space<vmem>>, vector<1x1x16xf32>,
      %get3A_1090 = vector.shape_cast %get3A_1089 : vector<1x1x16xf32> to vector<16xf32>
      %add3A_1091 = arith.addf %add3A_1063, %get3A_1090 : vector<16xf32>
      %get3A_1092 = arith.constant 11 : i32
      %get3A_1093 = arith.index_cast %scan3A_774 : i32 to index
      %get3A_1094 = arith.index_cast %get3A_1092 : i32 to index
      %get3A_1095 = arith.constant 32 : index
      %get3A_1096 = tpu.vector_load %arg6[%get3A_1093, %get3A_1094, %get3A_1095] {strides = array<i32>} : memref<32x50x64xf32, #tpu.memory_space<vmem>>, vector<1x1x16xf32>,
      %get3A_1097 = vector.shape_cast %get3A_1096 : vector<1x1x16xf32> to vector<16xf32>
      %add3A_1098 = arith.addf %add3A_1070, %get3A_1097 : vector<16xf32>
      %get3A_1099 = arith.constant 11 : i32
      %get3A_1100 = arith.index_cast %scan3A_774 : i32 to index
      %get3A_1101 = arith.index_cast %get3A_1099 : i32 to index
      %get3A_1102 = arith.constant 48 : index
      %get3A_1103 = tpu.vector_load %arg6[%get3A_1100, %get3A_1101, %get3A_1102] {strides = array<i32>} : memref<32x50x64xf32, #tpu.memory_space<vmem>>, vector<1x1x16xf32>,
      %get3A_1104 = vector.shape_cast %get3A_1103 : vector<1x1x16xf32> to vector<16xf32>
      %add3A_1105 = arith.addf %add3A_1077, %get3A_1104 : vector<16xf32>
      %get3A_1106 = arith.constant 12 : i32
      %get3A_1107 = arith.index_cast %scan3A_774 : i32 to index
      %get3A_1108 = arith.index_cast %get3A_1106 : i32 to index
      %get3A_1109 = arith.constant 0 : index
      %get3A_1110 = tpu.vector_load %arg6[%get3A_1107, %get3A_1108, %get3A_1109] {strides = array<i32>} : memref<32x50x64xf32, #tpu.memory_space<vmem>>, vector<1x1x16xf32>,
      %get3A_1111 = vector.shape_cast %get3A_1110 : vector<1x1x16xf32> to vector<16xf32>
      %add3A_1112 = arith.addf %add3A_1084, %get3A_1111 : vector<16xf32>
      %get3A_1113 = arith.constant 12 : i32
      %get3A_1114 = arith.index_cast %scan3A_774 : i32 to index
      %get3A_1115 = arith.index_cast %get3A_1113 : i32 to index
      %get3A_1116 = arith.constant 16 : index
      %get3A_1117 = tpu.vector_load %arg6[%get3A_1114, %get3A_1115, %get3A_1116] {strides = array<i32>} : memref<32x50x64xf32, #tpu.memory_space<vmem>>, vector<1x1x16xf32>,
      %get3A_1118 = vector.shape_cast %get3A_1117 : vector<1x1x16xf32> to vector<16xf32>
      %add3A_1119 = arith.addf %add3A_1091, %get3A_1118 : vector<16xf32>
      %get3A_1120 = arith.constant 12 : i32
      %get3A_1121 = arith.index_cast %scan3A_774 : i32 to index
      %get3A_1122 = arith.index_cast %get3A_1120 : i32 to index
      %get3A_1123 = arith.constant 32 : index
      %get3A_1124 = tpu.vector_load %arg6[%get3A_1121, %get3A_1122, %get3A_1123] {strides = array<i32>} : memref<32x50x64xf32, #tpu.memory_space<vmem>>, vector<1x1x16xf32>,
      %get3A_1125 = vector.shape_cast %get3A_1124 : vector<1x1x16xf32> to vector<16xf32>
      %add3A_1126 = arith.addf %add3A_1098, %get3A_1125 : vector<16xf32>
      %get3A_1127 = arith.constant 12 : i32
      %get3A_1128 = arith.index_cast %scan3A_774 : i32 to index
      %get3A_1129 = arith.index_cast %get3A_1127 : i32 to index
      %get3A_1130 = arith.constant 48 : index
      %get3A_1131 = tpu.vector_load %arg6[%get3A_1128, %get3A_1129, %get3A_1130] {strides = array<i32>} : memref<32x50x64xf32, #tpu.memory_space<vmem>>, vector<1x1x16xf32>,
      %get3A_1132 = vector.shape_cast %get3A_1131 : vector<1x1x16xf32> to vector<16xf32>
      %add3A_1133 = arith.addf %add3A_1105, %get3A_1132 : vector<16xf32>
      %get3A_1134 = arith.constant 13 : i32
      %get3A_1135 = arith.index_cast %scan3A_774 : i32 to index
      %get3A_1136 = arith.index_cast %get3A_1134 : i32 to index
      %get3A_1137 = arith.constant 0 : index
      %get3A_1138 = tpu.vector_load %arg6[%get3A_1135, %get3A_1136, %get3A_1137] {strides = array<i32>} : memref<32x50x64xf32, #tpu.memory_space<vmem>>, vector<1x1x16xf32>,
      %get3A_1139 = vector.shape_cast %get3A_1138 : vector<1x1x16xf32> to vector<16xf32>
      %add3A_1140 = arith.addf %add3A_1112, %get3A_1139 : vector<16xf32>
      %get3A_1141 = arith.constant 13 : i32
      %get3A_1142 = arith.index_cast %scan3A_774 : i32 to index
      %get3A_1143 = arith.index_cast %get3A_1141 : i32 to index
      %get3A_1144 = arith.constant 16 : index
      %get3A_1145 = tpu.vector_load %arg6[%get3A_1142, %get3A_1143, %get3A_1144] {strides = array<i32>} : memref<32x50x64xf32, #tpu.memory_space<vmem>>, vector<1x1x16xf32>,
      %get3A_1146 = vector.shape_cast %get3A_1145 : vector<1x1x16xf32> to vector<16xf32>
      %add3A_1147 = arith.addf %add3A_1119, %get3A_1146 : vector<16xf32>
      %get3A_1148 = arith.constant 13 : i32
      %get3A_1149 = arith.index_cast %scan3A_774 : i32 to index
      %get3A_1150 = arith.index_cast %get3A_1148 : i32 to index
      %get3A_1151 = arith.constant 32 : index
      %get3A_1152 = tpu.vector_load %arg6[%get3A_1149, %get3A_1150, %get3A_1151] {strides = array<i32>} : memref<32x50x64xf32, #tpu.memory_space<vmem>>, vector<1x1x16xf32>,
      %get3A_1153 = vector.shape_cast %get3A_1152 : vector<1x1x16xf32> to vector<16xf32>
      %add3A_1154 = arith.addf %add3A_1126, %get3A_1153 : vector<16xf32>
      %get3A_1155 = arith.constant 13 : i32
      %get3A_1156 = arith.index_cast %scan3A_774 : i32 to index
      %get3A_1157 = arith.index_cast %get3A_1155 : i32 to index
      %get3A_1158 = arith.constant 48 : index
      %get3A_1159 = tpu.vector_load %arg6[%get3A_1156, %get3A_1157, %get3A_1158] {strides = array<i32>} : memref<32x50x64xf32, #tpu.memory_space<vmem>>, vector<1x1x16xf32>,
      %get3A_1160 = vector.shape_cast %get3A_1159 : vector<1x1x16xf32> to vector<16xf32>
      %add3A_1161 = arith.addf %add3A_1133, %get3A_1160 : vector<16xf32>
      %get3A_1162 = arith.constant 14 : i32
      %get3A_1163 = arith.index_cast %scan3A_774 : i32 to index
      %get3A_1164 = arith.index_cast %get3A_1162 : i32 to index
      %get3A_1165 = arith.constant 0 : index
      %get3A_1166 = tpu.vector_load %arg6[%get3A_1163, %get3A_1164, %get3A_1165] {strides = array<i32>} : memref<32x50x64xf32, #tpu.memory_space<vmem>>, vector<1x1x16xf32>,
      %get3A_1167 = vector.shape_cast %get3A_1166 : vector<1x1x16xf32> to vector<16xf32>
      %add3A_1168 = arith.addf %add3A_1140, %get3A_1167 : vector<16xf32>
      %get3A_1169 = arith.constant 14 : i32
      %get3A_1170 = arith.index_cast %scan3A_774 : i32 to index
      %get3A_1171 = arith.index_cast %get3A_1169 : i32 to index
      %get3A_1172 = arith.constant 16 : index
      %get3A_1173 = tpu.vector_load %arg6[%get3A_1170, %get3A_1171, %get3A_1172] {strides = array<i32>} : memref<32x50x64xf32, #tpu.memory_space<vmem>>, vector<1x1x16xf32>,
      %get3A_1174 = vector.shape_cast %get3A_1173 : vector<1x1x16xf32> to vector<16xf32>
      %add3A_1175 = arith.addf %add3A_1147, %get3A_1174 : vector<16xf32>
      %get3A_1176 = arith.constant 14 : i32
      %get3A_1177 = arith.index_cast %scan3A_774 : i32 to index
      %get3A_1178 = arith.index_cast %get3A_1176 : i32 to index
      %get3A_1179 = arith.constant 32 : index
      %get3A_1180 = tpu.vector_load %arg6[%get3A_1177, %get3A_1178, %get3A_1179] {strides = array<i32>} : memref<32x50x64xf32, #tpu.memory_space<vmem>>, vector<1x1x16xf32>,
      %get3A_1181 = vector.shape_cast %get3A_1180 : vector<1x1x16xf32> to vector<16xf32>
      %add3A_1182 = arith.addf %add3A_1154, %get3A_1181 : vector<16xf32>
      %get3A_1183 = arith.constant 14 : i32
      %get3A_1184 = arith.index_cast %scan3A_774 : i32 to index
      %get3A_1185 = arith.index_cast %get3A_1183 : i32 to index
      %get3A_1186 = arith.constant 48 : index
      %get3A_1187 = tpu.vector_load %arg6[%get3A_1184, %get3A_1185, %get3A_1186] {strides = array<i32>} : memref<32x50x64xf32, #tpu.memory_space<vmem>>, vector<1x1x16xf32>,
      %get3A_1188 = vector.shape_cast %get3A_1187 : vector<1x1x16xf32> to vector<16xf32>
      %add3A_1189 = arith.addf %add3A_1161, %get3A_1188 : vector<16xf32>
      %get3A_1190 = arith.constant 15 : i32
      %get3A_1191 = arith.index_cast %scan3A_774 : i32 to index
      %get3A_1192 = arith.index_cast %get3A_1190 : i32 to index
      %get3A_1193 = arith.constant 0 : index
      %get3A_1194 = tpu.vector_load %arg6[%get3A_1191, %get3A_1192, %get3A_1193] {strides = array<i32>} : memref<32x50x64xf32, #tpu.memory_space<vmem>>, vector<1x1x16xf32>,
      %get3A_1195 = vector.shape_cast %get3A_1194 : vector<1x1x16xf32> to vector<16xf32>
      %add3A_1196 = arith.addf %add3A_1168, %get3A_1195 : vector<16xf32>
      %get3A_1197 = arith.constant 15 : i32
      %get3A_1198 = arith.index_cast %scan3A_774 : i32 to index
      %get3A_1199 = arith.index_cast %get3A_1197 : i32 to index
      %get3A_1200 = arith.constant 16 : index
      %get3A_1201 = tpu.vector_load %arg6[%get3A_1198, %get3A_1199, %get3A_1200] {strides = array<i32>} : memref<32x50x64xf32, #tpu.memory_space<vmem>>, vector<1x1x16xf32>,
      %get3A_1202 = vector.shape_cast %get3A_1201 : vector<1x1x16xf32> to vector<16xf32>
      %add3A_1203 = arith.addf %add3A_1175, %get3A_1202 : vector<16xf32>
      %get3A_1204 = arith.constant 15 : i32
      %get3A_1205 = arith.index_cast %scan3A_774 : i32 to index
      %get3A_1206 = arith.index_cast %get3A_1204 : i32 to index
      %get3A_1207 = arith.constant 32 : index
      %get3A_1208 = tpu.vector_load %arg6[%get3A_1205, %get3A_1206, %get3A_1207] {strides = array<i32>} : memref<32x50x64xf32, #tpu.memory_space<vmem>>, vector<1x1x16xf32>,
      %get3A_1209 = vector.shape_cast %get3A_1208 : vector<1x1x16xf32> to vector<16xf32>
      %add3A_1210 = arith.addf %add3A_1182, %get3A_1209 : vector<16xf32>
      %get3A_1211 = arith.constant 15 : i32
      %get3A_1212 = arith.index_cast %scan3A_774 : i32 to index
      %get3A_1213 = arith.index_cast %get3A_1211 : i32 to index
      %get3A_1214 = arith.constant 48 : index
      %get3A_1215 = tpu.vector_load %arg6[%get3A_1212, %get3A_1213, %get3A_1214] {strides = array<i32>} : memref<32x50x64xf32, #tpu.memory_space<vmem>>, vector<1x1x16xf32>,
      %get3A_1216 = vector.shape_cast %get3A_1215 : vector<1x1x16xf32> to vector<16xf32>
      %add3A_1217 = arith.addf %add3A_1189, %get3A_1216 : vector<16xf32>
      %get3A_1218 = arith.constant 16 : i32
      %get3A_1219 = arith.index_cast %scan3A_774 : i32 to index
      %get3A_1220 = arith.index_cast %get3A_1218 : i32 to index
      %get3A_1221 = arith.constant 0 : index
      %get3A_1222 = tpu.vector_load %arg6[%get3A_1219, %get3A_1220, %get3A_1221] {strides = array<i32>} : memref<32x50x64xf32, #tpu.memory_space<vmem>>, vector<1x1x16xf32>,
      %get3A_1223 = vector.shape_cast %get3A_1222 : vector<1x1x16xf32> to vector<16xf32>
      %add3A_1224 = arith.addf %add3A_1196, %get3A_1223 : vector<16xf32>
      %get3A_1225 = arith.constant 16 : i32
      %get3A_1226 = arith.index_cast %scan3A_774 : i32 to index
      %get3A_1227 = arith.index_cast %get3A_1225 : i32 to index
      %get3A_1228 = arith.constant 16 : index
      %get3A_1229 = tpu.vector_load %arg6[%get3A_1226, %get3A_1227, %get3A_1228] {strides = array<i32>} : memref<32x50x64xf32, #tpu.memory_space<vmem>>, vector<1x1x16xf32>,
      %get3A_1230 = vector.shape_cast %get3A_1229 : vector<1x1x16xf32> to vector<16xf32>
      %add3A_1231 = arith.addf %add3A_1203, %get3A_1230 : vector<16xf32>
      %get3A_1232 = arith.constant 16 : i32
      %get3A_1233 = arith.index_cast %scan3A_774 : i32 to index
      %get3A_1234 = arith.index_cast %get3A_1232 : i32 to index
      %get3A_1235 = arith.constant 32 : index
      %get3A_1236 = tpu.vector_load %arg6[%get3A_1233, %get3A_1234, %get3A_1235] {strides = array<i32>} : memref<32x50x64xf32, #tpu.memory_space<vmem>>, vector<1x1x16xf32>,
      %get3A_1237 = vector.shape_cast %get3A_1236 : vector<1x1x16xf32> to vector<16xf32>
      %add3A_1238 = arith.addf %add3A_1210, %get3A_1237 : vector<16xf32>
      %get3A_1239 = arith.constant 16 : i32
      %get3A_1240 = arith.index_cast %scan3A_774 : i32 to index
      %get3A_1241 = arith.index_cast %get3A_1239 : i32 to index
      %get3A_1242 = arith.constant 48 : index
      %get3A_1243 = tpu.vector_load %arg6[%get3A_1240, %get3A_1241, %get3A_1242] {strides = array<i32>} : memref<32x50x64xf32, #tpu.memory_space<vmem>>, vector<1x1x16xf32>,
      %get3A_1244 = vector.shape_cast %get3A_1243 : vector<1x1x16xf32> to vector<16xf32>
      %add3A_1245 = arith.addf %add3A_1217, %get3A_1244 : vector<16xf32>
      %get3A_1246 = arith.constant 17 : i32
      %get3A_1247 = arith.index_cast %scan3A_774 : i32 to index
      %get3A_1248 = arith.index_cast %get3A_1246 : i32 to index
      %get3A_1249 = arith.constant 0 : index
      %get3A_1250 = tpu.vector_load %arg6[%get3A_1247, %get3A_1248, %get3A_1249] {strides = array<i32>} : memref<32x50x64xf32, #tpu.memory_space<vmem>>, vector<1x1x16xf32>,
      %get3A_1251 = vector.shape_cast %get3A_1250 : vector<1x1x16xf32> to vector<16xf32>
      %add3A_1252 = arith.addf %add3A_1224, %get3A_1251 : vector<16xf32>
      %get3A_1253 = arith.constant 17 : i32
      %get3A_1254 = arith.index_cast %scan3A_774 : i32 to index
      %get3A_1255 = arith.index_cast %get3A_1253 : i32 to index
      %get3A_1256 = arith.constant 16 : index
      %get3A_1257 = tpu.vector_load %arg6[%get3A_1254, %get3A_1255, %get3A_1256] {strides = array<i32>} : memref<32x50x64xf32, #tpu.memory_space<vmem>>, vector<1x1x16xf32>,
      %get3A_1258 = vector.shape_cast %get3A_1257 : vector<1x1x16xf32> to vector<16xf32>
      %add3A_1259 = arith.addf %add3A_1231, %get3A_1258 : vector<16xf32>
      %get3A_1260 = arith.constant 17 : i32
      %get3A_1261 = arith.index_cast %scan3A_774 : i32 to index
      %get3A_1262 = arith.index_cast %get3A_1260 : i32 to index
      %get3A_1263 = arith.constant 32 : index
      %get3A_1264 = tpu.vector_load %arg6[%get3A_1261, %get3A_1262, %get3A_1263] {strides = array<i32>} : memref<32x50x64xf32, #tpu.memory_space<vmem>>, vector<1x1x16xf32>,
      %get3A_1265 = vector.shape_cast %get3A_1264 : vector<1x1x16xf32> to vector<16xf32>
      %add3A_1266 = arith.addf %add3A_1238, %get3A_1265 : vector<16xf32>
      %get3A_1267 = arith.constant 17 : i32
      %get3A_1268 = arith.index_cast %scan3A_774 : i32 to index
      %get3A_1269 = arith.index_cast %get3A_1267 : i32 to index
      %get3A_1270 = arith.constant 48 : index
      %get3A_1271 = tpu.vector_load %arg6[%get3A_1268, %get3A_1269, %get3A_1270] {strides = array<i32>} : memref<32x50x64xf32, #tpu.memory_space<vmem>>, vector<1x1x16xf32>,
      %get3A_1272 = vector.shape_cast %get3A_1271 : vector<1x1x16xf32> to vector<16xf32>
      %add3A_1273 = arith.addf %add3A_1245, %get3A_1272 : vector<16xf32>
      %get3A_1274 = arith.constant 18 : i32
      %get3A_1275 = arith.index_cast %scan3A_774 : i32 to index
      %get3A_1276 = arith.index_cast %get3A_1274 : i32 to index
      %get3A_1277 = arith.constant 0 : index
      %get3A_1278 = tpu.vector_load %arg6[%get3A_1275, %get3A_1276, %get3A_1277] {strides = array<i32>} : memref<32x50x64xf32, #tpu.memory_space<vmem>>, vector<1x1x16xf32>,
      %get3A_1279 = vector.shape_cast %get3A_1278 : vector<1x1x16xf32> to vector<16xf32>
      %add3A_1280 = arith.addf %add3A_1252, %get3A_1279 : vector<16xf32>
      %get3A_1281 = arith.constant 18 : i32
      %get3A_1282 = arith.index_cast %scan3A_774 : i32 to index
      %get3A_1283 = arith.index_cast %get3A_1281 : i32 to index
      %get3A_1284 = arith.constant 16 : index
      %get3A_1285 = tpu.vector_load %arg6[%get3A_1282, %get3A_1283, %get3A_1284] {strides = array<i32>} : memref<32x50x64xf32, #tpu.memory_space<vmem>>, vector<1x1x16xf32>,
      %get3A_1286 = vector.shape_cast %get3A_1285 : vector<1x1x16xf32> to vector<16xf32>
      %add3A_1287 = arith.addf %add3A_1259, %get3A_1286 : vector<16xf32>
      %get3A_1288 = arith.constant 18 : i32
      %get3A_1289 = arith.index_cast %scan3A_774 : i32 to index
      %get3A_1290 = arith.index_cast %get3A_1288 : i32 to index
      %get3A_1291 = arith.constant 32 : index
      %get3A_1292 = tpu.vector_load %arg6[%get3A_1289, %get3A_1290, %get3A_1291] {strides = array<i32>} : memref<32x50x64xf32, #tpu.memory_space<vmem>>, vector<1x1x16xf32>,
      %get3A_1293 = vector.shape_cast %get3A_1292 : vector<1x1x16xf32> to vector<16xf32>
      %add3A_1294 = arith.addf %add3A_1266, %get3A_1293 : vector<16xf32>
      %get3A_1295 = arith.constant 18 : i32
      %get3A_1296 = arith.index_cast %scan3A_774 : i32 to index
      %get3A_1297 = arith.index_cast %get3A_1295 : i32 to index
      %get3A_1298 = arith.constant 48 : index
      %get3A_1299 = tpu.vector_load %arg6[%get3A_1296, %get3A_1297, %get3A_1298] {strides = array<i32>} : memref<32x50x64xf32, #tpu.memory_space<vmem>>, vector<1x1x16xf32>,
      %get3A_1300 = vector.shape_cast %get3A_1299 : vector<1x1x16xf32> to vector<16xf32>
      %add3A_1301 = arith.addf %add3A_1273, %get3A_1300 : vector<16xf32>
      %get3A_1302 = arith.constant 19 : i32
      %get3A_1303 = arith.index_cast %scan3A_774 : i32 to index
      %get3A_1304 = arith.index_cast %get3A_1302 : i32 to index
      %get3A_1305 = arith.constant 0 : index
      %get3A_1306 = tpu.vector_load %arg6[%get3A_1303, %get3A_1304, %get3A_1305] {strides = array<i32>} : memref<32x50x64xf32, #tpu.memory_space<vmem>>, vector<1x1x16xf32>,
      %get3A_1307 = vector.shape_cast %get3A_1306 : vector<1x1x16xf32> to vector<16xf32>
      %add3A_1308 = arith.addf %add3A_1280, %get3A_1307 : vector<16xf32>
      %get3A_1309 = arith.constant 19 : i32
      %get3A_1310 = arith.index_cast %scan3A_774 : i32 to index
      %get3A_1311 = arith.index_cast %get3A_1309 : i32 to index
      %get3A_1312 = arith.constant 16 : index
      %get3A_1313 = tpu.vector_load %arg6[%get3A_1310, %get3A_1311, %get3A_1312] {strides = array<i32>} : memref<32x50x64xf32, #tpu.memory_space<vmem>>, vector<1x1x16xf32>,
      %get3A_1314 = vector.shape_cast %get3A_1313 : vector<1x1x16xf32> to vector<16xf32>
      %add3A_1315 = arith.addf %add3A_1287, %get3A_1314 : vector<16xf32>
      %get3A_1316 = arith.constant 19 : i32
      %get3A_1317 = arith.index_cast %scan3A_774 : i32 to index
      %get3A_1318 = arith.index_cast %get3A_1316 : i32 to index
      %get3A_1319 = arith.constant 32 : index
      %get3A_1320 = tpu.vector_load %arg6[%get3A_1317, %get3A_1318, %get3A_1319] {strides = array<i32>} : memref<32x50x64xf32, #tpu.memory_space<vmem>>, vector<1x1x16xf32>,
      %get3A_1321 = vector.shape_cast %get3A_1320 : vector<1x1x16xf32> to vector<16xf32>
      %add3A_1322 = arith.addf %add3A_1294, %get3A_1321 : vector<16xf32>
      %get3A_1323 = arith.constant 19 : i32
      %get3A_1324 = arith.index_cast %scan3A_774 : i32 to index
      %get3A_1325 = arith.index_cast %get3A_1323 : i32 to index
      %get3A_1326 = arith.constant 48 : index
      %get3A_1327 = tpu.vector_load %arg6[%get3A_1324, %get3A_1325, %get3A_1326] {strides = array<i32>} : memref<32x50x64xf32, #tpu.memory_space<vmem>>, vector<1x1x16xf32>,
      %get3A_1328 = vector.shape_cast %get3A_1327 : vector<1x1x16xf32> to vector<16xf32>
      %add3A_1329 = arith.addf %add3A_1301, %get3A_1328 : vector<16xf32>
      %get3A_1330 = arith.constant 20 : i32
      %get3A_1331 = arith.index_cast %scan3A_774 : i32 to index
      %get3A_1332 = arith.index_cast %get3A_1330 : i32 to index
      %get3A_1333 = arith.constant 0 : index
      %get3A_1334 = tpu.vector_load %arg6[%get3A_1331, %get3A_1332, %get3A_1333] {strides = array<i32>} : memref<32x50x64xf32, #tpu.memory_space<vmem>>, vector<1x1x16xf32>,
      %get3A_1335 = vector.shape_cast %get3A_1334 : vector<1x1x16xf32> to vector<16xf32>
      %add3A_1336 = arith.addf %add3A_1308, %get3A_1335 : vector<16xf32>
      %get3A_1337 = arith.constant 20 : i32
      %get3A_1338 = arith.index_cast %scan3A_774 : i32 to index
      %get3A_1339 = arith.index_cast %get3A_1337 : i32 to index
      %get3A_1340 = arith.constant 16 : index
      %get3A_1341 = tpu.vector_load %arg6[%get3A_1338, %get3A_1339, %get3A_1340] {strides = array<i32>} : memref<32x50x64xf32, #tpu.memory_space<vmem>>, vector<1x1x16xf32>,
      %get3A_1342 = vector.shape_cast %get3A_1341 : vector<1x1x16xf32> to vector<16xf32>
      %add3A_1343 = arith.addf %add3A_1315, %get3A_1342 : vector<16xf32>
      %get3A_1344 = arith.constant 20 : i32
      %get3A_1345 = arith.index_cast %scan3A_774 : i32 to index
      %get3A_1346 = arith.index_cast %get3A_1344 : i32 to index
      %get3A_1347 = arith.constant 32 : index
      %get3A_1348 = tpu.vector_load %arg6[%get3A_1345, %get3A_1346, %get3A_1347] {strides = array<i32>} : memref<32x50x64xf32, #tpu.memory_space<vmem>>, vector<1x1x16xf32>,
      %get3A_1349 = vector.shape_cast %get3A_1348 : vector<1x1x16xf32> to vector<16xf32>
      %add3A_1350 = arith.addf %add3A_1322, %get3A_1349 : vector<16xf32>
      %get3A_1351 = arith.constant 20 : i32
      %get3A_1352 = arith.index_cast %scan3A_774 : i32 to index
      %get3A_1353 = arith.index_cast %get3A_1351 : i32 to index
      %get3A_1354 = arith.constant 48 : index
      %get3A_1355 = tpu.vector_load %arg6[%get3A_1352, %get3A_1353, %get3A_1354] {strides = array<i32>} : memref<32x50x64xf32, #tpu.memory_space<vmem>>, vector<1x1x16xf32>,
      %get3A_1356 = vector.shape_cast %get3A_1355 : vector<1x1x16xf32> to vector<16xf32>
      %add3A_1357 = arith.addf %add3A_1329, %get3A_1356 : vector<16xf32>
      %get3A_1358 = arith.constant 21 : i32
      %get3A_1359 = arith.index_cast %scan3A_774 : i32 to index
      %get3A_1360 = arith.index_cast %get3A_1358 : i32 to index
      %get3A_1361 = arith.constant 0 : index
      %get3A_1362 = tpu.vector_load %arg6[%get3A_1359, %get3A_1360, %get3A_1361] {strides = array<i32>} : memref<32x50x64xf32, #tpu.memory_space<vmem>>, vector<1x1x16xf32>,
      %get3A_1363 = vector.shape_cast %get3A_1362 : vector<1x1x16xf32> to vector<16xf32>
      %add3A_1364 = arith.addf %add3A_1336, %get3A_1363 : vector<16xf32>
      %get3A_1365 = arith.constant 21 : i32
      %get3A_1366 = arith.index_cast %scan3A_774 : i32 to index
      %get3A_1367 = arith.index_cast %get3A_1365 : i32 to index
      %get3A_1368 = arith.constant 16 : index
      %get3A_1369 = tpu.vector_load %arg6[%get3A_1366, %get3A_1367, %get3A_1368] {strides = array<i32>} : memref<32x50x64xf32, #tpu.memory_space<vmem>>, vector<1x1x16xf32>,
      %get3A_1370 = vector.shape_cast %get3A_1369 : vector<1x1x16xf32> to vector<16xf32>
      %add3A_1371 = arith.addf %add3A_1343, %get3A_1370 : vector<16xf32>
      %get3A_1372 = arith.constant 21 : i32
      %get3A_1373 = arith.index_cast %scan3A_774 : i32 to index
      %get3A_1374 = arith.index_cast %get3A_1372 : i32 to index
      %get3A_1375 = arith.constant 32 : index
      %get3A_1376 = tpu.vector_load %arg6[%get3A_1373, %get3A_1374, %get3A_1375] {strides = array<i32>} : memref<32x50x64xf32, #tpu.memory_space<vmem>>, vector<1x1x16xf32>,
      %get3A_1377 = vector.shape_cast %get3A_1376 : vector<1x1x16xf32> to vector<16xf32>
      %add3A_1378 = arith.addf %add3A_1350, %get3A_1377 : vector<16xf32>
      %get3A_1379 = arith.constant 21 : i32
      %get3A_1380 = arith.index_cast %scan3A_774 : i32 to index
      %get3A_1381 = arith.index_cast %get3A_1379 : i32 to index
      %get3A_1382 = arith.constant 48 : index
      %get3A_1383 = tpu.vector_load %arg6[%get3A_1380, %get3A_1381, %get3A_1382] {strides = array<i32>} : memref<32x50x64xf32, #tpu.memory_space<vmem>>, vector<1x1x16xf32>,
      %get3A_1384 = vector.shape_cast %get3A_1383 : vector<1x1x16xf32> to vector<16xf32>
      %add3A_1385 = arith.addf %add3A_1357, %get3A_1384 : vector<16xf32>
      %get3A_1386 = arith.constant 22 : i32
      %get3A_1387 = arith.index_cast %scan3A_774 : i32 to index
      %get3A_1388 = arith.index_cast %get3A_1386 : i32 to index
      %get3A_1389 = arith.constant 0 : index
      %get3A_1390 = tpu.vector_load %arg6[%get3A_1387, %get3A_1388, %get3A_1389] {strides = array<i32>} : memref<32x50x64xf32, #tpu.memory_space<vmem>>, vector<1x1x16xf32>,
      %get3A_1391 = vector.shape_cast %get3A_1390 : vector<1x1x16xf32> to vector<16xf32>
      %add3A_1392 = arith.addf %add3A_1364, %get3A_1391 : vector<16xf32>
      %get3A_1393 = arith.constant 22 : i32
      %get3A_1394 = arith.index_cast %scan3A_774 : i32 to index
      %get3A_1395 = arith.index_cast %get3A_1393 : i32 to index
      %get3A_1396 = arith.constant 16 : index
      %get3A_1397 = tpu.vector_load %arg6[%get3A_1394, %get3A_1395, %get3A_1396] {strides = array<i32>} : memref<32x50x64xf32, #tpu.memory_space<vmem>>, vector<1x1x16xf32>,
      %get3A_1398 = vector.shape_cast %get3A_1397 : vector<1x1x16xf32> to vector<16xf32>
      %add3A_1399 = arith.addf %add3A_1371, %get3A_1398 : vector<16xf32>
      %get3A_1400 = arith.constant 22 : i32
      %get3A_1401 = arith.index_cast %scan3A_774 : i32 to index
      %get3A_1402 = arith.index_cast %get3A_1400 : i32 to index
      %get3A_1403 = arith.constant 32 : index
      %get3A_1404 = tpu.vector_load %arg6[%get3A_1401, %get3A_1402, %get3A_1403] {strides = array<i32>} : memref<32x50x64xf32, #tpu.memory_space<vmem>>, vector<1x1x16xf32>,
      %get3A_1405 = vector.shape_cast %get3A_1404 : vector<1x1x16xf32> to vector<16xf32>
      %add3A_1406 = arith.addf %add3A_1378, %get3A_1405 : vector<16xf32>
      %get3A_1407 = arith.constant 22 : i32
      %get3A_1408 = arith.index_cast %scan3A_774 : i32 to index
      %get3A_1409 = arith.index_cast %get3A_1407 : i32 to index
      %get3A_1410 = arith.constant 48 : index
      %get3A_1411 = tpu.vector_load %arg6[%get3A_1408, %get3A_1409, %get3A_1410] {strides = array<i32>} : memref<32x50x64xf32, #tpu.memory_space<vmem>>, vector<1x1x16xf32>,
      %get3A_1412 = vector.shape_cast %get3A_1411 : vector<1x1x16xf32> to vector<16xf32>
      %add3A_1413 = arith.addf %add3A_1385, %get3A_1412 : vector<16xf32>
      %get3A_1414 = arith.constant 23 : i32
      %get3A_1415 = arith.index_cast %scan3A_774 : i32 to index
      %get3A_1416 = arith.index_cast %get3A_1414 : i32 to index
      %get3A_1417 = arith.constant 0 : index
      %get3A_1418 = tpu.vector_load %arg6[%get3A_1415, %get3A_1416, %get3A_1417] {strides = array<i32>} : memref<32x50x64xf32, #tpu.memory_space<vmem>>, vector<1x1x16xf32>,
      %get3A_1419 = vector.shape_cast %get3A_1418 : vector<1x1x16xf32> to vector<16xf32>
      %add3A_1420 = arith.addf %add3A_1392, %get3A_1419 : vector<16xf32>
      %get3A_1421 = arith.constant 23 : i32
      %get3A_1422 = arith.index_cast %scan3A_774 : i32 to index
      %get3A_1423 = arith.index_cast %get3A_1421 : i32 to index
      %get3A_1424 = arith.constant 16 : index
      %get3A_1425 = tpu.vector_load %arg6[%get3A_1422, %get3A_1423, %get3A_1424] {strides = array<i32>} : memref<32x50x64xf32, #tpu.memory_space<vmem>>, vector<1x1x16xf32>,
      %get3A_1426 = vector.shape_cast %get3A_1425 : vector<1x1x16xf32> to vector<16xf32>
      %add3A_1427 = arith.addf %add3A_1399, %get3A_1426 : vector<16xf32>
      %get3A_1428 = arith.constant 23 : i32
      %get3A_1429 = arith.index_cast %scan3A_774 : i32 to index
      %get3A_1430 = arith.index_cast %get3A_1428 : i32 to index
      %get3A_1431 = arith.constant 32 : index
      %get3A_1432 = tpu.vector_load %arg6[%get3A_1429, %get3A_1430, %get3A_1431] {strides = array<i32>} : memref<32x50x64xf32, #tpu.memory_space<vmem>>, vector<1x1x16xf32>,
      %get3A_1433 = vector.shape_cast %get3A_1432 : vector<1x1x16xf32> to vector<16xf32>
      %add3A_1434 = arith.addf %add3A_1406, %get3A_1433 : vector<16xf32>
      %get3A_1435 = arith.constant 23 : i32
      %get3A_1436 = arith.index_cast %scan3A_774 : i32 to index
      %get3A_1437 = arith.index_cast %get3A_1435 : i32 to index
      %get3A_1438 = arith.constant 48 : index
      %get3A_1439 = tpu.vector_load %arg6[%get3A_1436, %get3A_1437, %get3A_1438] {strides = array<i32>} : memref<32x50x64xf32, #tpu.memory_space<vmem>>, vector<1x1x16xf32>,
      %get3A_1440 = vector.shape_cast %get3A_1439 : vector<1x1x16xf32> to vector<16xf32>
      %add3A_1441 = arith.addf %add3A_1413, %get3A_1440 : vector<16xf32>
      %get3A_1442 = arith.constant 24 : i32
      %get3A_1443 = arith.index_cast %scan3A_774 : i32 to index
      %get3A_1444 = arith.index_cast %get3A_1442 : i32 to index
      %get3A_1445 = arith.constant 0 : index
      %get3A_1446 = tpu.vector_load %arg6[%get3A_1443, %get3A_1444, %get3A_1445] {strides = array<i32>} : memref<32x50x64xf32, #tpu.memory_space<vmem>>, vector<1x1x16xf32>,
      %get3A_1447 = vector.shape_cast %get3A_1446 : vector<1x1x16xf32> to vector<16xf32>
      %add3A_1448 = arith.addf %add3A_1420, %get3A_1447 : vector<16xf32>
      %get3A_1449 = arith.constant 24 : i32
      %get3A_1450 = arith.index_cast %scan3A_774 : i32 to index
      %get3A_1451 = arith.index_cast %get3A_1449 : i32 to index
      %get3A_1452 = arith.constant 16 : index
      %get3A_1453 = tpu.vector_load %arg6[%get3A_1450, %get3A_1451, %get3A_1452] {strides = array<i32>} : memref<32x50x64xf32, #tpu.memory_space<vmem>>, vector<1x1x16xf32>,
      %get3A_1454 = vector.shape_cast %get3A_1453 : vector<1x1x16xf32> to vector<16xf32>
      %add3A_1455 = arith.addf %add3A_1427, %get3A_1454 : vector<16xf32>
      %get3A_1456 = arith.constant 24 : i32
      %get3A_1457 = arith.index_cast %scan3A_774 : i32 to index
      %get3A_1458 = arith.index_cast %get3A_1456 : i32 to index
      %get3A_1459 = arith.constant 32 : index
      %get3A_1460 = tpu.vector_load %arg6[%get3A_1457, %get3A_1458, %get3A_1459] {strides = array<i32>} : memref<32x50x64xf32, #tpu.memory_space<vmem>>, vector<1x1x16xf32>,
      %get3A_1461 = vector.shape_cast %get3A_1460 : vector<1x1x16xf32> to vector<16xf32>
      %add3A_1462 = arith.addf %add3A_1434, %get3A_1461 : vector<16xf32>
      %get3A_1463 = arith.constant 24 : i32
      %get3A_1464 = arith.index_cast %scan3A_774 : i32 to index
      %get3A_1465 = arith.index_cast %get3A_1463 : i32 to index
      %get3A_1466 = arith.constant 48 : index
      %get3A_1467 = tpu.vector_load %arg6[%get3A_1464, %get3A_1465, %get3A_1466] {strides = array<i32>} : memref<32x50x64xf32, #tpu.memory_space<vmem>>, vector<1x1x16xf32>,
      %get3A_1468 = vector.shape_cast %get3A_1467 : vector<1x1x16xf32> to vector<16xf32>
      %add3A_1469 = arith.addf %add3A_1441, %get3A_1468 : vector<16xf32>
      %get3A_1470 = arith.constant 25 : i32
      %get3A_1471 = arith.index_cast %scan3A_774 : i32 to index
      %get3A_1472 = arith.index_cast %get3A_1470 : i32 to index
      %get3A_1473 = arith.constant 0 : index
      %get3A_1474 = tpu.vector_load %arg6[%get3A_1471, %get3A_1472, %get3A_1473] {strides = array<i32>} : memref<32x50x64xf32, #tpu.memory_space<vmem>>, vector<1x1x16xf32>,
      %get3A_1475 = vector.shape_cast %get3A_1474 : vector<1x1x16xf32> to vector<16xf32>
      %add3A_1476 = arith.addf %add3A_1448, %get3A_1475 : vector<16xf32>
      %get3A_1477 = arith.constant 25 : i32
      %get3A_1478 = arith.index_cast %scan3A_774 : i32 to index
      %get3A_1479 = arith.index_cast %get3A_1477 : i32 to index
      %get3A_1480 = arith.constant 16 : index
      %get3A_1481 = tpu.vector_load %arg6[%get3A_1478, %get3A_1479, %get3A_1480] {strides = array<i32>} : memref<32x50x64xf32, #tpu.memory_space<vmem>>, vector<1x1x16xf32>,
      %get3A_1482 = vector.shape_cast %get3A_1481 : vector<1x1x16xf32> to vector<16xf32>
      %add3A_1483 = arith.addf %add3A_1455, %get3A_1482 : vector<16xf32>
      %get3A_1484 = arith.constant 25 : i32
      %get3A_1485 = arith.index_cast %scan3A_774 : i32 to index
      %get3A_1486 = arith.index_cast %get3A_1484 : i32 to index
      %get3A_1487 = arith.constant 32 : index
      %get3A_1488 = tpu.vector_load %arg6[%get3A_1485, %get3A_1486, %get3A_1487] {strides = array<i32>} : memref<32x50x64xf32, #tpu.memory_space<vmem>>, vector<1x1x16xf32>,
      %get3A_1489 = vector.shape_cast %get3A_1488 : vector<1x1x16xf32> to vector<16xf32>
      %add3A_1490 = arith.addf %add3A_1462, %get3A_1489 : vector<16xf32>
      %get3A_1491 = arith.constant 25 : i32
      %get3A_1492 = arith.index_cast %scan3A_774 : i32 to index
      %get3A_1493 = arith.index_cast %get3A_1491 : i32 to index
      %get3A_1494 = arith.constant 48 : index
      %get3A_1495 = tpu.vector_load %arg6[%get3A_1492, %get3A_1493, %get3A_1494] {strides = array<i32>} : memref<32x50x64xf32, #tpu.memory_space<vmem>>, vector<1x1x16xf32>,
      %get3A_1496 = vector.shape_cast %get3A_1495 : vector<1x1x16xf32> to vector<16xf32>
      %add3A_1497 = arith.addf %add3A_1469, %get3A_1496 : vector<16xf32>
      %get3A_1498 = arith.constant 26 : i32
      %get3A_1499 = arith.index_cast %scan3A_774 : i32 to index
      %get3A_1500 = arith.index_cast %get3A_1498 : i32 to index
      %get3A_1501 = arith.constant 0 : index
      %get3A_1502 = tpu.vector_load %arg6[%get3A_1499, %get3A_1500, %get3A_1501] {strides = array<i32>} : memref<32x50x64xf32, #tpu.memory_space<vmem>>, vector<1x1x16xf32>,
      %get3A_1503 = vector.shape_cast %get3A_1502 : vector<1x1x16xf32> to vector<16xf32>
      %add3A_1504 = arith.addf %add3A_1476, %get3A_1503 : vector<16xf32>
      %get3A_1505 = arith.constant 26 : i32
      %get3A_1506 = arith.index_cast %scan3A_774 : i32 to index
      %get3A_1507 = arith.index_cast %get3A_1505 : i32 to index
      %get3A_1508 = arith.constant 16 : index
      %get3A_1509 = tpu.vector_load %arg6[%get3A_1506, %get3A_1507, %get3A_1508] {strides = array<i32>} : memref<32x50x64xf32, #tpu.memory_space<vmem>>, vector<1x1x16xf32>,
      %get3A_1510 = vector.shape_cast %get3A_1509 : vector<1x1x16xf32> to vector<16xf32>
      %add3A_1511 = arith.addf %add3A_1483, %get3A_1510 : vector<16xf32>
      %get3A_1512 = arith.constant 26 : i32
      %get3A_1513 = arith.index_cast %scan3A_774 : i32 to index
      %get3A_1514 = arith.index_cast %get3A_1512 : i32 to index
      %get3A_1515 = arith.constant 32 : index
      %get3A_1516 = tpu.vector_load %arg6[%get3A_1513, %get3A_1514, %get3A_1515] {strides = array<i32>} : memref<32x50x64xf32, #tpu.memory_space<vmem>>, vector<1x1x16xf32>,
      %get3A_1517 = vector.shape_cast %get3A_1516 : vector<1x1x16xf32> to vector<16xf32>
      %add3A_1518 = arith.addf %add3A_1490, %get3A_1517 : vector<16xf32>
      %get3A_1519 = arith.constant 26 : i32
      %get3A_1520 = arith.index_cast %scan3A_774 : i32 to index
      %get3A_1521 = arith.index_cast %get3A_1519 : i32 to index
      %get3A_1522 = arith.constant 48 : index
      %get3A_1523 = tpu.vector_load %arg6[%get3A_1520, %get3A_1521, %get3A_1522] {strides = array<i32>} : memref<32x50x64xf32, #tpu.memory_space<vmem>>, vector<1x1x16xf32>,
      %get3A_1524 = vector.shape_cast %get3A_1523 : vector<1x1x16xf32> to vector<16xf32>
      %add3A_1525 = arith.addf %add3A_1497, %get3A_1524 : vector<16xf32>
      %get3A_1526 = arith.constant 27 : i32
      %get3A_1527 = arith.index_cast %scan3A_774 : i32 to index
      %get3A_1528 = arith.index_cast %get3A_1526 : i32 to index
      %get3A_1529 = arith.constant 0 : index
      %get3A_1530 = tpu.vector_load %arg6[%get3A_1527, %get3A_1528, %get3A_1529] {strides = array<i32>} : memref<32x50x64xf32, #tpu.memory_space<vmem>>, vector<1x1x16xf32>,
      %get3A_1531 = vector.shape_cast %get3A_1530 : vector<1x1x16xf32> to vector<16xf32>
      %add3A_1532 = arith.addf %add3A_1504, %get3A_1531 : vector<16xf32>
      %get3A_1533 = arith.constant 27 : i32
      %get3A_1534 = arith.index_cast %scan3A_774 : i32 to index
      %get3A_1535 = arith.index_cast %get3A_1533 : i32 to index
      %get3A_1536 = arith.constant 16 : index
      %get3A_1537 = tpu.vector_load %arg6[%get3A_1534, %get3A_1535, %get3A_1536] {strides = array<i32>} : memref<32x50x64xf32, #tpu.memory_space<vmem>>, vector<1x1x16xf32>,
      %get3A_1538 = vector.shape_cast %get3A_1537 : vector<1x1x16xf32> to vector<16xf32>
      %add3A_1539 = arith.addf %add3A_1511, %get3A_1538 : vector<16xf32>
      %get3A_1540 = arith.constant 27 : i32
      %get3A_1541 = arith.index_cast %scan3A_774 : i32 to index
      %get3A_1542 = arith.index_cast %get3A_1540 : i32 to index
      %get3A_1543 = arith.constant 32 : index
      %get3A_1544 = tpu.vector_load %arg6[%get3A_1541, %get3A_1542, %get3A_1543] {strides = array<i32>} : memref<32x50x64xf32, #tpu.memory_space<vmem>>, vector<1x1x16xf32>,
      %get3A_1545 = vector.shape_cast %get3A_1544 : vector<1x1x16xf32> to vector<16xf32>
      %add3A_1546 = arith.addf %add3A_1518, %get3A_1545 : vector<16xf32>
      %get3A_1547 = arith.constant 27 : i32
      %get3A_1548 = arith.index_cast %scan3A_774 : i32 to index
      %get3A_1549 = arith.index_cast %get3A_1547 : i32 to index
      %get3A_1550 = arith.constant 48 : index
      %get3A_1551 = tpu.vector_load %arg6[%get3A_1548, %get3A_1549, %get3A_1550] {strides = array<i32>} : memref<32x50x64xf32, #tpu.memory_space<vmem>>, vector<1x1x16xf32>,
      %get3A_1552 = vector.shape_cast %get3A_1551 : vector<1x1x16xf32> to vector<16xf32>
      %add3A_1553 = arith.addf %add3A_1525, %get3A_1552 : vector<16xf32>
      %get3A_1554 = arith.constant 28 : i32
      %get3A_1555 = arith.index_cast %scan3A_774 : i32 to index
      %get3A_1556 = arith.index_cast %get3A_1554 : i32 to index
      %get3A_1557 = arith.constant 0 : index
      %get3A_1558 = tpu.vector_load %arg6[%get3A_1555, %get3A_1556, %get3A_1557] {strides = array<i32>} : memref<32x50x64xf32, #tpu.memory_space<vmem>>, vector<1x1x16xf32>,
      %get3A_1559 = vector.shape_cast %get3A_1558 : vector<1x1x16xf32> to vector<16xf32>
      %add3A_1560 = arith.addf %add3A_1532, %get3A_1559 : vector<16xf32>
      %get3A_1561 = arith.constant 28 : i32
      %get3A_1562 = arith.index_cast %scan3A_774 : i32 to index
      %get3A_1563 = arith.index_cast %get3A_1561 : i32 to index
      %get3A_1564 = arith.constant 16 : index
      %get3A_1565 = tpu.vector_load %arg6[%get3A_1562, %get3A_1563, %get3A_1564] {strides = array<i32>} : memref<32x50x64xf32, #tpu.memory_space<vmem>>, vector<1x1x16xf32>,
      %get3A_1566 = vector.shape_cast %get3A_1565 : vector<1x1x16xf32> to vector<16xf32>
      %add3A_1567 = arith.addf %add3A_1539, %get3A_1566 : vector<16xf32>
      %get3A_1568 = arith.constant 28 : i32
      %get3A_1569 = arith.index_cast %scan3A_774 : i32 to index
      %get3A_1570 = arith.index_cast %get3A_1568 : i32 to index
      %get3A_1571 = arith.constant 32 : index
      %get3A_1572 = tpu.vector_load %arg6[%get3A_1569, %get3A_1570, %get3A_1571] {strides = array<i32>} : memref<32x50x64xf32, #tpu.memory_space<vmem>>, vector<1x1x16xf32>,
      %get3A_1573 = vector.shape_cast %get3A_1572 : vector<1x1x16xf32> to vector<16xf32>
      %add3A_1574 = arith.addf %add3A_1546, %get3A_1573 : vector<16xf32>
      %get3A_1575 = arith.constant 28 : i32
      %get3A_1576 = arith.index_cast %scan3A_774 : i32 to index
      %get3A_1577 = arith.index_cast %get3A_1575 : i32 to index
      %get3A_1578 = arith.constant 48 : index
      %get3A_1579 = tpu.vector_load %arg6[%get3A_1576, %get3A_1577, %get3A_1578] {strides = array<i32>} : memref<32x50x64xf32, #tpu.memory_space<vmem>>, vector<1x1x16xf32>,
      %get3A_1580 = vector.shape_cast %get3A_1579 : vector<1x1x16xf32> to vector<16xf32>
      %add3A_1581 = arith.addf %add3A_1553, %get3A_1580 : vector<16xf32>
      %get3A_1582 = arith.constant 29 : i32
      %get3A_1583 = arith.index_cast %scan3A_774 : i32 to index
      %get3A_1584 = arith.index_cast %get3A_1582 : i32 to index
      %get3A_1585 = arith.constant 0 : index
      %get3A_1586 = tpu.vector_load %arg6[%get3A_1583, %get3A_1584, %get3A_1585] {strides = array<i32>} : memref<32x50x64xf32, #tpu.memory_space<vmem>>, vector<1x1x16xf32>,
      %get3A_1587 = vector.shape_cast %get3A_1586 : vector<1x1x16xf32> to vector<16xf32>
      %add3A_1588 = arith.addf %add3A_1560, %get3A_1587 : vector<16xf32>
      %get3A_1589 = arith.constant 29 : i32
      %get3A_1590 = arith.index_cast %scan3A_774 : i32 to index
      %get3A_1591 = arith.index_cast %get3A_1589 : i32 to index
      %get3A_1592 = arith.constant 16 : index
      %get3A_1593 = tpu.vector_load %arg6[%get3A_1590, %get3A_1591, %get3A_1592] {strides = array<i32>} : memref<32x50x64xf32, #tpu.memory_space<vmem>>, vector<1x1x16xf32>,
      %get3A_1594 = vector.shape_cast %get3A_1593 : vector<1x1x16xf32> to vector<16xf32>
      %add3A_1595 = arith.addf %add3A_1567, %get3A_1594 : vector<16xf32>
      %get3A_1596 = arith.constant 29 : i32
      %get3A_1597 = arith.index_cast %scan3A_774 : i32 to index
      %get3A_1598 = arith.index_cast %get3A_1596 : i32 to index
      %get3A_1599 = arith.constant 32 : index
      %get3A_1600 = tpu.vector_load %arg6[%get3A_1597, %get3A_1598, %get3A_1599] {strides = array<i32>} : memref<32x50x64xf32, #tpu.memory_space<vmem>>, vector<1x1x16xf32>,
      %get3A_1601 = vector.shape_cast %get3A_1600 : vector<1x1x16xf32> to vector<16xf32>
      %add3A_1602 = arith.addf %add3A_1574, %get3A_1601 : vector<16xf32>
      %get3A_1603 = arith.constant 29 : i32
      %get3A_1604 = arith.index_cast %scan3A_774 : i32 to index
      %get3A_1605 = arith.index_cast %get3A_1603 : i32 to index
      %get3A_1606 = arith.constant 48 : index
      %get3A_1607 = tpu.vector_load %arg6[%get3A_1604, %get3A_1605, %get3A_1606] {strides = array<i32>} : memref<32x50x64xf32, #tpu.memory_space<vmem>>, vector<1x1x16xf32>,
      %get3A_1608 = vector.shape_cast %get3A_1607 : vector<1x1x16xf32> to vector<16xf32>
      %add3A_1609 = arith.addf %add3A_1581, %get3A_1608 : vector<16xf32>
      %get3A_1610 = arith.constant 30 : i32
      %get3A_1611 = arith.index_cast %scan3A_774 : i32 to index
      %get3A_1612 = arith.index_cast %get3A_1610 : i32 to index
      %get3A_1613 = arith.constant 0 : index
      %get3A_1614 = tpu.vector_load %arg6[%get3A_1611, %get3A_1612, %get3A_1613] {strides = array<i32>} : memref<32x50x64xf32, #tpu.memory_space<vmem>>, vector<1x1x16xf32>,
      %get3A_1615 = vector.shape_cast %get3A_1614 : vector<1x1x16xf32> to vector<16xf32>
      %add3A_1616 = arith.addf %add3A_1588, %get3A_1615 : vector<16xf32>
      %get3A_1617 = arith.constant 30 : i32
      %get3A_1618 = arith.index_cast %scan3A_774 : i32 to index
      %get3A_1619 = arith.index_cast %get3A_1617 : i32 to index
      %get3A_1620 = arith.constant 16 : index
      %get3A_1621 = tpu.vector_load %arg6[%get3A_1618, %get3A_1619, %get3A_1620] {strides = array<i32>} : memref<32x50x64xf32, #tpu.memory_space<vmem>>, vector<1x1x16xf32>,
      %get3A_1622 = vector.shape_cast %get3A_1621 : vector<1x1x16xf32> to vector<16xf32>
      %add3A_1623 = arith.addf %add3A_1595, %get3A_1622 : vector<16xf32>
      %get3A_1624 = arith.constant 30 : i32
      %get3A_1625 = arith.index_cast %scan3A_774 : i32 to index
      %get3A_1626 = arith.index_cast %get3A_1624 : i32 to index
      %get3A_1627 = arith.constant 32 : index
      %get3A_1628 = tpu.vector_load %arg6[%get3A_1625, %get3A_1626, %get3A_1627] {strides = array<i32>} : memref<32x50x64xf32, #tpu.memory_space<vmem>>, vector<1x1x16xf32>,
      %get3A_1629 = vector.shape_cast %get3A_1628 : vector<1x1x16xf32> to vector<16xf32>
      %add3A_1630 = arith.addf %add3A_1602, %get3A_1629 : vector<16xf32>
      %get3A_1631 = arith.constant 30 : i32
      %get3A_1632 = arith.index_cast %scan3A_774 : i32 to index
      %get3A_1633 = arith.index_cast %get3A_1631 : i32 to index
      %get3A_1634 = arith.constant 48 : index
      %get3A_1635 = tpu.vector_load %arg6[%get3A_1632, %get3A_1633, %get3A_1634] {strides = array<i32>} : memref<32x50x64xf32, #tpu.memory_space<vmem>>, vector<1x1x16xf32>,
      %get3A_1636 = vector.shape_cast %get3A_1635 : vector<1x1x16xf32> to vector<16xf32>
      %add3A_1637 = arith.addf %add3A_1609, %get3A_1636 : vector<16xf32>
      %get3A_1638 = arith.constant 31 : i32
      %get3A_1639 = arith.index_cast %scan3A_774 : i32 to index
      %get3A_1640 = arith.index_cast %get3A_1638 : i32 to index
      %get3A_1641 = arith.constant 0 : index
      %get3A_1642 = tpu.vector_load %arg6[%get3A_1639, %get3A_1640, %get3A_1641] {strides = array<i32>} : memref<32x50x64xf32, #tpu.memory_space<vmem>>, vector<1x1x16xf32>,
      %get3A_1643 = vector.shape_cast %get3A_1642 : vector<1x1x16xf32> to vector<16xf32>
      %add3A_1644 = arith.addf %add3A_1616, %get3A_1643 : vector<16xf32>
      %get3A_1645 = arith.constant 31 : i32
      %get3A_1646 = arith.index_cast %scan3A_774 : i32 to index
      %get3A_1647 = arith.index_cast %get3A_1645 : i32 to index
      %get3A_1648 = arith.constant 16 : index
      %get3A_1649 = tpu.vector_load %arg6[%get3A_1646, %get3A_1647, %get3A_1648] {strides = array<i32>} : memref<32x50x64xf32, #tpu.memory_space<vmem>>, vector<1x1x16xf32>,
      %get3A_1650 = vector.shape_cast %get3A_1649 : vector<1x1x16xf32> to vector<16xf32>
      %add3A_1651 = arith.addf %add3A_1623, %get3A_1650 : vector<16xf32>
      %get3A_1652 = arith.constant 31 : i32
      %get3A_1653 = arith.index_cast %scan3A_774 : i32 to index
      %get3A_1654 = arith.index_cast %get3A_1652 : i32 to index
      %get3A_1655 = arith.constant 32 : index
      %get3A_1656 = tpu.vector_load %arg6[%get3A_1653, %get3A_1654, %get3A_1655] {strides = array<i32>} : memref<32x50x64xf32, #tpu.memory_space<vmem>>, vector<1x1x16xf32>,
      %get3A_1657 = vector.shape_cast %get3A_1656 : vector<1x1x16xf32> to vector<16xf32>
      %add3A_1658 = arith.addf %add3A_1630, %get3A_1657 : vector<16xf32>
      %get3A_1659 = arith.constant 31 : i32
      %get3A_1660 = arith.index_cast %scan3A_774 : i32 to index
      %get3A_1661 = arith.index_cast %get3A_1659 : i32 to index
      %get3A_1662 = arith.constant 48 : index
      %get3A_1663 = tpu.vector_load %arg6[%get3A_1660, %get3A_1661, %get3A_1662] {strides = array<i32>} : memref<32x50x64xf32, #tpu.memory_space<vmem>>, vector<1x1x16xf32>,
      %get3A_1664 = vector.shape_cast %get3A_1663 : vector<1x1x16xf32> to vector<16xf32>
      %add3A_1665 = arith.addf %add3A_1637, %get3A_1664 : vector<16xf32>
      %get3A_1666 = arith.constant 32 : i32
      %get3A_1667 = arith.index_cast %scan3A_774 : i32 to index
      %get3A_1668 = arith.index_cast %get3A_1666 : i32 to index
      %get3A_1669 = arith.constant 0 : index
      %get3A_1670 = tpu.vector_load %arg6[%get3A_1667, %get3A_1668, %get3A_1669] {strides = array<i32>} : memref<32x50x64xf32, #tpu.memory_space<vmem>>, vector<1x1x16xf32>,
      %get3A_1671 = vector.shape_cast %get3A_1670 : vector<1x1x16xf32> to vector<16xf32>
      %add3A_1672 = arith.addf %add3A_1644, %get3A_1671 : vector<16xf32>
      %get3A_1673 = arith.constant 32 : i32
      %get3A_1674 = arith.index_cast %scan3A_774 : i32 to index
      %get3A_1675 = arith.index_cast %get3A_1673 : i32 to index
      %get3A_1676 = arith.constant 16 : index
      %get3A_1677 = tpu.vector_load %arg6[%get3A_1674, %get3A_1675, %get3A_1676] {strides = array<i32>} : memref<32x50x64xf32, #tpu.memory_space<vmem>>, vector<1x1x16xf32>,
      %get3A_1678 = vector.shape_cast %get3A_1677 : vector<1x1x16xf32> to vector<16xf32>
      %add3A_1679 = arith.addf %add3A_1651, %get3A_1678 : vector<16xf32>
      %get3A_1680 = arith.constant 32 : i32
      %get3A_1681 = arith.index_cast %scan3A_774 : i32 to index
      %get3A_1682 = arith.index_cast %get3A_1680 : i32 to index
      %get3A_1683 = arith.constant 32 : index
      %get3A_1684 = tpu.vector_load %arg6[%get3A_1681, %get3A_1682, %get3A_1683] {strides = array<i32>} : memref<32x50x64xf32, #tpu.memory_space<vmem>>, vector<1x1x16xf32>,
      %get3A_1685 = vector.shape_cast %get3A_1684 : vector<1x1x16xf32> to vector<16xf32>
      %add3A_1686 = arith.addf %add3A_1658, %get3A_1685 : vector<16xf32>
      %get3A_1687 = arith.constant 32 : i32
      %get3A_1688 = arith.index_cast %scan3A_774 : i32 to index
      %get3A_1689 = arith.index_cast %get3A_1687 : i32 to index
      %get3A_1690 = arith.constant 48 : index
      %get3A_1691 = tpu.vector_load %arg6[%get3A_1688, %get3A_1689, %get3A_1690] {strides = array<i32>} : memref<32x50x64xf32, #tpu.memory_space<vmem>>, vector<1x1x16xf32>,
      %get3A_1692 = vector.shape_cast %get3A_1691 : vector<1x1x16xf32> to vector<16xf32>
      %add3A_1693 = arith.addf %add3A_1665, %get3A_1692 : vector<16xf32>
      %get3A_1694 = arith.constant 33 : i32
      %get3A_1695 = arith.index_cast %scan3A_774 : i32 to index
      %get3A_1696 = arith.index_cast %get3A_1694 : i32 to index
      %get3A_1697 = arith.constant 0 : index
      %get3A_1698 = tpu.vector_load %arg6[%get3A_1695, %get3A_1696, %get3A_1697] {strides = array<i32>} : memref<32x50x64xf32, #tpu.memory_space<vmem>>, vector<1x1x16xf32>,
      %get3A_1699 = vector.shape_cast %get3A_1698 : vector<1x1x16xf32> to vector<16xf32>
      %add3A_1700 = arith.addf %add3A_1672, %get3A_1699 : vector<16xf32>
      %get3A_1701 = arith.constant 33 : i32
      %get3A_1702 = arith.index_cast %scan3A_774 : i32 to index
      %get3A_1703 = arith.index_cast %get3A_1701 : i32 to index
      %get3A_1704 = arith.constant 16 : index
      %get3A_1705 = tpu.vector_load %arg6[%get3A_1702, %get3A_1703, %get3A_1704] {strides = array<i32>} : memref<32x50x64xf32, #tpu.memory_space<vmem>>, vector<1x1x16xf32>,
      %get3A_1706 = vector.shape_cast %get3A_1705 : vector<1x1x16xf32> to vector<16xf32>
      %add3A_1707 = arith.addf %add3A_1679, %get3A_1706 : vector<16xf32>
      %get3A_1708 = arith.constant 33 : i32
      %get3A_1709 = arith.index_cast %scan3A_774 : i32 to index
      %get3A_1710 = arith.index_cast %get3A_1708 : i32 to index
      %get3A_1711 = arith.constant 32 : index
      %get3A_1712 = tpu.vector_load %arg6[%get3A_1709, %get3A_1710, %get3A_1711] {strides = array<i32>} : memref<32x50x64xf32, #tpu.memory_space<vmem>>, vector<1x1x16xf32>,
      %get3A_1713 = vector.shape_cast %get3A_1712 : vector<1x1x16xf32> to vector<16xf32>
      %add3A_1714 = arith.addf %add3A_1686, %get3A_1713 : vector<16xf32>
      %get3A_1715 = arith.constant 33 : i32
      %get3A_1716 = arith.index_cast %scan3A_774 : i32 to index
      %get3A_1717 = arith.index_cast %get3A_1715 : i32 to index
      %get3A_1718 = arith.constant 48 : index
      %get3A_1719 = tpu.vector_load %arg6[%get3A_1716, %get3A_1717, %get3A_1718] {strides = array<i32>} : memref<32x50x64xf32, #tpu.memory_space<vmem>>, vector<1x1x16xf32>,
      %get3A_1720 = vector.shape_cast %get3A_1719 : vector<1x1x16xf32> to vector<16xf32>
      %add3A_1721 = arith.addf %add3A_1693, %get3A_1720 : vector<16xf32>
      %get3A_1722 = arith.constant 34 : i32
      %get3A_1723 = arith.index_cast %scan3A_774 : i32 to index
      %get3A_1724 = arith.index_cast %get3A_1722 : i32 to index
      %get3A_1725 = arith.constant 0 : index
      %get3A_1726 = tpu.vector_load %arg6[%get3A_1723, %get3A_1724, %get3A_1725] {strides = array<i32>} : memref<32x50x64xf32, #tpu.memory_space<vmem>>, vector<1x1x16xf32>,
      %get3A_1727 = vector.shape_cast %get3A_1726 : vector<1x1x16xf32> to vector<16xf32>
      %add3A_1728 = arith.addf %add3A_1700, %get3A_1727 : vector<16xf32>
      %get3A_1729 = arith.constant 34 : i32
      %get3A_1730 = arith.index_cast %scan3A_774 : i32 to index
      %get3A_1731 = arith.index_cast %get3A_1729 : i32 to index
      %get3A_1732 = arith.constant 16 : index
      %get3A_1733 = tpu.vector_load %arg6[%get3A_1730, %get3A_1731, %get3A_1732] {strides = array<i32>} : memref<32x50x64xf32, #tpu.memory_space<vmem>>, vector<1x1x16xf32>,
      %get3A_1734 = vector.shape_cast %get3A_1733 : vector<1x1x16xf32> to vector<16xf32>
      %add3A_1735 = arith.addf %add3A_1707, %get3A_1734 : vector<16xf32>
      %get3A_1736 = arith.constant 34 : i32
      %get3A_1737 = arith.index_cast %scan3A_774 : i32 to index
      %get3A_1738 = arith.index_cast %get3A_1736 : i32 to index
      %get3A_1739 = arith.constant 32 : index
      %get3A_1740 = tpu.vector_load %arg6[%get3A_1737, %get3A_1738, %get3A_1739] {strides = array<i32>} : memref<32x50x64xf32, #tpu.memory_space<vmem>>, vector<1x1x16xf32>,
      %get3A_1741 = vector.shape_cast %get3A_1740 : vector<1x1x16xf32> to vector<16xf32>
      %add3A_1742 = arith.addf %add3A_1714, %get3A_1741 : vector<16xf32>
      %get3A_1743 = arith.constant 34 : i32
      %get3A_1744 = arith.index_cast %scan3A_774 : i32 to index
      %get3A_1745 = arith.index_cast %get3A_1743 : i32 to index
      %get3A_1746 = arith.constant 48 : index
      %get3A_1747 = tpu.vector_load %arg6[%get3A_1744, %get3A_1745, %get3A_1746] {strides = array<i32>} : memref<32x50x64xf32, #tpu.memory_space<vmem>>, vector<1x1x16xf32>,
      %get3A_1748 = vector.shape_cast %get3A_1747 : vector<1x1x16xf32> to vector<16xf32>
      %add3A_1749 = arith.addf %add3A_1721, %get3A_1748 : vector<16xf32>
      %get3A_1750 = arith.constant 35 : i32
      %get3A_1751 = arith.index_cast %scan3A_774 : i32 to index
      %get3A_1752 = arith.index_cast %get3A_1750 : i32 to index
      %get3A_1753 = arith.constant 0 : index
      %get3A_1754 = tpu.vector_load %arg6[%get3A_1751, %get3A_1752, %get3A_1753] {strides = array<i32>} : memref<32x50x64xf32, #tpu.memory_space<vmem>>, vector<1x1x16xf32>,
      %get3A_1755 = vector.shape_cast %get3A_1754 : vector<1x1x16xf32> to vector<16xf32>
      %add3A_1756 = arith.addf %add3A_1728, %get3A_1755 : vector<16xf32>
      %get3A_1757 = arith.constant 35 : i32
      %get3A_1758 = arith.index_cast %scan3A_774 : i32 to index
      %get3A_1759 = arith.index_cast %get3A_1757 : i32 to index
      %get3A_1760 = arith.constant 16 : index
      %get3A_1761 = tpu.vector_load %arg6[%get3A_1758, %get3A_1759, %get3A_1760] {strides = array<i32>} : memref<32x50x64xf32, #tpu.memory_space<vmem>>, vector<1x1x16xf32>,
      %get3A_1762 = vector.shape_cast %get3A_1761 : vector<1x1x16xf32> to vector<16xf32>
      %add3A_1763 = arith.addf %add3A_1735, %get3A_1762 : vector<16xf32>
      %get3A_1764 = arith.constant 35 : i32
      %get3A_1765 = arith.index_cast %scan3A_774 : i32 to index
      %get3A_1766 = arith.index_cast %get3A_1764 : i32 to index
      %get3A_1767 = arith.constant 32 : index
      %get3A_1768 = tpu.vector_load %arg6[%get3A_1765, %get3A_1766, %get3A_1767] {strides = array<i32>} : memref<32x50x64xf32, #tpu.memory_space<vmem>>, vector<1x1x16xf32>,
      %get3A_1769 = vector.shape_cast %get3A_1768 : vector<1x1x16xf32> to vector<16xf32>
      %add3A_1770 = arith.addf %add3A_1742, %get3A_1769 : vector<16xf32>
      %get3A_1771 = arith.constant 35 : i32
      %get3A_1772 = arith.index_cast %scan3A_774 : i32 to index
      %get3A_1773 = arith.index_cast %get3A_1771 : i32 to index
      %get3A_1774 = arith.constant 48 : index
      %get3A_1775 = tpu.vector_load %arg6[%get3A_1772, %get3A_1773, %get3A_1774] {strides = array<i32>} : memref<32x50x64xf32, #tpu.memory_space<vmem>>, vector<1x1x16xf32>,
      %get3A_1776 = vector.shape_cast %get3A_1775 : vector<1x1x16xf32> to vector<16xf32>
      %add3A_1777 = arith.addf %add3A_1749, %get3A_1776 : vector<16xf32>
      %get3A_1778 = arith.constant 36 : i32
      %get3A_1779 = arith.index_cast %scan3A_774 : i32 to index
      %get3A_1780 = arith.index_cast %get3A_1778 : i32 to index
      %get3A_1781 = arith.constant 0 : index
      %get3A_1782 = tpu.vector_load %arg6[%get3A_1779, %get3A_1780, %get3A_1781] {strides = array<i32>} : memref<32x50x64xf32, #tpu.memory_space<vmem>>, vector<1x1x16xf32>,
      %get3A_1783 = vector.shape_cast %get3A_1782 : vector<1x1x16xf32> to vector<16xf32>
      %add3A_1784 = arith.addf %add3A_1756, %get3A_1783 : vector<16xf32>
      %get3A_1785 = arith.constant 36 : i32
      %get3A_1786 = arith.index_cast %scan3A_774 : i32 to index
      %get3A_1787 = arith.index_cast %get3A_1785 : i32 to index
      %get3A_1788 = arith.constant 16 : index
      %get3A_1789 = tpu.vector_load %arg6[%get3A_1786, %get3A_1787, %get3A_1788] {strides = array<i32>} : memref<32x50x64xf32, #tpu.memory_space<vmem>>, vector<1x1x16xf32>,
      %get3A_1790 = vector.shape_cast %get3A_1789 : vector<1x1x16xf32> to vector<16xf32>
      %add3A_1791 = arith.addf %add3A_1763, %get3A_1790 : vector<16xf32>
      %get3A_1792 = arith.constant 36 : i32
      %get3A_1793 = arith.index_cast %scan3A_774 : i32 to index
      %get3A_1794 = arith.index_cast %get3A_1792 : i32 to index
      %get3A_1795 = arith.constant 32 : index
      %get3A_1796 = tpu.vector_load %arg6[%get3A_1793, %get3A_1794, %get3A_1795] {strides = array<i32>} : memref<32x50x64xf32, #tpu.memory_space<vmem>>, vector<1x1x16xf32>,
      %get3A_1797 = vector.shape_cast %get3A_1796 : vector<1x1x16xf32> to vector<16xf32>
      %add3A_1798 = arith.addf %add3A_1770, %get3A_1797 : vector<16xf32>
      %get3A_1799 = arith.constant 36 : i32
      %get3A_1800 = arith.index_cast %scan3A_774 : i32 to index
      %get3A_1801 = arith.index_cast %get3A_1799 : i32 to index
      %get3A_1802 = arith.constant 48 : index
      %get3A_1803 = tpu.vector_load %arg6[%get3A_1800, %get3A_1801, %get3A_1802] {strides = array<i32>} : memref<32x50x64xf32, #tpu.memory_space<vmem>>, vector<1x1x16xf32>,
      %get3A_1804 = vector.shape_cast %get3A_1803 : vector<1x1x16xf32> to vector<16xf32>
      %add3A_1805 = arith.addf %add3A_1777, %get3A_1804 : vector<16xf32>
      %get3A_1806 = arith.constant 37 : i32
      %get3A_1807 = arith.index_cast %scan3A_774 : i32 to index
      %get3A_1808 = arith.index_cast %get3A_1806 : i32 to index
      %get3A_1809 = arith.constant 0 : index
      %get3A_1810 = tpu.vector_load %arg6[%get3A_1807, %get3A_1808, %get3A_1809] {strides = array<i32>} : memref<32x50x64xf32, #tpu.memory_space<vmem>>, vector<1x1x16xf32>,
      %get3A_1811 = vector.shape_cast %get3A_1810 : vector<1x1x16xf32> to vector<16xf32>
      %add3A_1812 = arith.addf %add3A_1784, %get3A_1811 : vector<16xf32>
      %get3A_1813 = arith.constant 37 : i32
      %get3A_1814 = arith.index_cast %scan3A_774 : i32 to index
      %get3A_1815 = arith.index_cast %get3A_1813 : i32 to index
      %get3A_1816 = arith.constant 16 : index
      %get3A_1817 = tpu.vector_load %arg6[%get3A_1814, %get3A_1815, %get3A_1816] {strides = array<i32>} : memref<32x50x64xf32, #tpu.memory_space<vmem>>, vector<1x1x16xf32>,
      %get3A_1818 = vector.shape_cast %get3A_1817 : vector<1x1x16xf32> to vector<16xf32>
      %add3A_1819 = arith.addf %add3A_1791, %get3A_1818 : vector<16xf32>
      %get3A_1820 = arith.constant 37 : i32
      %get3A_1821 = arith.index_cast %scan3A_774 : i32 to index
      %get3A_1822 = arith.index_cast %get3A_1820 : i32 to index
      %get3A_1823 = arith.constant 32 : index
      %get3A_1824 = tpu.vector_load %arg6[%get3A_1821, %get3A_1822, %get3A_1823] {strides = array<i32>} : memref<32x50x64xf32, #tpu.memory_space<vmem>>, vector<1x1x16xf32>,
      %get3A_1825 = vector.shape_cast %get3A_1824 : vector<1x1x16xf32> to vector<16xf32>
      %add3A_1826 = arith.addf %add3A_1798, %get3A_1825 : vector<16xf32>
      %get3A_1827 = arith.constant 37 : i32
      %get3A_1828 = arith.index_cast %scan3A_774 : i32 to index
      %get3A_1829 = arith.index_cast %get3A_1827 : i32 to index
      %get3A_1830 = arith.constant 48 : index
      %get3A_1831 = tpu.vector_load %arg6[%get3A_1828, %get3A_1829, %get3A_1830] {strides = array<i32>} : memref<32x50x64xf32, #tpu.memory_space<vmem>>, vector<1x1x16xf32>,
      %get3A_1832 = vector.shape_cast %get3A_1831 : vector<1x1x16xf32> to vector<16xf32>
      %add3A_1833 = arith.addf %add3A_1805, %get3A_1832 : vector<16xf32>
      %get3A_1834 = arith.constant 38 : i32
      %get3A_1835 = arith.index_cast %scan3A_774 : i32 to index
      %get3A_1836 = arith.index_cast %get3A_1834 : i32 to index
      %get3A_1837 = arith.constant 0 : index
      %get3A_1838 = tpu.vector_load %arg6[%get3A_1835, %get3A_1836, %get3A_1837] {strides = array<i32>} : memref<32x50x64xf32, #tpu.memory_space<vmem>>, vector<1x1x16xf32>,
      %get3A_1839 = vector.shape_cast %get3A_1838 : vector<1x1x16xf32> to vector<16xf32>
      %add3A_1840 = arith.addf %add3A_1812, %get3A_1839 : vector<16xf32>
      %get3A_1841 = arith.constant 38 : i32
      %get3A_1842 = arith.index_cast %scan3A_774 : i32 to index
      %get3A_1843 = arith.index_cast %get3A_1841 : i32 to index
      %get3A_1844 = arith.constant 16 : index
      %get3A_1845 = tpu.vector_load %arg6[%get3A_1842, %get3A_1843, %get3A_1844] {strides = array<i32>} : memref<32x50x64xf32, #tpu.memory_space<vmem>>, vector<1x1x16xf32>,
      %get3A_1846 = vector.shape_cast %get3A_1845 : vector<1x1x16xf32> to vector<16xf32>
      %add3A_1847 = arith.addf %add3A_1819, %get3A_1846 : vector<16xf32>
      %get3A_1848 = arith.constant 38 : i32
      %get3A_1849 = arith.index_cast %scan3A_774 : i32 to index
      %get3A_1850 = arith.index_cast %get3A_1848 : i32 to index
      %get3A_1851 = arith.constant 32 : index
      %get3A_1852 = tpu.vector_load %arg6[%get3A_1849, %get3A_1850, %get3A_1851] {strides = array<i32>} : memref<32x50x64xf32, #tpu.memory_space<vmem>>, vector<1x1x16xf32>,
      %get3A_1853 = vector.shape_cast %get3A_1852 : vector<1x1x16xf32> to vector<16xf32>
      %add3A_1854 = arith.addf %add3A_1826, %get3A_1853 : vector<16xf32>
      %get3A_1855 = arith.constant 38 : i32
      %get3A_1856 = arith.index_cast %scan3A_774 : i32 to index
      %get3A_1857 = arith.index_cast %get3A_1855 : i32 to index
      %get3A_1858 = arith.constant 48 : index
      %get3A_1859 = tpu.vector_load %arg6[%get3A_1856, %get3A_1857, %get3A_1858] {strides = array<i32>} : memref<32x50x64xf32, #tpu.memory_space<vmem>>, vector<1x1x16xf32>,
      %get3A_1860 = vector.shape_cast %get3A_1859 : vector<1x1x16xf32> to vector<16xf32>
      %add3A_1861 = arith.addf %add3A_1833, %get3A_1860 : vector<16xf32>
      %get3A_1862 = arith.constant 39 : i32
      %get3A_1863 = arith.index_cast %scan3A_774 : i32 to index
      %get3A_1864 = arith.index_cast %get3A_1862 : i32 to index
      %get3A_1865 = arith.constant 0 : index
      %get3A_1866 = tpu.vector_load %arg6[%get3A_1863, %get3A_1864, %get3A_1865] {strides = array<i32>} : memref<32x50x64xf32, #tpu.memory_space<vmem>>, vector<1x1x16xf32>,
      %get3A_1867 = vector.shape_cast %get3A_1866 : vector<1x1x16xf32> to vector<16xf32>
      %add3A_1868 = arith.addf %add3A_1840, %get3A_1867 : vector<16xf32>
      %get3A_1869 = arith.constant 39 : i32
      %get3A_1870 = arith.index_cast %scan3A_774 : i32 to index
      %get3A_1871 = arith.index_cast %get3A_1869 : i32 to index
      %get3A_1872 = arith.constant 16 : index
      %get3A_1873 = tpu.vector_load %arg6[%get3A_1870, %get3A_1871, %get3A_1872] {strides = array<i32>} : memref<32x50x64xf32, #tpu.memory_space<vmem>>, vector<1x1x16xf32>,
      %get3A_1874 = vector.shape_cast %get3A_1873 : vector<1x1x16xf32> to vector<16xf32>
      %add3A_1875 = arith.addf %add3A_1847, %get3A_1874 : vector<16xf32>
      %get3A_1876 = arith.constant 39 : i32
      %get3A_1877 = arith.index_cast %scan3A_774 : i32 to index
      %get3A_1878 = arith.index_cast %get3A_1876 : i32 to index
      %get3A_1879 = arith.constant 32 : index
      %get3A_1880 = tpu.vector_load %arg6[%get3A_1877, %get3A_1878, %get3A_1879] {strides = array<i32>} : memref<32x50x64xf32, #tpu.memory_space<vmem>>, vector<1x1x16xf32>,
      %get3A_1881 = vector.shape_cast %get3A_1880 : vector<1x1x16xf32> to vector<16xf32>
      %add3A_1882 = arith.addf %add3A_1854, %get3A_1881 : vector<16xf32>
      %get3A_1883 = arith.constant 39 : i32
      %get3A_1884 = arith.index_cast %scan3A_774 : i32 to index
      %get3A_1885 = arith.index_cast %get3A_1883 : i32 to index
      %get3A_1886 = arith.constant 48 : index
      %get3A_1887 = tpu.vector_load %arg6[%get3A_1884, %get3A_1885, %get3A_1886] {strides = array<i32>} : memref<32x50x64xf32, #tpu.memory_space<vmem>>, vector<1x1x16xf32>,
      %get3A_1888 = vector.shape_cast %get3A_1887 : vector<1x1x16xf32> to vector<16xf32>
      %add3A_1889 = arith.addf %add3A_1861, %get3A_1888 : vector<16xf32>
      %get3A_1890 = arith.constant 40 : i32
      %get3A_1891 = arith.index_cast %scan3A_774 : i32 to index
      %get3A_1892 = arith.index_cast %get3A_1890 : i32 to index
      %get3A_1893 = arith.constant 0 : index
      %get3A_1894 = tpu.vector_load %arg6[%get3A_1891, %get3A_1892, %get3A_1893] {strides = array<i32>} : memref<32x50x64xf32, #tpu.memory_space<vmem>>, vector<1x1x16xf32>,
      %get3A_1895 = vector.shape_cast %get3A_1894 : vector<1x1x16xf32> to vector<16xf32>
      %add3A_1896 = arith.addf %add3A_1868, %get3A_1895 : vector<16xf32>
      %get3A_1897 = arith.constant 40 : i32
      %get3A_1898 = arith.index_cast %scan3A_774 : i32 to index
      %get3A_1899 = arith.index_cast %get3A_1897 : i32 to index
      %get3A_1900 = arith.constant 16 : index
      %get3A_1901 = tpu.vector_load %arg6[%get3A_1898, %get3A_1899, %get3A_1900] {strides = array<i32>} : memref<32x50x64xf32, #tpu.memory_space<vmem>>, vector<1x1x16xf32>,
      %get3A_1902 = vector.shape_cast %get3A_1901 : vector<1x1x16xf32> to vector<16xf32>
      %add3A_1903 = arith.addf %add3A_1875, %get3A_1902 : vector<16xf32>
      %get3A_1904 = arith.constant 40 : i32
      %get3A_1905 = arith.index_cast %scan3A_774 : i32 to index
      %get3A_1906 = arith.index_cast %get3A_1904 : i32 to index
      %get3A_1907 = arith.constant 32 : index
      %get3A_1908 = tpu.vector_load %arg6[%get3A_1905, %get3A_1906, %get3A_1907] {strides = array<i32>} : memref<32x50x64xf32, #tpu.memory_space<vmem>>, vector<1x1x16xf32>,
      %get3A_1909 = vector.shape_cast %get3A_1908 : vector<1x1x16xf32> to vector<16xf32>
      %add3A_1910 = arith.addf %add3A_1882, %get3A_1909 : vector<16xf32>
      %get3A_1911 = arith.constant 40 : i32
      %get3A_1912 = arith.index_cast %scan3A_774 : i32 to index
      %get3A_1913 = arith.index_cast %get3A_1911 : i32 to index
      %get3A_1914 = arith.constant 48 : index
      %get3A_1915 = tpu.vector_load %arg6[%get3A_1912, %get3A_1913, %get3A_1914] {strides = array<i32>} : memref<32x50x64xf32, #tpu.memory_space<vmem>>, vector<1x1x16xf32>,
      %get3A_1916 = vector.shape_cast %get3A_1915 : vector<1x1x16xf32> to vector<16xf32>
      %add3A_1917 = arith.addf %add3A_1889, %get3A_1916 : vector<16xf32>
      %get3A_1918 = arith.constant 41 : i32
      %get3A_1919 = arith.index_cast %scan3A_774 : i32 to index
      %get3A_1920 = arith.index_cast %get3A_1918 : i32 to index
      %get3A_1921 = arith.constant 0 : index
      %get3A_1922 = tpu.vector_load %arg6[%get3A_1919, %get3A_1920, %get3A_1921] {strides = array<i32>} : memref<32x50x64xf32, #tpu.memory_space<vmem>>, vector<1x1x16xf32>,
      %get3A_1923 = vector.shape_cast %get3A_1922 : vector<1x1x16xf32> to vector<16xf32>
      %add3A_1924 = arith.addf %add3A_1896, %get3A_1923 : vector<16xf32>
      %get3A_1925 = arith.constant 41 : i32
      %get3A_1926 = arith.index_cast %scan3A_774 : i32 to index
      %get3A_1927 = arith.index_cast %get3A_1925 : i32 to index
      %get3A_1928 = arith.constant 16 : index
      %get3A_1929 = tpu.vector_load %arg6[%get3A_1926, %get3A_1927, %get3A_1928] {strides = array<i32>} : memref<32x50x64xf32, #tpu.memory_space<vmem>>, vector<1x1x16xf32>,
      %get3A_1930 = vector.shape_cast %get3A_1929 : vector<1x1x16xf32> to vector<16xf32>
      %add3A_1931 = arith.addf %add3A_1903, %get3A_1930 : vector<16xf32>
      %get3A_1932 = arith.constant 41 : i32
      %get3A_1933 = arith.index_cast %scan3A_774 : i32 to index
      %get3A_1934 = arith.index_cast %get3A_1932 : i32 to index
      %get3A_1935 = arith.constant 32 : index
      %get3A_1936 = tpu.vector_load %arg6[%get3A_1933, %get3A_1934, %get3A_1935] {strides = array<i32>} : memref<32x50x64xf32, #tpu.memory_space<vmem>>, vector<1x1x16xf32>,
      %get3A_1937 = vector.shape_cast %get3A_1936 : vector<1x1x16xf32> to vector<16xf32>
      %add3A_1938 = arith.addf %add3A_1910, %get3A_1937 : vector<16xf32>
      %get3A_1939 = arith.constant 41 : i32
      %get3A_1940 = arith.index_cast %scan3A_774 : i32 to index
      %get3A_1941 = arith.index_cast %get3A_1939 : i32 to index
      %get3A_1942 = arith.constant 48 : index
      %get3A_1943 = tpu.vector_load %arg6[%get3A_1940, %get3A_1941, %get3A_1942] {strides = array<i32>} : memref<32x50x64xf32, #tpu.memory_space<vmem>>, vector<1x1x16xf32>,
      %get3A_1944 = vector.shape_cast %get3A_1943 : vector<1x1x16xf32> to vector<16xf32>
      %add3A_1945 = arith.addf %add3A_1917, %get3A_1944 : vector<16xf32>
      %get3A_1946 = arith.constant 42 : i32
      %get3A_1947 = arith.index_cast %scan3A_774 : i32 to index
      %get3A_1948 = arith.index_cast %get3A_1946 : i32 to index
      %get3A_1949 = arith.constant 0 : index
      %get3A_1950 = tpu.vector_load %arg6[%get3A_1947, %get3A_1948, %get3A_1949] {strides = array<i32>} : memref<32x50x64xf32, #tpu.memory_space<vmem>>, vector<1x1x16xf32>,
      %get3A_1951 = vector.shape_cast %get3A_1950 : vector<1x1x16xf32> to vector<16xf32>
      %add3A_1952 = arith.addf %add3A_1924, %get3A_1951 : vector<16xf32>
      %get3A_1953 = arith.constant 42 : i32
      %get3A_1954 = arith.index_cast %scan3A_774 : i32 to index
      %get3A_1955 = arith.index_cast %get3A_1953 : i32 to index
      %get3A_1956 = arith.constant 16 : index
      %get3A_1957 = tpu.vector_load %arg6[%get3A_1954, %get3A_1955, %get3A_1956] {strides = array<i32>} : memref<32x50x64xf32, #tpu.memory_space<vmem>>, vector<1x1x16xf32>,
      %get3A_1958 = vector.shape_cast %get3A_1957 : vector<1x1x16xf32> to vector<16xf32>
      %add3A_1959 = arith.addf %add3A_1931, %get3A_1958 : vector<16xf32>
      %get3A_1960 = arith.constant 42 : i32
      %get3A_1961 = arith.index_cast %scan3A_774 : i32 to index
      %get3A_1962 = arith.index_cast %get3A_1960 : i32 to index
      %get3A_1963 = arith.constant 32 : index
      %get3A_1964 = tpu.vector_load %arg6[%get3A_1961, %get3A_1962, %get3A_1963] {strides = array<i32>} : memref<32x50x64xf32, #tpu.memory_space<vmem>>, vector<1x1x16xf32>,
      %get3A_1965 = vector.shape_cast %get3A_1964 : vector<1x1x16xf32> to vector<16xf32>
      %add3A_1966 = arith.addf %add3A_1938, %get3A_1965 : vector<16xf32>
      %get3A_1967 = arith.constant 42 : i32
      %get3A_1968 = arith.index_cast %scan3A_774 : i32 to index
      %get3A_1969 = arith.index_cast %get3A_1967 : i32 to index
      %get3A_1970 = arith.constant 48 : index
      %get3A_1971 = tpu.vector_load %arg6[%get3A_1968, %get3A_1969, %get3A_1970] {strides = array<i32>} : memref<32x50x64xf32, #tpu.memory_space<vmem>>, vector<1x1x16xf32>,
      %get3A_1972 = vector.shape_cast %get3A_1971 : vector<1x1x16xf32> to vector<16xf32>
      %add3A_1973 = arith.addf %add3A_1945, %get3A_1972 : vector<16xf32>
      %get3A_1974 = arith.constant 43 : i32
      %get3A_1975 = arith.index_cast %scan3A_774 : i32 to index
      %get3A_1976 = arith.index_cast %get3A_1974 : i32 to index
      %get3A_1977 = arith.constant 0 : index
      %get3A_1978 = tpu.vector_load %arg6[%get3A_1975, %get3A_1976, %get3A_1977] {strides = array<i32>} : memref<32x50x64xf32, #tpu.memory_space<vmem>>, vector<1x1x16xf32>,
      %get3A_1979 = vector.shape_cast %get3A_1978 : vector<1x1x16xf32> to vector<16xf32>
      %add3A_1980 = arith.addf %add3A_1952, %get3A_1979 : vector<16xf32>
      %get3A_1981 = arith.constant 43 : i32
      %get3A_1982 = arith.index_cast %scan3A_774 : i32 to index
      %get3A_1983 = arith.index_cast %get3A_1981 : i32 to index
      %get3A_1984 = arith.constant 16 : index
      %get3A_1985 = tpu.vector_load %arg6[%get3A_1982, %get3A_1983, %get3A_1984] {strides = array<i32>} : memref<32x50x64xf32, #tpu.memory_space<vmem>>, vector<1x1x16xf32>,
      %get3A_1986 = vector.shape_cast %get3A_1985 : vector<1x1x16xf32> to vector<16xf32>
      %add3A_1987 = arith.addf %add3A_1959, %get3A_1986 : vector<16xf32>
      %get3A_1988 = arith.constant 43 : i32
      %get3A_1989 = arith.index_cast %scan3A_774 : i32 to index
      %get3A_1990 = arith.index_cast %get3A_1988 : i32 to index
      %get3A_1991 = arith.constant 32 : index
      %get3A_1992 = tpu.vector_load %arg6[%get3A_1989, %get3A_1990, %get3A_1991] {strides = array<i32>} : memref<32x50x64xf32, #tpu.memory_space<vmem>>, vector<1x1x16xf32>,
      %get3A_1993 = vector.shape_cast %get3A_1992 : vector<1x1x16xf32> to vector<16xf32>
      %add3A_1994 = arith.addf %add3A_1966, %get3A_1993 : vector<16xf32>
      %get3A_1995 = arith.constant 43 : i32
      %get3A_1996 = arith.index_cast %scan3A_774 : i32 to index
      %get3A_1997 = arith.index_cast %get3A_1995 : i32 to index
      %get3A_1998 = arith.constant 48 : index
      %get3A_1999 = tpu.vector_load %arg6[%get3A_1996, %get3A_1997, %get3A_1998] {strides = array<i32>} : memref<32x50x64xf32, #tpu.memory_space<vmem>>, vector<1x1x16xf32>,
      %get3A_2000 = vector.shape_cast %get3A_1999 : vector<1x1x16xf32> to vector<16xf32>
      %add3A_2001 = arith.addf %add3A_1973, %get3A_2000 : vector<16xf32>
      %get3A_2002 = arith.constant 44 : i32
      %get3A_2003 = arith.index_cast %scan3A_774 : i32 to index
      %get3A_2004 = arith.index_cast %get3A_2002 : i32 to index
      %get3A_2005 = arith.constant 0 : index
      %get3A_2006 = tpu.vector_load %arg6[%get3A_2003, %get3A_2004, %get3A_2005] {strides = array<i32>} : memref<32x50x64xf32, #tpu.memory_space<vmem>>, vector<1x1x16xf32>,
      %get3A_2007 = vector.shape_cast %get3A_2006 : vector<1x1x16xf32> to vector<16xf32>
      %add3A_2008 = arith.addf %add3A_1980, %get3A_2007 : vector<16xf32>
      %get3A_2009 = arith.constant 44 : i32
      %get3A_2010 = arith.index_cast %scan3A_774 : i32 to index
      %get3A_2011 = arith.index_cast %get3A_2009 : i32 to index
      %get3A_2012 = arith.constant 16 : index
      %get3A_2013 = tpu.vector_load %arg6[%get3A_2010, %get3A_2011, %get3A_2012] {strides = array<i32>} : memref<32x50x64xf32, #tpu.memory_space<vmem>>, vector<1x1x16xf32>,
      %get3A_2014 = vector.shape_cast %get3A_2013 : vector<1x1x16xf32> to vector<16xf32>
      %add3A_2015 = arith.addf %add3A_1987, %get3A_2014 : vector<16xf32>
      %get3A_2016 = arith.constant 44 : i32
      %get3A_2017 = arith.index_cast %scan3A_774 : i32 to index
      %get3A_2018 = arith.index_cast %get3A_2016 : i32 to index
      %get3A_2019 = arith.constant 32 : index
      %get3A_2020 = tpu.vector_load %arg6[%get3A_2017, %get3A_2018, %get3A_2019] {strides = array<i32>} : memref<32x50x64xf32, #tpu.memory_space<vmem>>, vector<1x1x16xf32>,
      %get3A_2021 = vector.shape_cast %get3A_2020 : vector<1x1x16xf32> to vector<16xf32>
      %add3A_2022 = arith.addf %add3A_1994, %get3A_2021 : vector<16xf32>
      %get3A_2023 = arith.constant 44 : i32
      %get3A_2024 = arith.index_cast %scan3A_774 : i32 to index
      %get3A_2025 = arith.index_cast %get3A_2023 : i32 to index
      %get3A_2026 = arith.constant 48 : index
      %get3A_2027 = tpu.vector_load %arg6[%get3A_2024, %get3A_2025, %get3A_2026] {strides = array<i32>} : memref<32x50x64xf32, #tpu.memory_space<vmem>>, vector<1x1x16xf32>,
      %get3A_2028 = vector.shape_cast %get3A_2027 : vector<1x1x16xf32> to vector<16xf32>
      %add3A_2029 = arith.addf %add3A_2001, %get3A_2028 : vector<16xf32>
      %get3A_2030 = arith.constant 45 : i32
      %get3A_2031 = arith.index_cast %scan3A_774 : i32 to index
      %get3A_2032 = arith.index_cast %get3A_2030 : i32 to index
      %get3A_2033 = arith.constant 0 : index
      %get3A_2034 = tpu.vector_load %arg6[%get3A_2031, %get3A_2032, %get3A_2033] {strides = array<i32>} : memref<32x50x64xf32, #tpu.memory_space<vmem>>, vector<1x1x16xf32>,
      %get3A_2035 = vector.shape_cast %get3A_2034 : vector<1x1x16xf32> to vector<16xf32>
      %add3A_2036 = arith.addf %add3A_2008, %get3A_2035 : vector<16xf32>
      %get3A_2037 = arith.constant 45 : i32
      %get3A_2038 = arith.index_cast %scan3A_774 : i32 to index
      %get3A_2039 = arith.index_cast %get3A_2037 : i32 to index
      %get3A_2040 = arith.constant 16 : index
      %get3A_2041 = tpu.vector_load %arg6[%get3A_2038, %get3A_2039, %get3A_2040] {strides = array<i32>} : memref<32x50x64xf32, #tpu.memory_space<vmem>>, vector<1x1x16xf32>,
      %get3A_2042 = vector.shape_cast %get3A_2041 : vector<1x1x16xf32> to vector<16xf32>
      %add3A_2043 = arith.addf %add3A_2015, %get3A_2042 : vector<16xf32>
      %get3A_2044 = arith.constant 45 : i32
      %get3A_2045 = arith.index_cast %scan3A_774 : i32 to index
      %get3A_2046 = arith.index_cast %get3A_2044 : i32 to index
      %get3A_2047 = arith.constant 32 : index
      %get3A_2048 = tpu.vector_load %arg6[%get3A_2045, %get3A_2046, %get3A_2047] {strides = array<i32>} : memref<32x50x64xf32, #tpu.memory_space<vmem>>, vector<1x1x16xf32>,
      %get3A_2049 = vector.shape_cast %get3A_2048 : vector<1x1x16xf32> to vector<16xf32>
      %add3A_2050 = arith.addf %add3A_2022, %get3A_2049 : vector<16xf32>
      %get3A_2051 = arith.constant 45 : i32
      %get3A_2052 = arith.index_cast %scan3A_774 : i32 to index
      %get3A_2053 = arith.index_cast %get3A_2051 : i32 to index
      %get3A_2054 = arith.constant 48 : index
      %get3A_2055 = tpu.vector_load %arg6[%get3A_2052, %get3A_2053, %get3A_2054] {strides = array<i32>} : memref<32x50x64xf32, #tpu.memory_space<vmem>>, vector<1x1x16xf32>,
      %get3A_2056 = vector.shape_cast %get3A_2055 : vector<1x1x16xf32> to vector<16xf32>
      %add3A_2057 = arith.addf %add3A_2029, %get3A_2056 : vector<16xf32>
      %get3A_2058 = arith.constant 46 : i32
      %get3A_2059 = arith.index_cast %scan3A_774 : i32 to index
      %get3A_2060 = arith.index_cast %get3A_2058 : i32 to index
      %get3A_2061 = arith.constant 0 : index
      %get3A_2062 = tpu.vector_load %arg6[%get3A_2059, %get3A_2060, %get3A_2061] {strides = array<i32>} : memref<32x50x64xf32, #tpu.memory_space<vmem>>, vector<1x1x16xf32>,
      %get3A_2063 = vector.shape_cast %get3A_2062 : vector<1x1x16xf32> to vector<16xf32>
      %add3A_2064 = arith.addf %add3A_2036, %get3A_2063 : vector<16xf32>
      %get3A_2065 = arith.constant 46 : i32
      %get3A_2066 = arith.index_cast %scan3A_774 : i32 to index
      %get3A_2067 = arith.index_cast %get3A_2065 : i32 to index
      %get3A_2068 = arith.constant 16 : index
      %get3A_2069 = tpu.vector_load %arg6[%get3A_2066, %get3A_2067, %get3A_2068] {strides = array<i32>} : memref<32x50x64xf32, #tpu.memory_space<vmem>>, vector<1x1x16xf32>,
      %get3A_2070 = vector.shape_cast %get3A_2069 : vector<1x1x16xf32> to vector<16xf32>
      %add3A_2071 = arith.addf %add3A_2043, %get3A_2070 : vector<16xf32>
      %get3A_2072 = arith.constant 46 : i32
      %get3A_2073 = arith.index_cast %scan3A_774 : i32 to index
      %get3A_2074 = arith.index_cast %get3A_2072 : i32 to index
      %get3A_2075 = arith.constant 32 : index
      %get3A_2076 = tpu.vector_load %arg6[%get3A_2073, %get3A_2074, %get3A_2075] {strides = array<i32>} : memref<32x50x64xf32, #tpu.memory_space<vmem>>, vector<1x1x16xf32>,
      %get3A_2077 = vector.shape_cast %get3A_2076 : vector<1x1x16xf32> to vector<16xf32>
      %add3A_2078 = arith.addf %add3A_2050, %get3A_2077 : vector<16xf32>
      %get3A_2079 = arith.constant 46 : i32
      %get3A_2080 = arith.index_cast %scan3A_774 : i32 to index
      %get3A_2081 = arith.index_cast %get3A_2079 : i32 to index
      %get3A_2082 = arith.constant 48 : index
      %get3A_2083 = tpu.vector_load %arg6[%get3A_2080, %get3A_2081, %get3A_2082] {strides = array<i32>} : memref<32x50x64xf32, #tpu.memory_space<vmem>>, vector<1x1x16xf32>,
      %get3A_2084 = vector.shape_cast %get3A_2083 : vector<1x1x16xf32> to vector<16xf32>
      %add3A_2085 = arith.addf %add3A_2057, %get3A_2084 : vector<16xf32>
      %get3A_2086 = arith.constant 47 : i32
      %get3A_2087 = arith.index_cast %scan3A_774 : i32 to index
      %get3A_2088 = arith.index_cast %get3A_2086 : i32 to index
      %get3A_2089 = arith.constant 0 : index
      %get3A_2090 = tpu.vector_load %arg6[%get3A_2087, %get3A_2088, %get3A_2089] {strides = array<i32>} : memref<32x50x64xf32, #tpu.memory_space<vmem>>, vector<1x1x16xf32>,
      %get3A_2091 = vector.shape_cast %get3A_2090 : vector<1x1x16xf32> to vector<16xf32>
      %add3A_2092 = arith.addf %add3A_2064, %get3A_2091 : vector<16xf32>
      %get3A_2093 = arith.constant 47 : i32
      %get3A_2094 = arith.index_cast %scan3A_774 : i32 to index
      %get3A_2095 = arith.index_cast %get3A_2093 : i32 to index
      %get3A_2096 = arith.constant 16 : index
      %get3A_2097 = tpu.vector_load %arg6[%get3A_2094, %get3A_2095, %get3A_2096] {strides = array<i32>} : memref<32x50x64xf32, #tpu.memory_space<vmem>>, vector<1x1x16xf32>,
      %get3A_2098 = vector.shape_cast %get3A_2097 : vector<1x1x16xf32> to vector<16xf32>
      %add3A_2099 = arith.addf %add3A_2071, %get3A_2098 : vector<16xf32>
      %get3A_2100 = arith.constant 47 : i32
      %get3A_2101 = arith.index_cast %scan3A_774 : i32 to index
      %get3A_2102 = arith.index_cast %get3A_2100 : i32 to index
      %get3A_2103 = arith.constant 32 : index
      %get3A_2104 = tpu.vector_load %arg6[%get3A_2101, %get3A_2102, %get3A_2103] {strides = array<i32>} : memref<32x50x64xf32, #tpu.memory_space<vmem>>, vector<1x1x16xf32>,
      %get3A_2105 = vector.shape_cast %get3A_2104 : vector<1x1x16xf32> to vector<16xf32>
      %add3A_2106 = arith.addf %add3A_2078, %get3A_2105 : vector<16xf32>
      %get3A_2107 = arith.constant 47 : i32
      %get3A_2108 = arith.index_cast %scan3A_774 : i32 to index
      %get3A_2109 = arith.index_cast %get3A_2107 : i32 to index
      %get3A_2110 = arith.constant 48 : index
      %get3A_2111 = tpu.vector_load %arg6[%get3A_2108, %get3A_2109, %get3A_2110] {strides = array<i32>} : memref<32x50x64xf32, #tpu.memory_space<vmem>>, vector<1x1x16xf32>,
      %get3A_2112 = vector.shape_cast %get3A_2111 : vector<1x1x16xf32> to vector<16xf32>
      %add3A_2113 = arith.addf %add3A_2085, %get3A_2112 : vector<16xf32>
      %get3A_2114 = arith.constant 48 : i32
      %get3A_2115 = arith.index_cast %scan3A_774 : i32 to index
      %get3A_2116 = arith.index_cast %get3A_2114 : i32 to index
      %get3A_2117 = arith.constant 0 : index
      %get3A_2118 = tpu.vector_load %arg6[%get3A_2115, %get3A_2116, %get3A_2117] {strides = array<i32>} : memref<32x50x64xf32, #tpu.memory_space<vmem>>, vector<1x1x16xf32>,
      %get3A_2119 = vector.shape_cast %get3A_2118 : vector<1x1x16xf32> to vector<16xf32>
      %add3A_2120 = arith.addf %add3A_2092, %get3A_2119 : vector<16xf32>
      %get3A_2121 = arith.constant 48 : i32
      %get3A_2122 = arith.index_cast %scan3A_774 : i32 to index
      %get3A_2123 = arith.index_cast %get3A_2121 : i32 to index
      %get3A_2124 = arith.constant 16 : index
      %get3A_2125 = tpu.vector_load %arg6[%get3A_2122, %get3A_2123, %get3A_2124] {strides = array<i32>} : memref<32x50x64xf32, #tpu.memory_space<vmem>>, vector<1x1x16xf32>,
      %get3A_2126 = vector.shape_cast %get3A_2125 : vector<1x1x16xf32> to vector<16xf32>
      %add3A_2127 = arith.addf %add3A_2099, %get3A_2126 : vector<16xf32>
      %get3A_2128 = arith.constant 48 : i32
      %get3A_2129 = arith.index_cast %scan3A_774 : i32 to index
      %get3A_2130 = arith.index_cast %get3A_2128 : i32 to index
      %get3A_2131 = arith.constant 32 : index
      %get3A_2132 = tpu.vector_load %arg6[%get3A_2129, %get3A_2130, %get3A_2131] {strides = array<i32>} : memref<32x50x64xf32, #tpu.memory_space<vmem>>, vector<1x1x16xf32>,
      %get3A_2133 = vector.shape_cast %get3A_2132 : vector<1x1x16xf32> to vector<16xf32>
      %add3A_2134 = arith.addf %add3A_2106, %get3A_2133 : vector<16xf32>
      %get3A_2135 = arith.constant 48 : i32
      %get3A_2136 = arith.index_cast %scan3A_774 : i32 to index
      %get3A_2137 = arith.index_cast %get3A_2135 : i32 to index
      %get3A_2138 = arith.constant 48 : index
      %get3A_2139 = tpu.vector_load %arg6[%get3A_2136, %get3A_2137, %get3A_2138] {strides = array<i32>} : memref<32x50x64xf32, #tpu.memory_space<vmem>>, vector<1x1x16xf32>,
      %get3A_2140 = vector.shape_cast %get3A_2139 : vector<1x1x16xf32> to vector<16xf32>
      %add3A_2141 = arith.addf %add3A_2113, %get3A_2140 : vector<16xf32>
      %get3A_2142 = arith.constant 49 : i32
      %get3A_2143 = arith.index_cast %scan3A_774 : i32 to index
      %get3A_2144 = arith.index_cast %get3A_2142 : i32 to index
      %get3A_2145 = arith.constant 0 : index
      %get3A_2146 = tpu.vector_load %arg6[%get3A_2143, %get3A_2144, %get3A_2145] {strides = array<i32>} : memref<32x50x64xf32, #tpu.memory_space<vmem>>, vector<1x1x16xf32>,
      %get3A_2147 = vector.shape_cast %get3A_2146 : vector<1x1x16xf32> to vector<16xf32>
      %add3A_2148 = arith.addf %add3A_2120, %get3A_2147 : vector<16xf32>
      %get3A_2149 = arith.constant 49 : i32
      %get3A_2150 = arith.index_cast %scan3A_774 : i32 to index
      %get3A_2151 = arith.index_cast %get3A_2149 : i32 to index
      %get3A_2152 = arith.constant 16 : index
      %get3A_2153 = tpu.vector_load %arg6[%get3A_2150, %get3A_2151, %get3A_2152] {strides = array<i32>} : memref<32x50x64xf32, #tpu.memory_space<vmem>>, vector<1x1x16xf32>,
      %get3A_2154 = vector.shape_cast %get3A_2153 : vector<1x1x16xf32> to vector<16xf32>
      %add3A_2155 = arith.addf %add3A_2127, %get3A_2154 : vector<16xf32>
      %get3A_2156 = arith.constant 49 : i32
      %get3A_2157 = arith.index_cast %scan3A_774 : i32 to index
      %get3A_2158 = arith.index_cast %get3A_2156 : i32 to index
      %get3A_2159 = arith.constant 32 : index
      %get3A_2160 = tpu.vector_load %arg6[%get3A_2157, %get3A_2158, %get3A_2159] {strides = array<i32>} : memref<32x50x64xf32, #tpu.memory_space<vmem>>, vector<1x1x16xf32>,
      %get3A_2161 = vector.shape_cast %get3A_2160 : vector<1x1x16xf32> to vector<16xf32>
      %add3A_2162 = arith.addf %add3A_2134, %get3A_2161 : vector<16xf32>
      %get3A_2163 = arith.constant 49 : i32
      %get3A_2164 = arith.index_cast %scan3A_774 : i32 to index
      %get3A_2165 = arith.index_cast %get3A_2163 : i32 to index
      %get3A_2166 = arith.constant 48 : index
      %get3A_2167 = tpu.vector_load %arg6[%get3A_2164, %get3A_2165, %get3A_2166] {strides = array<i32>} : memref<32x50x64xf32, #tpu.memory_space<vmem>>, vector<1x1x16xf32>,
      %get3A_2168 = vector.shape_cast %get3A_2167 : vector<1x1x16xf32> to vector<16xf32>
      %add3A_2169 = arith.addf %add3A_2141, %get3A_2168 : vector<16xf32>
      %mul3A_2170 = arith.constant 2.000000e-02 : f32
      %mul3A_2171 = vector.broadcast %mul3A_2170 : f32 to vector<16xf32>
      %mul3A_2172 = arith.mulf %add3A_2148, %mul3A_2171 : vector<16xf32>
      %swap3A = arith.index_cast %scan3A_774 : i32 to index
      %swap3A_2173 = arith.constant 0 : index
      %swap3A_2174 = tpu.vector_load %arg7[%swap3A, %swap3A_2173] {strides = array<i32>} : memref<32x64xf32, #tpu.memory_space<vmem>>, vector<1x16xf32>,
      %swap3A_2175 = vector.shape_cast %swap3A_2174 : vector<1x16xf32> to vector<16xf32>
      %swap3A_2176 = vector.shape_cast %mul3A_2172 : vector<16xf32> to vector<1x16xf32>
      tpu.vector_store %arg7[%swap3A, %swap3A_2173], %swap3A_2176 {strides = array<i32>} : memref<32x64xf32, #tpu.memory_space<vmem>>, vector<1x16xf32>,
      %mul3A_2177 = arith.constant 2.000000e-02 : f32
      %mul3A_2178 = vector.broadcast %mul3A_2177 : f32 to vector<16xf32>
      %mul3A_2179 = arith.mulf %add3A_2155, %mul3A_2178 : vector<16xf32>
      %swap3A_2180 = arith.index_cast %scan3A_774 : i32 to index
      %swap3A_2181 = arith.constant 16 : index
      %swap3A_2182 = tpu.vector_load %arg7[%swap3A_2180, %swap3A_2181] {strides = array<i32>} : memref<32x64xf32, #tpu.memory_space<vmem>>, vector<1x16xf32>,
      %swap3A_2183 = vector.shape_cast %swap3A_2182 : vector<1x16xf32> to vector<16xf32>
      %swap3A_2184 = vector.shape_cast %mul3A_2179 : vector<16xf32> to vector<1x16xf32>
      tpu.vector_store %arg7[%swap3A_2180, %swap3A_2181], %swap3A_2184 {strides = array<i32>} : memref<32x64xf32, #tpu.memory_space<vmem>>, vector<1x16xf32>,
      %mul3A_2185 = arith.constant 2.000000e-02 : f32
      %mul3A_2186 = vector.broadcast %mul3A_2185 : f32 to vector<16xf32>
      %mul3A_2187 = arith.mulf %add3A_2162, %mul3A_2186 : vector<16xf32>
      %swap3A_2188 = arith.index_cast %scan3A_774 : i32 to index
      %swap3A_2189 = arith.constant 32 : index
      %swap3A_2190 = tpu.vector_load %arg7[%swap3A_2188, %swap3A_2189] {strides = array<i32>} : memref<32x64xf32, #tpu.memory_space<vmem>>, vector<1x16xf32>,
      %swap3A_2191 = vector.shape_cast %swap3A_2190 : vector<1x16xf32> to vector<16xf32>
      %swap3A_2192 = vector.shape_cast %mul3A_2187 : vector<16xf32> to vector<1x16xf32>
      tpu.vector_store %arg7[%swap3A_2188, %swap3A_2189], %swap3A_2192 {strides = array<i32>} : memref<32x64xf32, #tpu.memory_space<vmem>>, vector<1x16xf32>,
      %mul3A_2193 = arith.constant 2.000000e-02 : f32
      %mul3A_2194 = vector.broadcast %mul3A_2193 : f32 to vector<16xf32>
      %mul3A_2195 = arith.mulf %add3A_2169, %mul3A_2194 : vector<16xf32>
      %swap3A_2196 = arith.index_cast %scan3A_774 : i32 to index
      %swap3A_2197 = arith.constant 48 : index
      %swap3A_2198 = tpu.vector_load %arg7[%swap3A_2196, %swap3A_2197] {strides = array<i32>} : memref<32x64xf32, #tpu.memory_space<vmem>>, vector<1x16xf32>,
      %swap3A_2199 = vector.shape_cast %swap3A_2198 : vector<1x16xf32> to vector<16xf32>
      %swap3A_2200 = vector.shape_cast %mul3A_2195 : vector<16xf32> to vector<1x16xf32>
      tpu.vector_store %arg7[%swap3A_2196, %swap3A_2197], %swap3A_2200 {strides = array<i32>} : memref<32x64xf32, #tpu.memory_space<vmem>>, vector<1x16xf32>,
    }
    %scan3A_773 = arith.constant 32 : i32
    "tpu.region"() ({
      %run_scoped3A = tpu.sem_alloc : memref<!tpu.dma_semaphore, #tpu.memory_space<semaphore_mem>>
      %dma_start3A_774 = arith.constant 0 : i32
      %dma_start3A_775 = tpu.memref_slice %arg4[%mul3A_2, %dma_start3A_774] : memref<1024x64xf32, #tpu.memory_space<hbm>> -> memref<32x64xf32, #tpu.memory_space<hbm>>
      %dma_start3A_776 = arith.constant 0 : i32
      %dma_start3A_777 = tpu.memref_slice %arg4[%mul3A_2, %dma_start3A_776] : memref<1024x64xf32, #tpu.memory_space<hbm>> -> memref<32x64xf32, #tpu.memory_space<hbm>>
      tpu.enqueue_dma source(%arg7 : memref<32x64xf32, #tpu.memory_space<vmem>>) target(%dma_start3A_777 : memref<32x64xf32, #tpu.memory_space<hbm>>) target_semaphore(%run_scoped3A : memref<!tpu.dma_semaphore, #tpu.memory_space<semaphore_mem>>)
      %dma_wait3A_778 = arith.constant 0 : i32
      %dma_wait3A_779 = tpu.memref_slice %arg4[%mul3A_2, %dma_wait3A_778] : memref<1024x64xf32, #tpu.memory_space<hbm>> -> memref<32x64xf32, #tpu.memory_space<hbm>>
      %dma_wait3A_780 = arith.constant 0 : i32
      %dma_wait3A_781 = tpu.memref_slice %arg4[%mul3A_2, %dma_wait3A_780] : memref<1024x64xf32, #tpu.memory_space<hbm>> -> memref<32x64xf32, #tpu.memory_space<hbm>>
      tpu.wait_dma2 semaphore(%run_scoped3A : memref<!tpu.dma_semaphore, #tpu.memory_space<semaphore_mem>>) src(%arg7 : memref<32x64xf32, #tpu.memory_space<vmem>>) dst(%dma_wait3A_781 : memref<32x64xf32, #tpu.memory_space<hbm>>)
      tpu.yield
    }) : () -> ()
    return
  }
}

module attributes {stable_mosaic.version = 14 : i64} {
  func.func @body(%arg0: i32, %arg1: memref<32x64xf32, #tpu.memory_space<vmem>>, %arg2: memref<32x64xf32, #tpu.memory_space<vmem>>, %arg3: memref<1x32xf32, #tpu.memory_space<vmem>>, %arg4: memref<32x100000xbf16, #tpu.memory_space<vmem>>, %arg5: memref<1x100000xf32, #tpu.memory_space<vmem>>, %arg6: memref<1024x100000xbf16, #tpu.memory_space<any>>, %arg7: memref<3x32x100000xbf16, #tpu.memory_space<vmem>>, %arg8: memref<3x!tpu.dma_semaphore, #tpu.memory_space<semaphore_mem>>) attributes {dimension_semantics = [#tpu.dimension_semantics<arbitrary>], iteration_bounds = array<i64: 32>, scalar_prefetch = 0 : i64, scratch_operands = 2 : i64, tpu.core_type = #tpu.core_type<tc>, window_params = [{transform_indices = @transform_0, window_bounds = array<i64: 32, 64>}, {pipeline_mode = #tpu.pipeline_mode<synchronous>, transform_indices = @transform_1, window_bounds = array<i64: 32, 64>}, {pipeline_mode = #tpu.pipeline_mode<synchronous>, transform_indices = @transform_2, window_bounds = array<i64: 1, 32>}, {pipeline_mode = #tpu.pipeline_mode<synchronous>, transform_indices = @transform_3, window_bounds = array<i64: 32, 100000>}, {pipeline_mode = #tpu.pipeline_mode<synchronous>, transform_indices = @transform_4, window_bounds = array<i64: 1, 100000>}, {}]} {
    %rem3A = arith.constant 3 : i32
    %rem3A_0 = arith.remsi %arg0, %rem3A : i32
    %ge3A = arith.constant 3 : i32
    %ge3A_1 = arith.cmpi sge, %arg0, %ge3A : i32
    %convert_element_type3A = arith.extui %ge3A_1 : i1 to i32
    %cond3A = arith.constant 0 : i32
    %cond3A_2 = arith.cmpi ne, %convert_element_type3A, %cond3A : i32
    scf.if %cond3A_2 {
      %sub3A = arith.constant 3 : i32
      %sub3A_60 = arith.subi %arg0, %sub3A : i32
      %mul3A_61 = arith.constant 32 : i32
      %mul3A_62 = arith.muli %sub3A_60, %mul3A_61 : i32
      %add3A_63 = arith.constant 0 : i32
      %add3A_64 = arith.addi %mul3A_62, %add3A_63 : i32
      %dma_wait3A = tpu.memref_slice %arg8[%rem3A_0] : memref<3x!tpu.dma_semaphore, #tpu.memory_space<semaphore_mem>> -> memref<1x!tpu.dma_semaphore, #tpu.memory_space<semaphore_mem>>
      %dma_wait3A_65 = tpu.memref_squeeze %dma_wait3A : memref<1x!tpu.dma_semaphore, #tpu.memory_space<semaphore_mem>> -> memref<!tpu.dma_semaphore, #tpu.memory_space<semaphore_mem>>
      %dma_wait3A_66 = arith.constant 0 : i32
      %dma_wait3A_67 = tpu.memref_slice %arg6[%add3A_64, %dma_wait3A_66] : memref<1024x100000xbf16, #tpu.memory_space<any>> -> memref<16x100000xbf16, #tpu.memory_space<any>>
      %dma_wait3A_68 = arith.constant 0 : i32
      %dma_wait3A_69 = arith.constant 0 : i32
      %dma_wait3A_70 = tpu.memref_slice %arg7[%rem3A_0, %dma_wait3A_68, %dma_wait3A_69] : memref<3x32x100000xbf16, #tpu.memory_space<vmem>> -> memref<1x16x100000xbf16, #tpu.memory_space<vmem>>
      %dma_wait3A_71 = tpu.memref_squeeze %dma_wait3A_70 : memref<1x16x100000xbf16, #tpu.memory_space<vmem>> -> memref<16x100000xbf16, #tpu.memory_space<vmem>>
      tpu.wait_dma2 semaphore(%dma_wait3A_65 : memref<!tpu.dma_semaphore, #tpu.memory_space<semaphore_mem>>) src(%dma_wait3A_71 : memref<16x100000xbf16, #tpu.memory_space<vmem>>) dst(%dma_wait3A_67 : memref<16x100000xbf16, #tpu.memory_space<any>>)
      %sub3A_72 = arith.constant 3 : i32
      %sub3A_73 = arith.subi %arg0, %sub3A_72 : i32
      %mul3A_74 = arith.constant 32 : i32
      %mul3A_75 = arith.muli %sub3A_73, %mul3A_74 : i32
      %add3A_76 = arith.constant 16 : i32
      %add3A_77 = arith.addi %mul3A_75, %add3A_76 : i32
      %dma_wait3A_78 = tpu.memref_slice %arg8[%rem3A_0] : memref<3x!tpu.dma_semaphore, #tpu.memory_space<semaphore_mem>> -> memref<1x!tpu.dma_semaphore, #tpu.memory_space<semaphore_mem>>
      %dma_wait3A_79 = tpu.memref_squeeze %dma_wait3A_78 : memref<1x!tpu.dma_semaphore, #tpu.memory_space<semaphore_mem>> -> memref<!tpu.dma_semaphore, #tpu.memory_space<semaphore_mem>>
      %dma_wait3A_80 = arith.constant 0 : i32
      %dma_wait3A_81 = tpu.memref_slice %arg6[%add3A_77, %dma_wait3A_80] : memref<1024x100000xbf16, #tpu.memory_space<any>> -> memref<16x100000xbf16, #tpu.memory_space<any>>
      %dma_wait3A_82 = arith.constant 16 : i32
      %dma_wait3A_83 = arith.constant 0 : i32
      %dma_wait3A_84 = tpu.memref_slice %arg7[%rem3A_0, %dma_wait3A_82, %dma_wait3A_83] : memref<3x32x100000xbf16, #tpu.memory_space<vmem>> -> memref<1x16x100000xbf16, #tpu.memory_space<vmem>>
      %dma_wait3A_85 = tpu.memref_squeeze %dma_wait3A_84 : memref<1x16x100000xbf16, #tpu.memory_space<vmem>> -> memref<16x100000xbf16, #tpu.memory_space<vmem>>
      tpu.wait_dma2 semaphore(%dma_wait3A_79 : memref<!tpu.dma_semaphore, #tpu.memory_space<semaphore_mem>>) src(%dma_wait3A_85 : memref<16x100000xbf16, #tpu.memory_space<vmem>>) dst(%dma_wait3A_81 : memref<16x100000xbf16, #tpu.memory_space<any>>)
    } else {
    }
    %get3A = arith.constant 0 : index
    %get3A_3 = arith.constant 0 : index
    %get3A_4 = vector.load %arg1[%get3A, %get3A_3] : memref<32x64xf32, #tpu.memory_space<vmem>>, vector<32x64xf32>
    %convert_element_type3A_5 = arith.truncf %get3A_4 : vector<32x64xf32> to vector<32x64xbf16>
    %get3A_6 = arith.constant 0 : index
    %get3A_7 = arith.constant 0 : index
    %get3A_8 = vector.load %arg2[%get3A_6, %get3A_7] : memref<32x64xf32, #tpu.memory_space<vmem>>, vector<32x64xf32>
    %convert_element_type3A_9 = arith.truncf %get3A_8 : vector<32x64xf32> to vector<32x64xbf16>
    %dot_general3A = arith.constant dense<0.000000e+00> : vector<32x32xf32>
    %dot_general3A_10 = tpu.matmul %convert_element_type3A_5, %convert_element_type3A_9, %dot_general3A {dimension_numbers = #tpu.dot_dimension_numbers<[1], [1], [0], [0], [0, 0, 1, 0], [], []>, transpose_lhs_hint = false} : vector<32x64xbf16>, vector<32x64xbf16>, vector<32x32xf32> -> vector<32x32xf32>
    %get3A_11 = arith.constant 0 : index
    %get3A_12 = arith.constant 0 : index
    %get3A_13 = vector.load %arg3[%get3A_11, %get3A_12] : memref<1x32xf32, #tpu.memory_space<vmem>>, vector<1x32xf32>
    %add3A = vector.broadcast %get3A_13 : vector<1x32xf32> to vector<32x32xf32>
    %add3A_14 = arith.addf %dot_general3A_10, %add3A : vector<32x32xf32>
    %max3A = arith.constant 0.000000e+00 : f32
    %max3A_15 = vector.broadcast %max3A : f32 to vector<32x32xf32>
    %max3A_16 = arith.maximumf %add3A_14, %max3A_15 : vector<32x32xf32>
    %convert_element_type3A_17 = arith.truncf %max3A_16 : vector<32x32xf32> to vector<32x32xbf16>
    %get3A_18 = arith.constant 0 : index
    %get3A_19 = arith.constant 0 : index
    %get3A_20 = vector.load %arg4[%get3A_18, %get3A_19] : memref<32x100000xbf16, #tpu.memory_space<vmem>>, vector<32x100000xbf16>
    %dot_general3A_21 = arith.constant dense<0.000000e+00> : vector<32x100000xf32>
    %dot_general3A_22 = tpu.matmul %convert_element_type3A_17, %get3A_20, %dot_general3A_21 {dimension_numbers = #tpu.dot_dimension_numbers<[1], [0], [0], [1], [0, 0, 1, 1], [], []>, transpose_lhs_hint = false} : vector<32x32xbf16>, vector<32x100000xbf16>, vector<32x100000xf32> -> vector<32x100000xf32>
    %get3A_23 = arith.constant 0 : index
    %get3A_24 = arith.constant 0 : index
    %get3A_25 = vector.load %arg5[%get3A_23, %get3A_24] : memref<1x100000xf32, #tpu.memory_space<vmem>>, vector<1x100000xf32>
    %add3A_26 = vector.broadcast %get3A_25 : vector<1x100000xf32> to vector<32x100000xf32>
    %add3A_27 = arith.addf %dot_general3A_22, %add3A_26 : vector<32x100000xf32>
    %convert_element_type3A_28 = arith.truncf %add3A_27 : vector<32x100000xf32> to vector<32x100000xbf16>
    %swap3A = arith.index_cast %rem3A_0 : i32 to index
    %swap3A_29 = arith.constant 0 : index
    %swap3A_30 = arith.constant 0 : index
    %swap3A_31 = vector.load %arg7[%swap3A, %swap3A_29, %swap3A_30] : memref<3x32x100000xbf16, #tpu.memory_space<vmem>>, vector<1x32x100000xbf16>
    %swap3A_32 = vector.shape_cast %swap3A_31 : vector<1x32x100000xbf16> to vector<32x100000xbf16>
    %swap3A_33 = vector.shape_cast %convert_element_type3A_28 : vector<32x100000xbf16> to vector<1x32x100000xbf16>
    tpu.vector_store %arg7[%swap3A, %swap3A_29, %swap3A_30], %swap3A_33 {strides = array<i32>} : memref<3x32x100000xbf16, #tpu.memory_space<vmem>>, vector<1x32x100000xbf16>,
    %mul3A = arith.constant 32 : i32
    %mul3A_34 = arith.muli %arg0, %mul3A : i32
    %add3A_35 = arith.constant 0 : i32
    %add3A_36 = arith.addi %mul3A_34, %add3A_35 : i32
    %dma_start3A = tpu.memref_slice %arg8[%rem3A_0] : memref<3x!tpu.dma_semaphore, #tpu.memory_space<semaphore_mem>> -> memref<1x!tpu.dma_semaphore, #tpu.memory_space<semaphore_mem>>
    %dma_start3A_37 = tpu.memref_squeeze %dma_start3A : memref<1x!tpu.dma_semaphore, #tpu.memory_space<semaphore_mem>> -> memref<!tpu.dma_semaphore, #tpu.memory_space<semaphore_mem>>
    %dma_start3A_38 = arith.constant 0 : i32
    %dma_start3A_39 = tpu.memref_slice %arg6[%add3A_36, %dma_start3A_38] : memref<1024x100000xbf16, #tpu.memory_space<any>> -> memref<16x100000xbf16, #tpu.memory_space<any>>
    %dma_start3A_40 = arith.constant 0 : i32
    %dma_start3A_41 = arith.constant 0 : i32
    %dma_start3A_42 = tpu.memref_slice %arg7[%rem3A_0, %dma_start3A_40, %dma_start3A_41] : memref<3x32x100000xbf16, #tpu.memory_space<vmem>> -> memref<1x16x100000xbf16, #tpu.memory_space<vmem>>
    %dma_start3A_43 = tpu.memref_squeeze %dma_start3A_42 : memref<1x16x100000xbf16, #tpu.memory_space<vmem>> -> memref<16x100000xbf16, #tpu.memory_space<vmem>>
    tpu.enqueue_dma source(%dma_start3A_43 : memref<16x100000xbf16, #tpu.memory_space<vmem>>) target(%dma_start3A_39 : memref<16x100000xbf16, #tpu.memory_space<any>>) target_semaphore(%dma_start3A_37 : memref<!tpu.dma_semaphore, #tpu.memory_space<semaphore_mem>>)
    %mul3A_44 = arith.constant 32 : i32
    %mul3A_45 = arith.muli %arg0, %mul3A_44 : i32
    %add3A_46 = arith.constant 16 : i32
    %add3A_47 = arith.addi %mul3A_45, %add3A_46 : i32
    %dma_start3A_48 = tpu.memref_slice %arg8[%rem3A_0] : memref<3x!tpu.dma_semaphore, #tpu.memory_space<semaphore_mem>> -> memref<1x!tpu.dma_semaphore, #tpu.memory_space<semaphore_mem>>
    %dma_start3A_49 = tpu.memref_squeeze %dma_start3A_48 : memref<1x!tpu.dma_semaphore, #tpu.memory_space<semaphore_mem>> -> memref<!tpu.dma_semaphore, #tpu.memory_space<semaphore_mem>>
    %dma_start3A_50 = arith.constant 0 : i32
    %dma_start3A_51 = tpu.memref_slice %arg6[%add3A_47, %dma_start3A_50] : memref<1024x100000xbf16, #tpu.memory_space<any>> -> memref<16x100000xbf16, #tpu.memory_space<any>>
    %dma_start3A_52 = arith.constant 16 : i32
    %dma_start3A_53 = arith.constant 0 : i32
    %dma_start3A_54 = tpu.memref_slice %arg7[%rem3A_0, %dma_start3A_52, %dma_start3A_53] : memref<3x32x100000xbf16, #tpu.memory_space<vmem>> -> memref<1x16x100000xbf16, #tpu.memory_space<vmem>>
    %dma_start3A_55 = tpu.memref_squeeze %dma_start3A_54 : memref<1x16x100000xbf16, #tpu.memory_space<vmem>> -> memref<16x100000xbf16, #tpu.memory_space<vmem>>
    tpu.enqueue_dma source(%dma_start3A_55 : memref<16x100000xbf16, #tpu.memory_space<vmem>>) target(%dma_start3A_51 : memref<16x100000xbf16, #tpu.memory_space<any>>) target_semaphore(%dma_start3A_49 : memref<!tpu.dma_semaphore, #tpu.memory_space<semaphore_mem>>)
    %eq3A = arith.constant 31 : i32
    %eq3A_56 = arith.cmpi eq, %arg0, %eq3A : i32
    %convert_element_type3A_57 = arith.extui %eq3A_56 : i1 to i32
    %cond3A_58 = arith.constant 0 : i32
    %cond3A_59 = arith.cmpi ne, %convert_element_type3A_57, %cond3A_58 : i32
    scf.if %cond3A_59 {
      %sub3A = arith.constant 0 : i32
      %sub3A_60 = arith.subi %rem3A_0, %sub3A : i32
      %jit3A = arith.constant 3 : i32
      %eq3A_61 = arith.constant 0 : i32
      %eq3A_62 = arith.cmpi eq, %jit3A, %eq3A_61 : i32
      %jit3A_63 = arith.constant 1 : i32
      %select_n3A = arith.select %eq3A_62, %jit3A_63, %jit3A : i32
      %rem3A_64 = arith.remsi %sub3A_60, %select_n3A : i32
      %ne3A = arith.constant 0 : i32
      %ne3A_65 = arith.cmpi ne, %rem3A_64, %ne3A : i32
      %lt3A = arith.constant 0 : i32
      %lt3A_66 = arith.cmpi slt, %rem3A_64, %lt3A : i32
      %lt3A_67 = arith.constant 0 : i32
      %lt3A_68 = arith.cmpi slt, %select_n3A, %lt3A_67 : i32
      %ne3A_69 = arith.xori %lt3A_66, %lt3A_68 : i1
      %and3A = arith.andi %ne3A_69, %ne3A_65 : i1
      %add3A_70 = arith.addi %rem3A_64, %select_n3A : i32
      %select_n3A_71 = arith.select %and3A, %add3A_70, %rem3A_64 : i32
      %sub3A_72 = arith.constant 0 : i32
      %sub3A_73 = arith.subi %arg0, %sub3A_72 : i32
      %mul3A_74 = arith.constant 32 : i32
      %mul3A_75 = arith.muli %sub3A_73, %mul3A_74 : i32
      %add3A_76 = arith.constant 0 : i32
      %add3A_77 = arith.addi %mul3A_75, %add3A_76 : i32
      %dma_wait3A = tpu.memref_slice %arg8[%select_n3A_71] : memref<3x!tpu.dma_semaphore, #tpu.memory_space<semaphore_mem>> -> memref<1x!tpu.dma_semaphore, #tpu.memory_space<semaphore_mem>>
      %dma_wait3A_78 = tpu.memref_squeeze %dma_wait3A : memref<1x!tpu.dma_semaphore, #tpu.memory_space<semaphore_mem>> -> memref<!tpu.dma_semaphore, #tpu.memory_space<semaphore_mem>>
      %dma_wait3A_79 = arith.constant 0 : i32
      %dma_wait3A_80 = tpu.memref_slice %arg6[%add3A_77, %dma_wait3A_79] : memref<1024x100000xbf16, #tpu.memory_space<any>> -> memref<16x100000xbf16, #tpu.memory_space<any>>
      %dma_wait3A_81 = arith.constant 0 : i32
      %dma_wait3A_82 = arith.constant 0 : i32
      %dma_wait3A_83 = tpu.memref_slice %arg7[%select_n3A_71, %dma_wait3A_81, %dma_wait3A_82] : memref<3x32x100000xbf16, #tpu.memory_space<vmem>> -> memref<1x16x100000xbf16, #tpu.memory_space<vmem>>
      %dma_wait3A_84 = tpu.memref_squeeze %dma_wait3A_83 : memref<1x16x100000xbf16, #tpu.memory_space<vmem>> -> memref<16x100000xbf16, #tpu.memory_space<vmem>>
      tpu.wait_dma2 semaphore(%dma_wait3A_78 : memref<!tpu.dma_semaphore, #tpu.memory_space<semaphore_mem>>) src(%dma_wait3A_84 : memref<16x100000xbf16, #tpu.memory_space<vmem>>) dst(%dma_wait3A_80 : memref<16x100000xbf16, #tpu.memory_space<any>>)
      %sub3A_85 = arith.constant 0 : i32
      %sub3A_86 = arith.subi %arg0, %sub3A_85 : i32
      %mul3A_87 = arith.constant 32 : i32
      %mul3A_88 = arith.muli %sub3A_86, %mul3A_87 : i32
      %add3A_89 = arith.constant 16 : i32
      %add3A_90 = arith.addi %mul3A_88, %add3A_89 : i32
      %dma_wait3A_91 = tpu.memref_slice %arg8[%select_n3A_71] : memref<3x!tpu.dma_semaphore, #tpu.memory_space<semaphore_mem>> -> memref<1x!tpu.dma_semaphore, #tpu.memory_space<semaphore_mem>>
      %dma_wait3A_92 = tpu.memref_squeeze %dma_wait3A_91 : memref<1x!tpu.dma_semaphore, #tpu.memory_space<semaphore_mem>> -> memref<!tpu.dma_semaphore, #tpu.memory_space<semaphore_mem>>
      %dma_wait3A_93 = arith.constant 0 : i32
      %dma_wait3A_94 = tpu.memref_slice %arg6[%add3A_90, %dma_wait3A_93] : memref<1024x100000xbf16, #tpu.memory_space<any>> -> memref<16x100000xbf16, #tpu.memory_space<any>>
      %dma_wait3A_95 = arith.constant 16 : i32
      %dma_wait3A_96 = arith.constant 0 : i32
      %dma_wait3A_97 = tpu.memref_slice %arg7[%select_n3A_71, %dma_wait3A_95, %dma_wait3A_96] : memref<3x32x100000xbf16, #tpu.memory_space<vmem>> -> memref<1x16x100000xbf16, #tpu.memory_space<vmem>>
      %dma_wait3A_98 = tpu.memref_squeeze %dma_wait3A_97 : memref<1x16x100000xbf16, #tpu.memory_space<vmem>> -> memref<16x100000xbf16, #tpu.memory_space<vmem>>
      tpu.wait_dma2 semaphore(%dma_wait3A_92 : memref<!tpu.dma_semaphore, #tpu.memory_space<semaphore_mem>>) src(%dma_wait3A_98 : memref<16x100000xbf16, #tpu.memory_space<vmem>>) dst(%dma_wait3A_94 : memref<16x100000xbf16, #tpu.memory_space<any>>)
      %sub3A_99 = arith.constant 1 : i32
      %sub3A_100 = arith.subi %rem3A_0, %sub3A_99 : i32
      %jit3A_101 = arith.constant 3 : i32
      %eq3A_102 = arith.constant 0 : i32
      %eq3A_103 = arith.cmpi eq, %jit3A_101, %eq3A_102 : i32
      %jit3A_104 = arith.constant 1 : i32
      %select_n3A_105 = arith.select %eq3A_103, %jit3A_104, %jit3A_101 : i32
      %rem3A_106 = arith.remsi %sub3A_100, %select_n3A_105 : i32
      %ne3A_107 = arith.constant 0 : i32
      %ne3A_108 = arith.cmpi ne, %rem3A_106, %ne3A_107 : i32
      %lt3A_109 = arith.constant 0 : i32
      %lt3A_110 = arith.cmpi slt, %rem3A_106, %lt3A_109 : i32
      %lt3A_111 = arith.constant 0 : i32
      %lt3A_112 = arith.cmpi slt, %select_n3A_105, %lt3A_111 : i32
      %ne3A_113 = arith.xori %lt3A_110, %lt3A_112 : i1
      %and3A_114 = arith.andi %ne3A_113, %ne3A_108 : i1
      %add3A_115 = arith.addi %rem3A_106, %select_n3A_105 : i32
      %select_n3A_116 = arith.select %and3A_114, %add3A_115, %rem3A_106 : i32
      %sub3A_117 = arith.constant 1 : i32
      %sub3A_118 = arith.subi %arg0, %sub3A_117 : i32
      %mul3A_119 = arith.constant 32 : i32
      %mul3A_120 = arith.muli %sub3A_118, %mul3A_119 : i32
      %add3A_121 = arith.constant 0 : i32
      %add3A_122 = arith.addi %mul3A_120, %add3A_121 : i32
      %dma_wait3A_123 = tpu.memref_slice %arg8[%select_n3A_116] : memref<3x!tpu.dma_semaphore, #tpu.memory_space<semaphore_mem>> -> memref<1x!tpu.dma_semaphore, #tpu.memory_space<semaphore_mem>>
      %dma_wait3A_124 = tpu.memref_squeeze %dma_wait3A_123 : memref<1x!tpu.dma_semaphore, #tpu.memory_space<semaphore_mem>> -> memref<!tpu.dma_semaphore, #tpu.memory_space<semaphore_mem>>
      %dma_wait3A_125 = arith.constant 0 : i32
      %dma_wait3A_126 = tpu.memref_slice %arg6[%add3A_122, %dma_wait3A_125] : memref<1024x100000xbf16, #tpu.memory_space<any>> -> memref<16x100000xbf16, #tpu.memory_space<any>>
      %dma_wait3A_127 = arith.constant 0 : i32
      %dma_wait3A_128 = arith.constant 0 : i32
      %dma_wait3A_129 = tpu.memref_slice %arg7[%select_n3A_116, %dma_wait3A_127, %dma_wait3A_128] : memref<3x32x100000xbf16, #tpu.memory_space<vmem>> -> memref<1x16x100000xbf16, #tpu.memory_space<vmem>>
      %dma_wait3A_130 = tpu.memref_squeeze %dma_wait3A_129 : memref<1x16x100000xbf16, #tpu.memory_space<vmem>> -> memref<16x100000xbf16, #tpu.memory_space<vmem>>
      tpu.wait_dma2 semaphore(%dma_wait3A_124 : memref<!tpu.dma_semaphore, #tpu.memory_space<semaphore_mem>>) src(%dma_wait3A_130 : memref<16x100000xbf16, #tpu.memory_space<vmem>>) dst(%dma_wait3A_126 : memref<16x100000xbf16, #tpu.memory_space<any>>)
      %sub3A_131 = arith.constant 1 : i32
      %sub3A_132 = arith.subi %arg0, %sub3A_131 : i32
      %mul3A_133 = arith.constant 32 : i32
      %mul3A_134 = arith.muli %sub3A_132, %mul3A_133 : i32
      %add3A_135 = arith.constant 16 : i32
      %add3A_136 = arith.addi %mul3A_134, %add3A_135 : i32
      %dma_wait3A_137 = tpu.memref_slice %arg8[%select_n3A_116] : memref<3x!tpu.dma_semaphore, #tpu.memory_space<semaphore_mem>> -> memref<1x!tpu.dma_semaphore, #tpu.memory_space<semaphore_mem>>
      %dma_wait3A_138 = tpu.memref_squeeze %dma_wait3A_137 : memref<1x!tpu.dma_semaphore, #tpu.memory_space<semaphore_mem>> -> memref<!tpu.dma_semaphore, #tpu.memory_space<semaphore_mem>>
      %dma_wait3A_139 = arith.constant 0 : i32
      %dma_wait3A_140 = tpu.memref_slice %arg6[%add3A_136, %dma_wait3A_139] : memref<1024x100000xbf16, #tpu.memory_space<any>> -> memref<16x100000xbf16, #tpu.memory_space<any>>
      %dma_wait3A_141 = arith.constant 16 : i32
      %dma_wait3A_142 = arith.constant 0 : i32
      %dma_wait3A_143 = tpu.memref_slice %arg7[%select_n3A_116, %dma_wait3A_141, %dma_wait3A_142] : memref<3x32x100000xbf16, #tpu.memory_space<vmem>> -> memref<1x16x100000xbf16, #tpu.memory_space<vmem>>
      %dma_wait3A_144 = tpu.memref_squeeze %dma_wait3A_143 : memref<1x16x100000xbf16, #tpu.memory_space<vmem>> -> memref<16x100000xbf16, #tpu.memory_space<vmem>>
      tpu.wait_dma2 semaphore(%dma_wait3A_138 : memref<!tpu.dma_semaphore, #tpu.memory_space<semaphore_mem>>) src(%dma_wait3A_144 : memref<16x100000xbf16, #tpu.memory_space<vmem>>) dst(%dma_wait3A_140 : memref<16x100000xbf16, #tpu.memory_space<any>>)
      %sub3A_145 = arith.constant 2 : i32
      %sub3A_146 = arith.subi %rem3A_0, %sub3A_145 : i32
      %jit3A_147 = arith.constant 3 : i32
      %eq3A_148 = arith.constant 0 : i32
      %eq3A_149 = arith.cmpi eq, %jit3A_147, %eq3A_148 : i32
      %jit3A_150 = arith.constant 1 : i32
      %select_n3A_151 = arith.select %eq3A_149, %jit3A_150, %jit3A_147 : i32
      %rem3A_152 = arith.remsi %sub3A_146, %select_n3A_151 : i32
      %ne3A_153 = arith.constant 0 : i32
      %ne3A_154 = arith.cmpi ne, %rem3A_152, %ne3A_153 : i32
      %lt3A_155 = arith.constant 0 : i32
      %lt3A_156 = arith.cmpi slt, %rem3A_152, %lt3A_155 : i32
      %lt3A_157 = arith.constant 0 : i32
      %lt3A_158 = arith.cmpi slt, %select_n3A_151, %lt3A_157 : i32
      %ne3A_159 = arith.xori %lt3A_156, %lt3A_158 : i1
      %and3A_160 = arith.andi %ne3A_159, %ne3A_154 : i1
      %add3A_161 = arith.addi %rem3A_152, %select_n3A_151 : i32
      %select_n3A_162 = arith.select %and3A_160, %add3A_161, %rem3A_152 : i32
      %sub3A_163 = arith.constant 2 : i32
      %sub3A_164 = arith.subi %arg0, %sub3A_163 : i32
      %mul3A_165 = arith.constant 32 : i32
      %mul3A_166 = arith.muli %sub3A_164, %mul3A_165 : i32
      %add3A_167 = arith.constant 0 : i32
      %add3A_168 = arith.addi %mul3A_166, %add3A_167 : i32
      %dma_wait3A_169 = tpu.memref_slice %arg8[%select_n3A_162] : memref<3x!tpu.dma_semaphore, #tpu.memory_space<semaphore_mem>> -> memref<1x!tpu.dma_semaphore, #tpu.memory_space<semaphore_mem>>
      %dma_wait3A_170 = tpu.memref_squeeze %dma_wait3A_169 : memref<1x!tpu.dma_semaphore, #tpu.memory_space<semaphore_mem>> -> memref<!tpu.dma_semaphore, #tpu.memory_space<semaphore_mem>>
      %dma_wait3A_171 = arith.constant 0 : i32
      %dma_wait3A_172 = tpu.memref_slice %arg6[%add3A_168, %dma_wait3A_171] : memref<1024x100000xbf16, #tpu.memory_space<any>> -> memref<16x100000xbf16, #tpu.memory_space<any>>
      %dma_wait3A_173 = arith.constant 0 : i32
      %dma_wait3A_174 = arith.constant 0 : i32
      %dma_wait3A_175 = tpu.memref_slice %arg7[%select_n3A_162, %dma_wait3A_173, %dma_wait3A_174] : memref<3x32x100000xbf16, #tpu.memory_space<vmem>> -> memref<1x16x100000xbf16, #tpu.memory_space<vmem>>
      %dma_wait3A_176 = tpu.memref_squeeze %dma_wait3A_175 : memref<1x16x100000xbf16, #tpu.memory_space<vmem>> -> memref<16x100000xbf16, #tpu.memory_space<vmem>>
      tpu.wait_dma2 semaphore(%dma_wait3A_170 : memref<!tpu.dma_semaphore, #tpu.memory_space<semaphore_mem>>) src(%dma_wait3A_176 : memref<16x100000xbf16, #tpu.memory_space<vmem>>) dst(%dma_wait3A_172 : memref<16x100000xbf16, #tpu.memory_space<any>>)
      %sub3A_177 = arith.constant 2 : i32
      %sub3A_178 = arith.subi %arg0, %sub3A_177 : i32
      %mul3A_179 = arith.constant 32 : i32
      %mul3A_180 = arith.muli %sub3A_178, %mul3A_179 : i32
      %add3A_181 = arith.constant 16 : i32
      %add3A_182 = arith.addi %mul3A_180, %add3A_181 : i32
      %dma_wait3A_183 = tpu.memref_slice %arg8[%select_n3A_162] : memref<3x!tpu.dma_semaphore, #tpu.memory_space<semaphore_mem>> -> memref<1x!tpu.dma_semaphore, #tpu.memory_space<semaphore_mem>>
      %dma_wait3A_184 = tpu.memref_squeeze %dma_wait3A_183 : memref<1x!tpu.dma_semaphore, #tpu.memory_space<semaphore_mem>> -> memref<!tpu.dma_semaphore, #tpu.memory_space<semaphore_mem>>
      %dma_wait3A_185 = arith.constant 0 : i32
      %dma_wait3A_186 = tpu.memref_slice %arg6[%add3A_182, %dma_wait3A_185] : memref<1024x100000xbf16, #tpu.memory_space<any>> -> memref<16x100000xbf16, #tpu.memory_space<any>>
      %dma_wait3A_187 = arith.constant 16 : i32
      %dma_wait3A_188 = arith.constant 0 : i32
      %dma_wait3A_189 = tpu.memref_slice %arg7[%select_n3A_162, %dma_wait3A_187, %dma_wait3A_188] : memref<3x32x100000xbf16, #tpu.memory_space<vmem>> -> memref<1x16x100000xbf16, #tpu.memory_space<vmem>>
      %dma_wait3A_190 = tpu.memref_squeeze %dma_wait3A_189 : memref<1x16x100000xbf16, #tpu.memory_space<vmem>> -> memref<16x100000xbf16, #tpu.memory_space<vmem>>
      tpu.wait_dma2 semaphore(%dma_wait3A_184 : memref<!tpu.dma_semaphore, #tpu.memory_space<semaphore_mem>>) src(%dma_wait3A_190 : memref<16x100000xbf16, #tpu.memory_space<vmem>>) dst(%dma_wait3A_186 : memref<16x100000xbf16, #tpu.memory_space<any>>)
    } else {
    }
    return
  }
  func.func @transform_0(%arg0: i32) -> (i32, i32) {
    %c0_i32 = arith.constant 0 : i32
    %c0_i32_0 = arith.constant 0 : i32
    return %arg0, %c0_i32 : i32, i32
  }
  func.func @transform_1(%arg0: i32) -> (i32, i32) {
    %c0_i32 = arith.constant 0 : i32
    %c0_i32_0 = arith.constant 0 : i32
    %c0_i32_1 = arith.constant 0 : i32
    return %c0_i32, %c0_i32_0 : i32, i32
  }
  func.func @transform_2(%arg0: i32) -> (i32, i32) {
    %c0_i32 = arith.constant 0 : i32
    %c0_i32_0 = arith.constant 0 : i32
    %c0_i32_1 = arith.constant 0 : i32
    return %c0_i32, %c0_i32_0 : i32, i32
  }
  func.func @transform_3(%arg0: i32) -> (i32, i32) {
    %c0_i32 = arith.constant 0 : i32
    %c0_i32_0 = arith.constant 0 : i32
    %c0_i32_1 = arith.constant 0 : i32
    return %c0_i32, %c0_i32_0 : i32, i32
  }
  func.func @transform_4(%arg0: i32) -> (i32, i32) {
    %c0_i32 = arith.constant 0 : i32
    %c0_i32_0 = arith.constant 0 : i32
    %c0_i32_1 = arith.constant 0 : i32
    return %c0_i32, %c0_i32_0 : i32, i32
  }
}

</mosaic_0001>

<sc_bundles>
// kernel: kernel.4.cloned.1.call-start
scs
__scs_entry_jumppad:
0x0: {  	(pc) =	sbr.rel $0x88, $3  }
0x1: {  	(tag) =	ssettag $0x0;
	lr =	simm.s32 $0x1  }
0x2: {  	[smem:$0x3F9B] =	sst lr;
	_ =	strace $0xD0000000  }
0x3: {  	_ = 	snop  }
0x4: {  	_ = 	snop  }
0x5: {  	_ = 	snop  }
0x6: {  	_ = 	snop  }
0x7: {  	_ = 	snop  }
__scs_overlays_trampoline_lowered:
0x8: {  	[smem:$0x3FAA] =	sst s0  }
0x9: {  	[smem:$0x3FAB] =	sst s1  }
0xa: {  	[smem:$0x3FAC] =	sst s2  }
0xb: {  	[smem:$0x3FAD] =	sst s3  }
0xc: {  	[smem:$0x3FAE] =	sst s4  }
0xd: {  	[smem:$0x3FAF] =	sst s5  }
0xe: {  	[smem:$0x3FB0] =	sst s6  }
0xf: {  	[smem:$0x3FB1] =	sst s7  }
0x10: {  	[smem:$0x3FB2] =	sst s8  }
0x11: {  	[smem:$0x3FB3] =	sst s9;
	s0 =	simm.s32 @!p0 $0x0  }
0x12: {  	s1 =	sld [smem:$0x3F99];
	s0 =	simm.s32 @p0 $0x1  }
0x13: {  	[smem:$0x3FB4] =	sst s0;
	s0 =	simm.s32 @!p1 $0x0  }
0x14: {  	s2 =	sld [smem:$0x3F98];
	s0 =	simm.s32 @p1 $0x1  }
0x15: {  	[smem:$0x3FB5] =	sst s0;
	s0 =	simm.s32 @!p2 $0x0  }
0x16: {  	s3 =	sld [smem:$0x3FDB];
	s0 =	simm.s32 @p2 $0x1  }
0x17: {  	s4 =	simm.s32 $0x1BF5;
	[smem:$0x3FB7] =	sst s0  }
0x18: {  	s0 =	sld [smem:$0x3F9A];
	_ =	swait.ge [sflag:s4], $0x0  }
0x19: {  	s7 =	sld [smem:$0x3F9B]  }
0x1a: {  	s8 =	sadd.s32 $0xFFFFE003, lr  }
0x1b: {  	s9 =	sadd.s32 $0xFFFFFEF7, lr;
	s5 =	simm.s32 $0xFFFFFFFF;
	p2 =	slt.u32 s8, $0xFFFFF086  }
0x1c: {  	p1 =	slt.u32 s9, $0xF7A;
	s5 =	simm.s32 @!p2 $0x0  }
0x1d: {  	s5 =	simm.s32 @p1 $0x1;
	p0 =	seq.s32 s7, s2  }
0x1e: {  	s7 =	smul.u32 @!p0 $0xF7A, s2;
	p2 =	seq.s32 @!p0 s5, $0x0  }
0x1f: {  	s9 =	smul.u32 $0xF7A, s1;
	s8 =	simm.s32 @!p0 $0x1BF5;
	p2 =	por !p2, p0  }
0x20: {  	[sflag:s8] =	ssyncset.s32 @!p0 $0xFFFFF086;
	s6 =	sadd.s32 @!p0 s3, s7;
	s7 =	simm.s32 @!p0 $0x108  }
0x21: {  	s3 =	sadd.s32 s3, s9;
	s6 =	sadd.s32 @!p0 $0x88, s6;
	s7 =	simm.s32 @p2 $0x1082  }
0x22: {  	[simem:s7], [sflag:s8] =	dma.local @!p0 [hbm:s6], $0xF7A  }
0x23: {  	s9 =	sor.u32 $0xD0000000, s2;
	s6 =	simm.s32 $0x108;
	_ =	swait.ge @!p0 [sflag:s8], $0x0  }
0x24: {  	s3 =	sadd.s32 $0x88, s3;
	s6 =	simm.s32 @!p1 $0x1082;
	[sflag:s4] =	ssyncset.s32 $0xFFFFF086  }
0x25: {  	[simem:s6], [sflag:s4] =	dma.local [hbm:s3], $0xF7A  }
0x26: {  	[smem:$0x3F9B] =	sst s1;
	(tag) =	ssettag s2;
	_ =	strace s9  }
0x27: {  	s1 =	sld [smem:$0x3FAB]  }
0x28: {  	s2 =	sld [smem:$0x3FAC]  }
0x29: {  	s4 =	sld [smem:$0x3FAE]  }
0x2a: {  	p0 =	seq.s32 s5, $0x0;
	s5 =	sld [smem:$0x3FAF]  }
0x2b: {  	s6 =	sld [smem:$0x3FB0]  }
0x2c: {  	s7 =	sld [smem:$0x3FB1]  }
0x2d: {  	s3 =	simm.s32 $0x108;
	s8 =	sld [smem:$0x3FB2]  }
0x2e: {  	s3 =	simm.s32 @!p0 $0x1082;
	s9 =	sld [smem:$0x3FB3]  }
0x2f: {  	lr =	sadd.s32 s0, s3;
	s0 =	sld [smem:$0x3FAA]  }
0x30: {  	s3 =	sld [smem:$0x3FAD]  }
0x31: {  	[smem:$0x3FB6] =	sst s10  }
0x32: {  	s10 =	sld [smem:$0x3FB4];
	_ =	sdelay $0x3  }
0x33: {  	p0 =	seq.s32 s10, $0x1;
	s10 =	sld [smem:$0x3FB6];
	_ =	sdelay $0x3  }
0x34: {  	[smem:$0x3FB6] =	sst s10  }
0x35: {  	s10 =	sld [smem:$0x3FB5];
	_ =	sdelay $0x3  }
0x36: {  	p1 =	seq.s32 s10, $0x1;
	s10 =	sld [smem:$0x3FB6];
	_ =	sdelay $0x3  }
0x37: {  	[smem:$0x3FB6] =	sst s10  }
0x38: {  	s10 =	sld [smem:$0x3FB7]  }
0x39: {  	_ = 	snop;
	(pc) =	sbr.ind lr, $3  }
0x3a: {  	_ = 	snop  }
0x3b: {  	_ = 	snop  }
0x3c: {  	p2 =	seq.s32 s10, $0x1;
	s10 =	sld [smem:$0x3FB6]  }
0x3d: {  	_ =	shalt  }
0x3e: {  	_ =	shalt  }
0x3f: {  	_ =	shalt  }
0x40: {  	_ =	shalt  }
0x41: {  	_ =	shalt  }
0x42: {  	_ =	shalt  }
0x43: {  	_ =	shalt  }
0x44: {  	_ =	shalt  }
0x45: {  	_ =	shalt  }
0x46: {  	_ =	shalt  }
0x47: {  	_ =	shalt  }
0x48: {  	_ =	shalt  }
0x49: {  	_ =	shalt  }
0x4a: {  	_ =	shalt  }
0x4b: {  	_ =	shalt  }
0x4c: {  	_ =	shalt  }
0x4d: {  	_ =	shalt  }
0x4e: {  	_ =	shalt  }
0x4f: {  	_ =	shalt  }
0x50: {  	_ =	shalt  }
0x51: {  	_ =	shalt  }
0x52: {  	_ =	shalt  }
0x53: {  	_ =	shalt  }
0x54: {  	_ =	shalt  }
0x55: {  	_ =	shalt  }
0x56: {  	_ =	shalt  }
0x57: {  	_ =	shalt  }
0x58: {  	_ =	shalt  }
0x59: {  	_ =	shalt  }
0x5a: {  	_ =	shalt  }
0x5b: {  	_ =	shalt  }
0x5c: {  	_ =	shalt  }
0x5d: {  	_ =	shalt  }
0x5e: {  	_ =	shalt  }
0x5f: {  	_ =	shalt  }
0x60: {  	_ =	shalt  }
0x61: {  	_ =	shalt  }
0x62: {  	_ =	shalt  }
0x63: {  	_ =	shalt  }
0x64: {  	_ =	shalt  }
0x65: {  	_ =	shalt  }
0x66: {  	_ =	shalt  }
0x67: {  	_ =	shalt  }
0x68: {  	_ =	shalt  }
0x69: {  	_ =	shalt  }
0x6a: {  	_ =	shalt  }
0x6b: {  	_ =	shalt  }
0x6c: {  	_ =	shalt  }
0x6d: {  	_ =	shalt  }
0x6e: {  	_ =	shalt  }
0x6f: {  	_ =	shalt  }
0x70: {  	_ =	shalt  }
0x71: {  	_ =	shalt  }
0x72: {  	_ =	shalt  }
0x73: {  	_ =	shalt  }
0x74: {  	_ =	shalt  }
0x75: {  	_ =	shalt  }
0x76: {  	_ =	shalt  }
0x77: {  	_ =	shalt  }
0x78: {  	_ =	shalt  }
0x79: {  	_ =	shalt  }
0x7a: {  	_ =	shalt  }
0x7b: {  	_ =	shalt  }
0x7c: {  	_ =	shalt  }
0x7d: {  	_ =	shalt  }
0x7e: {  	_ =	shalt  }
0x7f: {  	_ =	shalt  }
0x80: {  	_ =	shalt  }
0x81: {  	_ =	shalt  }
0x82: {  	_ =	shalt  }
0x83: {  	_ =	shalt  }
0x84: {  	_ =	shalt  }
0x85: {  	_ =	shalt  }
0x86: {  	_ =	shalt  }
0x87: {  	_ =	shalt  }
.Lfunc_end0:
.L_simem_size_0:
called_computation_lowered:
.L_overlay_start_0:
0x88: {  	s2 =	sld [smem:$0x3FD9]  }
0x89: {  	s3 =	sld [smem:$0x3FFE];
	_ =	sdelay $0x1  }
0x8a: {  	s1 =	srdreg.scid  }
0x8b: {  	s0 =	sand.u32 $0x1, s1  }
0x8c: {  	s16 =	sshll.u32 s0, $0xA;
	s2 =	sadd.s32 s3, s2  }
0x8d: {  	s2 =	sadd.s32 s2, s16  }
0x8e: {  	[smem:$0x3FC2] =	sst s2  }
0x8f: {  	_ = 	snop  }
0x90: {  	(tm) =	ssettm $0x1  }
0x91: {  	s17 =	sld [smem:$0x3FFB];
	_ =	sdelay $0x3  }
0x92: {  	_ =	strace s17  }
0x93: {  	s2 =	sld [smem:$0x3FFC];
	_ =	sdelay $0x3  }
0x94: {  	_ =	strace s2  }
0x95: {  	s2 =	sld [smem:$0x3FFD];
	_ =	sdelay $0x3  }
0x96: {  	_ =	strace s2  }
0x97: {  	_ =	strace $0x8FFFFFFF  }
0x98: {  	s18 =	sld [smem:$0x3FDB];
	_ =	sdelay $0x1  }
0x99: {  	s19 =	simm.s32 $_scs_section_size  }
0x9a: {  	s4 =	simm.s32 $_size__tile_overlayer_lowered;
	s5 =	simm.s32 $_tile_overlayer_lowered  }
0x9b: {  	s22 =	simm.s32 $0x1BFF;
	s21 =	sshll.u32 s5, $0x1;
	s2 =	sadd.s32 s19, s18  }
0x9c: {  	s6 =	simm.s32 $0x0;
	s20 =	sshll.u32 s4, $0x1;
	s4 =	sadd.s32 s21, s2  }
0x9d: {  	[timem:s6], [sflag:s22] =	dma.local [hbm:s4], s20  }
0x9e: {  	_ =	swait.ge [sflag:s22], s20  }
0x9f: {  	s3 =	ssub.s32 $0x0, s20;
	[sflag:s22] =	ssyncset.done $0x0  }
0xa0: {  	[sflag:s22] =	ssyncadd.s32 s3;
	_ =	sdelay $0x1  }
0xa1: {  	s23 =	simm.s32 $0x1B8B  }
0xa2: {  	_ =	swait.ge [sflag:s23], $0x1  }
0xa3: {  	[sflag:s23] =	ssyncset.done $0x0  }
0xa4: {  	s25 =	simm.s32 $0x1B8E;
	s24 =	sld [smem:$0x3FFE];
	[sflag:s23] =	ssyncadd.s32 $0xFFFFFFFF  }
0xa5: {  	s26 =	simm.s32 $execute0_lowered;
	[smem:$0x3FD2] =	sst s25  }
0xa6: {  	s4 =	sshll.u32 s26, $0x1;
	_ =	strace $0x80000046;
	[dreg:$0x1] =	wrdreg $0xFFFFFFFF  }
0xa7: {  	s28 =	simm.s32 $_size_execute0_lowered;
	s2 =	sadd.s32 s2, s4;
	[dreg:$0x0] =	wrdreg $0x0  }
0xa8: {  	s4 =	sshll.u32 s28, $0x1;
	[dreg:$0x2] =	wrdreg s2  }
0xa9: {  	[dreg:$0x3] =	wrdreg s4  }
0xaa: {  	[dreg:$0x4] =	wrdreg $0xC0  }
0xab: {  	_ =	task [dreg:s6], $0x5FFFF  }
0xac: {  	[dreg:$0x1] =	wrdreg $0xFFFFFFFF  }
0xad: {  	[dreg:$0x0] =	wrdreg $0x60  }
0xae: {  	[dreg:$0x2] =	wrdreg s24  }
0xaf: {  	[dreg:$0x3] =	wrdreg $0x9  }
0xb0: {  	_ =	task.clear_ibuf [dreg:s6], $0x4FFFF;
	_ =	strace $0x90000046  }
0xb1: {  	s29 =	simm.s32 $0x9;
	_ =	strace $0x80000048  }
0xb2: {  	_ =	swait.ge [sflag:s29], $0x1  }
0xb3: {  	[sflag:s29] =	ssyncadd.s32 $0xFFFFFFFF  }
0xb4: {  	_ =	strace $0x90000048  }
0xb5: {  	_ =	sfence  }
0xb6: {  	s30 =	sld [smem:$0x0];
	_ =	sdelay $0x2  }
0xb7: {  	s31 =	sshll.u32 s1, $0xD;
	s1 =	sshrl.u32 s1, $0x2  }
0xb8: {  	s3 =	sand.u32 $0x4000, s31;
	s1 =	sadd.s32 s1, s30  }
0xb9: {  	s0 =	sor.u32 s3, s0;
	s1 =	sshll.u32 s1, $0x11  }
0xba: {  	s0 =	sor.u32 s1, s0  }
0xbb: {  	s0 =	sadd.s32 $0x8F2B, s0  }
0xbc: {  	[sflag:s0] =	ssyncadd.remote.s32 $0x1  }
0xbd: {  	_ =	sfence.sel $0xFFFF  }
0xbe: {  	[dreg:$0x0] =	wrdreg $0xFFFFFFFF;
	(pc) =	sbr.abs _section_cstart, $3  }
0xbf: {  	[dreg:$0x1] =	wrdreg $0xFFFFFFFF  }
0xc0: {  	_ =	task.clear_ibuf [dreg:s6], $0x2FFFF;
	_ =	strace $0x9FFFFFFF  }
0xc1: {  	(tm) =	ssettm $0x7FFFFFFF  }
tec
execute0_lowered:
.L_overlay_start_1:
0x0: {  	(tag) =	ssettag $0x1  }
0x1: {  	s0 =	srdreg.scid  }
0x2: {  	s2 =	stileid.u32;
	s1 =	rddreg [dreg:$0x0]  }
0x3: {  	s7 =	simm.s32 $0x2;
	s8 =	simm.s32 $0x32;
	s24 =	simm.s32 $0x1  }
0x4: {  	s9 =	simm.s32 $0x12680;
	s10 =	simm.s32 $0x540;
	s11 =	simm.s32 $0x13300  }
0x5: {  	s12 =	simm.s32 $0x578;
	s13 =	simm.s32 $0x13F80;
	s14 =	simm.s32 $0x5B0  }
0x6: {  	s15 =	simm.s32 $0x14C00;
	s16 =	simm.s32 $0x5E8;
	s17 =	simm.s32 $0x15880  }
0x7: {  	s18 =	simm.s32 $0x620;
	s19 =	simm.s32 $0x16500;
	s20 =	simm.s32 $0x658  }
0x8: {  	s21 =	simm.s32 $0x17180;
	s22 =	simm.s32 $0x690;
	s23 =	simm.s32 $0x17E00  }
0x9: {  	s25 =	simm.s32 $0x6C8;
	s26 =	simm.s32 $0x18A80;
	s28 =	simm.s32 $0x19700  }
0xa: {  	s29 =	simm.s32 $0x0;
	s0 =	sand.u32 $0x1, s0;
	s3 =	sshll.u32 s2, $0x6  }
0xb: {  	s2 =	simm.s32 $0x0;
	s4 =	sshll.u32 s0, $0x5;
	s0 =	ssub.s32 $0x2, s0  }
0xc: {  	[smem:$0x7FF] =	sst s2;
	s3 =	sor.u32 s4, s3;
	s31 =	sshrl.u32 s0, $0x1  }
0xd: {  	_ =	strace $0x80000047;
	s4 =	smul.u32 $0x7, s3;
	s0 =	ssub.s32 s0, s31  }
0xe: {  	s5 =	sshll.u32 s3, $0x3;
	s3 =	sadd.s32 $0x3200, s1;
	s6 =	smax.u32 s0, $0x1  }
0xf: {  	s0 =	simm.s32 $0x508;
	s4 =	sadd.s32 s4, s1;
	s1 =	sadd.s32 s5, s1  }
0x10: {  	s4 =	sadd.s32 $0x1600, s4;
	s5 =	sadd.s32 $0xC6800, s1;
	s1 =	simm.s32 $0x11A00  }
.LBB2_1:
0x11: {  	[tilespmem:s2], [sflag:$0x2] =	stream.linear.gather [hbm4b:s4+s2], $0x700, $0x38;
	[tilespmem:$0x19F00] =	vst v63  }
0x12: {  	_ =	swait.ge [sflag:s7], $0x700  }
0x13: {  	[sflag:s7] =	ssyncset.done $0x0  }
0x14: {  	s30 =	simm.s32 $0x700;
	[sflag:s7] =	ssyncadd.s32 $0xFFFFF900  }
0x15: {  	[tilespmem:s30], [sflag:$0x1] =	stream.indirect.gather [hbm4b:s3+s8], $0x40, s2, s8, $0xb8;
	[tilespmem:$0x19F00] =	vst v63  }
0x16: {  	s31 =	simm.s32 $0x1380;
	s30 =	simm.s32 $0x38  }
0x17: {  	[tilespmem:s31], [sflag:$0x1] =	stream.indirect.gather [hbm4b:s3+s8], $0x40, s30, s8, $0xb8;
	[tilespmem:$0x19F00] =	vst v63  }
0x18: {  	s30 =	simm.s32 $0x70;
	s31 =	simm.s32 $0x2000  }
0x19: {  	[tilespmem:s31], [sflag:$0x1] =	stream.indirect.gather [hbm4b:s3+s8], $0x40, s30, s8, $0xb8;
	[tilespmem:$0x19F00] =	vst v63  }
0x1a: {  	s30 =	simm.s32 $0xA8;
	s31 =	simm.s32 $0x2C80  }
0x1b: {  	[tilespmem:s31], [sflag:$0x1] =	stream.indirect.gather [hbm4b:s3+s8], $0x40, s30, s8, $0xb8;
	[tilespmem:$0x19F00] =	vst v63  }
0x1c: {  	s30 =	simm.s32 $0xE0;
	s31 =	simm.s32 $0x3900  }
0x1d: {  	[tilespmem:s31], [sflag:$0x1] =	stream.indirect.gather [hbm4b:s3+s8], $0x40, s30, s8, $0xb8;
	[tilespmem:$0x19F00] =	vst v63  }
0x1e: {  	s30 =	simm.s32 $0x118;
	s31 =	simm.s32 $0x4580  }
0x1f: {  	[tilespmem:s31], [sflag:$0x1] =	stream.indirect.gather [hbm4b:s3+s8], $0x40, s30, s8, $0xb8;
	[tilespmem:$0x19F00] =	vst v63  }
0x20: {  	s30 =	simm.s32 $0x150;
	s31 =	simm.s32 $0x5200  }
0x21: {  	[tilespmem:s31], [sflag:$0x1] =	stream.indirect.gather [hbm4b:s3+s8], $0x40, s30, s8, $0xb8;
	[tilespmem:$0x19F00] =	vst v63  }
0x22: {  	s30 =	simm.s32 $0x188;
	s31 =	simm.s32 $0x5E80  }
0x23: {  	[tilespmem:s31], [sflag:$0x1] =	stream.indirect.gather [hbm4b:s3+s8], $0x40, s30, s8, $0xb8;
	[tilespmem:$0x19F00] =	vst v63  }
0x24: {  	_ =	swait.ge [sflag:s24], $0xC80  }
0x25: {  	[sflag:s24] =	ssyncset.done $0x0  }
0x26: {  	[sflag:s24] =	ssyncadd.s32 $0xFFFFF380  }
0x27: {  	_ =	swait.ge [sflag:s24], $0xC80  }
0x28: {  	[sflag:s24] =	ssyncset.done $0x0  }
0x29: {  	[sflag:s24] =	ssyncadd.s32 $0xFFFFF380  }
0x2a: {  	_ =	swait.ge [sflag:s24], $0xC80  }
0x2b: {  	[sflag:s24] =	ssyncset.done $0x0  }
0x2c: {  	[sflag:s24] =	ssyncadd.s32 $0xFFFFF380  }
0x2d: {  	_ =	swait.ge [sflag:s24], $0xC80  }
0x2e: {  	[sflag:s24] =	ssyncset.done $0x0  }
0x2f: {  	[sflag:s24] =	ssyncadd.s32 $0xFFFFF380  }
0x30: {  	_ =	swait.ge [sflag:s24], $0xC80  }
0x31: {  	[sflag:s24] =	ssyncset.done $0x0  }
0x32: {  	[sflag:s24] =	ssyncadd.s32 $0xFFFFF380  }
0x33: {  	_ =	swait.ge [sflag:s24], $0xC80  }
0x34: {  	[sflag:s24] =	ssyncset.done $0x0  }
0x35: {  	[sflag:s24] =	ssyncadd.s32 $0xFFFFF380  }
0x36: {  	_ =	swait.ge [sflag:s24], $0xC80  }
0x37: {  	[sflag:s24] =	ssyncset.done $0x0  }
0x38: {  	[sflag:s24] =	ssyncadd.s32 $0xFFFFF380  }
0x39: {  	_ =	swait.ge [sflag:s24], $0xC80  }
0x3a: {  	[sflag:s24] =	ssyncset.done $0x0  }
0x3b: {  	s30 =	simm.s32 $0x1C0;
	s31 =	simm.s32 $0x6B00;
	[sflag:s24] =	ssyncadd.s32 $0xFFFFF380  }
0x3c: {  	[tilespmem:s31], [sflag:$0x1] =	stream.indirect.gather [hbm4b:s3+s8], $0x40, s30, s8, $0xb8;
	[tilespmem:$0x19F00] =	vst v63  }
0x3d: {  	s30 =	simm.s32 $0x1F8;
	s31 =	simm.s32 $0x7780  }
0x3e: {  	[tilespmem:s31], [sflag:$0x1] =	stream.indirect.gather [hbm4b:s3+s8], $0x40, s30, s8, $0xb8;
	[tilespmem:$0x19F00] =	vst v63  }
0x3f: {  	s30 =	simm.s32 $0x230;
	s31 =	simm.s32 $0x8400  }
0x40: {  	[tilespmem:s31], [sflag:$0x1] =	stream.indirect.gather [hbm4b:s3+s8], $0x40, s30, s8, $0xb8;
	[tilespmem:$0x19F00] =	vst v63  }
0x41: {  	s30 =	simm.s32 $0x268;
	s31 =	simm.s32 $0x9080  }
0x42: {  	[tilespmem:s31], [sflag:$0x1] =	stream.indirect.gather [hbm4b:s3+s8], $0x40, s30, s8, $0xb8;
	[tilespmem:$0x19F00] =	vst v63  }
0x43: {  	s30 =	simm.s32 $0x2A0;
	s31 =	simm.s32 $0x9D00  }
0x44: {  	[tilespmem:s31], [sflag:$0x1] =	stream.indirect.gather [hbm4b:s3+s8], $0x40, s30, s8, $0xb8;
	[tilespmem:$0x19F00] =	vst v63  }
0x45: {  	s30 =	simm.s32 $0x2D8;
	s31 =	simm.s32 $0xA980  }
0x46: {  	[tilespmem:s31], [sflag:$0x1] =	stream.indirect.gather [hbm4b:s3+s8], $0x40, s30, s8, $0xb8;
	[tilespmem:$0x19F00] =	vst v63  }
0x47: {  	s30 =	simm.s32 $0x310;
	s31 =	simm.s32 $0xB600  }
0x48: {  	[tilespmem:s31], [sflag:$0x1] =	stream.indirect.gather [hbm4b:s3+s8], $0x40, s30, s8, $0xb8;
	[tilespmem:$0x19F00] =	vst v63  }
0x49: {  	s30 =	simm.s32 $0x348;
	s31 =	simm.s32 $0xC280  }
0x4a: {  	[tilespmem:s31], [sflag:$0x1] =	stream.indirect.gather [hbm4b:s3+s8], $0x40, s30, s8, $0xb8;
	[tilespmem:$0x19F00] =	vst v63  }
0x4b: {  	_ =	swait.ge [sflag:s24], $0xC80  }
0x4c: {  	[sflag:s24] =	ssyncset.done $0x0  }
0x4d: {  	[sflag:s24] =	ssyncadd.s32 $0xFFFFF380  }
0x4e: {  	_ =	swait.ge [sflag:s24], $0xC80  }
0x4f: {  	[sflag:s24] =	ssyncset.done $0x0  }
0x50: {  	[sflag:s24] =	ssyncadd.s32 $0xFFFFF380  }
0x51: {  	_ =	swait.ge [sflag:s24], $0xC80  }
0x52: {  	[sflag:s24] =	ssyncset.done $0x0  }
0x53: {  	[sflag:s24] =	ssyncadd.s32 $0xFFFFF380  }
0x54: {  	_ =	swait.ge [sflag:s24], $0xC80  }
0x55: {  	[sflag:s24] =	ssyncset.done $0x0  }
0x56: {  	[sflag:s24] =	ssyncadd.s32 $0xFFFFF380  }
0x57: {  	_ =	swait.ge [sflag:s24], $0xC80  }
0x58: {  	[sflag:s24] =	ssyncset.done $0x0  }
0x59: {  	[sflag:s24] =	ssyncadd.s32 $0xFFFFF380  }
0x5a: {  	_ =	swait.ge [sflag:s24], $0xC80  }
0x5b: {  	[sflag:s24] =	ssyncset.done $0x0  }
0x5c: {  	[sflag:s24] =	ssyncadd.s32 $0xFFFFF380  }
0x5d: {  	_ =	swait.ge [sflag:s24], $0xC80  }
0x5e: {  	[sflag:s24] =	ssyncset.done $0x0  }
0x5f: {  	[sflag:s24] =	ssyncadd.s32 $0xFFFFF380  }
0x60: {  	_ =	swait.ge [sflag:s24], $0xC80  }
0x61: {  	[sflag:s24] =	ssyncset.done $0x0  }
0x62: {  	s30 =	simm.s32 $0x380;
	s31 =	simm.s32 $0xCF00;
	[sflag:s24] =	ssyncadd.s32 $0xFFFFF380  }
0x63: {  	[tilespmem:s31], [sflag:$0x1] =	stream.indirect.gather [hbm4b:s3+s8], $0x40, s30, s8, $0xb8;
	[tilespmem:$0x19F00] =	vst v63  }
0x64: {  	s30 =	simm.s32 $0x3B8;
	s31 =	simm.s32 $0xDB80  }
0x65: {  	[tilespmem:s31], [sflag:$0x1] =	stream.indirect.gather [hbm4b:s3+s8], $0x40, s30, s8, $0xb8;
	[tilespmem:$0x19F00] =	vst v63  }
0x66: {  	s30 =	simm.s32 $0x3F0;
	s31 =	simm.s32 $0xE800  }
0x67: {  	[tilespmem:s31], [sflag:$0x1] =	stream.indirect.gather [hbm4b:s3+s8], $0x40, s30, s8, $0xb8;
	[tilespmem:$0x19F00] =	vst v63  }
0x68: {  	s30 =	simm.s32 $0x428;
	s31 =	simm.s32 $0xF480  }
0x69: {  	[tilespmem:s31], [sflag:$0x1] =	stream.indirect.gather [hbm4b:s3+s8], $0x40, s30, s8, $0xb8;
	[tilespmem:$0x19F00] =	vst v63  }
0x6a: {  	s30 =	simm.s32 $0x460;
	s31 =	simm.s32 $0x10100  }
0x6b: {  	[tilespmem:s31], [sflag:$0x1] =	stream.indirect.gather [hbm4b:s3+s8], $0x40, s30, s8, $0xb8;
	[tilespmem:$0x19F00] =	vst v63  }
0x6c: {  	s30 =	simm.s32 $0x498;
	s31 =	simm.s32 $0x10D80  }
0x6d: {  	[tilespmem:s31], [sflag:$0x1] =	stream.indirect.gather [hbm4b:s3+s8], $0x40, s30, s8, $0xb8;
	[tilespmem:$0x19F00] =	vst v63  }
0x6e: {  	s30 =	simm.s32 $0x4D0  }
0x6f: {  	[tilespmem:s1], [sflag:$0x1] =	stream.indirect.gather [hbm4b:s3+s8], $0x40, s30, s8, $0xb8;
	[tilespmem:$0x19F00] =	vst v63  }
0x70: {  	_ = 	snop  }
0x71: {  	[tilespmem:s9], [sflag:$0x1] =	stream.indirect.gather [hbm4b:s3+s8], $0x40, s0, s8, $0xb8;
	[tilespmem:$0x19F00] =	vst v63  }
0x72: {  	_ =	swait.ge [sflag:s24], $0xC80  }
0x73: {  	[sflag:s24] =	ssyncset.done $0x0  }
0x74: {  	[sflag:s24] =	ssyncadd.s32 $0xFFFFF380  }
0x75: {  	_ =	swait.ge [sflag:s24], $0xC80  }
0x76: {  	[sflag:s24] =	ssyncset.done $0x0  }
0x77: {  	[sflag:s24] =	ssyncadd.s32 $0xFFFFF380  }
0x78: {  	_ =	swait.ge [sflag:s24], $0xC80  }
0x79: {  	[sflag:s24] =	ssyncset.done $0x0  }
0x7a: {  	[sflag:s24] =	ssyncadd.s32 $0xFFFFF380  }
0x7b: {  	_ =	swait.ge [sflag:s24], $0xC80  }
0x7c: {  	[sflag:s24] =	ssyncset.done $0x0  }
0x7d: {  	[sflag:s24] =	ssyncadd.s32 $0xFFFFF380  }
0x7e: {  	_ =	swait.ge [sflag:s24], $0xC80  }
0x7f: {  	[sflag:s24] =	ssyncset.done $0x0  }
0x80: {  	[sflag:s24] =	ssyncadd.s32 $0xFFFFF380  }
0x81: {  	_ =	swait.ge [sflag:s24], $0xC80  }
0x82: {  	[sflag:s24] =	ssyncset.done $0x0  }
0x83: {  	[sflag:s24] =	ssyncadd.s32 $0xFFFFF380  }
0x84: {  	_ =	swait.ge [sflag:s24], $0xC80  }
0x85: {  	[sflag:s24] =	ssyncset.done $0x0  }
0x86: {  	[sflag:s24] =	ssyncadd.s32 $0xFFFFF380  }
0x87: {  	_ =	swait.ge [sflag:s24], $0xC80  }
0x88: {  	[sflag:s24] =	ssyncset.done $0x0  }
0x89: {  	[sflag:s24] =	ssyncadd.s32 $0xFFFFF380  }
0x8a: {  	[tilespmem:s11], [sflag:$0x1] =	stream.indirect.gather [hbm4b:s3+s8], $0x40, s10, s8, $0xb8;
	[tilespmem:$0x19F00] =	vst v63  }
0x8b: {  	_ = 	snop  }
0x8c: {  	[tilespmem:s13], [sflag:$0x1] =	stream.indirect.gather [hbm4b:s3+s8], $0x40, s12, s8, $0xb8;
	[tilespmem:$0x19F00] =	vst v63  }
0x8d: {  	_ = 	snop  }
0x8e: {  	[tilespmem:s15], [sflag:$0x1] =	stream.indirect.gather [hbm4b:s3+s8], $0x40, s14, s8, $0xb8;
	[tilespmem:$0x19F00] =	vst v63  }
0x8f: {  	_ = 	snop  }
0x90: {  	[tilespmem:s17], [sflag:$0x1] =	stream.indirect.gather [hbm4b:s3+s8], $0x40, s16, s8, $0xb8;
	[tilespmem:$0x19F00] =	vst v63  }
0x91: {  	_ = 	snop  }
0x92: {  	[tilespmem:s19], [sflag:$0x1] =	stream.indirect.gather [hbm4b:s3+s8], $0x40, s18, s8, $0xb8;
	[tilespmem:$0x19F00] =	vst v63  }
0x93: {  	_ = 	snop  }
0x94: {  	[tilespmem:s21], [sflag:$0x1] =	stream.indirect.gather [hbm4b:s3+s8], $0x40, s20, s8, $0xb8;
	[tilespmem:$0x19F00] =	vst v63  }
0x95: {  	_ = 	snop  }
0x96: {  	[tilespmem:s23], [sflag:$0x1] =	stream.indirect.gather [hbm4b:s3+s8], $0x40, s22, s8, $0xb8;
	[tilespmem:$0x19F00] =	vst v63  }
0x97: {  	_ = 	snop  }
0x98: {  	[tilespmem:s26], [sflag:$0x1] =	stream.indirect.gather [hbm4b:s3+s8], $0x40, s25, s8, $0xb8;
	[tilespmem:$0x19F00] =	vst v63  }
0x99: {  	_ =	swait.ge [sflag:s24], $0xC80  }
0x9a: {  	[sflag:s24] =	ssyncset.done $0x0  }
0x9b: {  	[sflag:s24] =	ssyncadd.s32 $0xFFFFF380  }
0x9c: {  	_ =	swait.ge [sflag:s24], $0xC80  }
0x9d: {  	[sflag:s24] =	ssyncset.done $0x0  }
0x9e: {  	[sflag:s24] =	ssyncadd.s32 $0xFFFFF380  }
0x9f: {  	_ =	swait.ge [sflag:s24], $0xC80  }
0xa0: {  	[sflag:s24] =	ssyncset.done $0x0  }
0xa1: {  	[sflag:s24] =	ssyncadd.s32 $0xFFFFF380  }
0xa2: {  	_ =	swait.ge [sflag:s24], $0xC80  }
0xa3: {  	[sflag:s24] =	ssyncset.done $0x0  }
0xa4: {  	[sflag:s24] =	ssyncadd.s32 $0xFFFFF380  }
0xa5: {  	_ =	swait.ge [sflag:s24], $0xC80  }
0xa6: {  	[sflag:s24] =	ssyncset.done $0x0  }
0xa7: {  	[sflag:s24] =	ssyncadd.s32 $0xFFFFF380  }
0xa8: {  	_ =	swait.ge [sflag:s24], $0xC80  }
0xa9: {  	[sflag:s24] =	ssyncset.done $0x0  }
0xaa: {  	[sflag:s24] =	ssyncadd.s32 $0xFFFFF380  }
0xab: {  	_ =	swait.ge [sflag:s24], $0xC80  }
0xac: {  	[sflag:s24] =	ssyncset.done $0x0  }
0xad: {  	[sflag:s24] =	ssyncadd.s32 $0xFFFFF380  }
0xae: {  	_ =	swait.ge [sflag:s24], $0xC80  }
0xaf: {  	[sflag:s24] =	ssyncset.done $0x0  }
0xb0: {  	s30 =	simm.s32 $0x0;
	[sflag:s24] =	ssyncadd.s32 $0xFFFFF380  }
.LBB2_2:
0xb1: {  	s31 =	smul.u32 $0x3200, s30;
	_ =	sdelay $0x1  }
0xb2: {  	s31 =	sshra.s32 s31, $0x2  }
0xb3: {  	v56 =	vld [tilespmem:s31+$0xAF0];
	_ =	sdelay $0x4  }
0xb4: {  	[tilespmem:$0x1FD80] =	vst v56;
	v56 =	vld [tilespmem:s31+$0xB10];
	_ =	sdelay $0x4  }
0xb5: {  	[tilespmem:$0x1FD90] =	vst v56;
	v56 =	vld [tilespmem:s31+$0xB20];
	_ =	sdelay $0x1  }
0xb6: {  	v3 =	vld [tilespmem:s31+$0x700]  }
0xb7: {  	v4 =	vld [tilespmem:s31+$0x710]  }
0xb8: {  	v5 =	vld [tilespmem:s31+$0x720]  }
0xb9: {  	[tilespmem:$0x1FDA0] =	vst v56;
	v56 =	vld [tilespmem:s31+$0xB30]  }
0xba: {  	v16 =	vld [tilespmem:s31+$0x730]  }
0xbb: {  	v17 =	vld [tilespmem:s31+$0x740]  }
0xbc: {  	v20 =	vld [tilespmem:s31+$0x750]  }
0xbd: {  	v21 =	vld [tilespmem:s31+$0x760]  }
0xbe: {  	[tilespmem:$0x1FDC0] =	vst v56;
	v56 =	vld [tilespmem:s31+$0xB40]  }
0xbf: {  	v32 =	vld [tilespmem:s31+$0x770]  }
0xc0: {  	v33 =	vld [tilespmem:s31+$0x780]  }
0xc1: {  	v36 =	vld [tilespmem:s31+$0x790]  }
0xc2: {  	v37 =	vld [tilespmem:s31+$0x7A0]  }
0xc3: {  	[tilespmem:$0x1FDB0] =	vst v56;
	v56 =	vld [tilespmem:s31+$0xB50]  }
0xc4: {  	v48 =	vld [tilespmem:s31+$0x7B0]  }
0xc5: {  	v49 =	vld [tilespmem:s31+$0x7C0]  }
0xc6: {  	v52 =	vld [tilespmem:s31+$0x7D0]  }
0xc7: {  	v53 =	vld [tilespmem:s31+$0x7E0]  }
0xc8: {  	[tilespmem:$0x1FDD0] =	vst v56;
	v56 =	vld [tilespmem:s31+$0xB60]  }
0xc9: {  	v62 =	vld [tilespmem:s31+$0x7F0]  }
0xca: {  	v63 =	vld [tilespmem:s31+$0x800]  }
0xcb: {  	v0 =	vld [tilespmem:s31+$0x810]  }
0xcc: {  	v2 =	vld [tilespmem:s31+$0x820]  }
0xcd: {  	[tilespmem:$0x1FDE0] =	vst v56;
	v56 =	vld [tilespmem:s31+$0xB70]  }
0xce: {  	v9 =	vld [tilespmem:s31+$0x830]  }
0xcf: {  	v1 =	vld [tilespmem:s31+$0x840]  }
0xd0: {  	v6 =	vld [tilespmem:s31+$0x850]  }
0xd1: {  	v8 =	vld [tilespmem:s31+$0x860]  }
0xd2: {  	[tilespmem:$0x1FE00] =	vst v56;
	v56 =	vld [tilespmem:s31+$0xB80]  }
0xd3: {  	v13 =	vld [tilespmem:s31+$0x870]  }
0xd4: {  	v7 =	vld [tilespmem:s31+$0x880]  }
0xd5: {  	v10 =	vld [tilespmem:s31+$0x890]  }
0xd6: {  	v12 =	vld [tilespmem:s31+$0x8A0]  }
0xd7: {  	[tilespmem:$0x1FDF0] =	vst v56;
	v56 =	vld [tilespmem:s31+$0xB90]  }
0xd8: {  	v19 =	vld [tilespmem:s31+$0x8B0]  }
0xd9: {  	v11 =	vld [tilespmem:s31+$0x8C0]  }
0xda: {  	v14 =	vld [tilespmem:s31+$0x8D0]  }
0xdb: {  	v18 =	vld [tilespmem:s31+$0x8E0]  }
0xdc: {  	[tilespmem:$0x1FE10] =	vst v56;
	v56 =	vld [tilespmem:s31+$0xBA0]  }
0xdd: {  	v25 =	vld [tilespmem:s31+$0x8F0]  }
0xde: {  	v15 =	vld [tilespmem:s31+$0x900]  }
0xdf: {  	v22 =	vld [tilespmem:s31+$0x910]  }
0xe0: {  	v24 =	vld [tilespmem:s31+$0x920]  }
0xe1: {  	[tilespmem:$0x1FE20] =	vst v56;
	v56 =	vld [tilespmem:s31+$0xBB0]  }
0xe2: {  	v29 =	vld [tilespmem:s31+$0x930]  }
0xe3: {  	v23 =	vld [tilespmem:s31+$0x940]  }
0xe4: {  	v26 =	vld [tilespmem:s31+$0x950]  }
0xe5: {  	v28 =	vld [tilespmem:s31+$0x960]  }
0xe6: {  	[tilespmem:$0x1FE40] =	vst v56;
	v56 =	vld [tilespmem:s31+$0xBC0]  }
0xe7: {  	v35 =	vld [tilespmem:s31+$0x970]  }
0xe8: {  	v27 =	vld [tilespmem:s31+$0x980]  }
0xe9: {  	v30 =	vld [tilespmem:s31+$0x990]  }
0xea: {  	v34 =	vld [tilespmem:s31+$0x9A0]  }
0xeb: {  	[tilespmem:$0x1FE30] =	vst v56;
	v56 =	vld [tilespmem:s31+$0xBD0]  }
0xec: {  	v41 =	vld [tilespmem:s31+$0x9B0]  }
0xed: {  	v31 =	vld [tilespmem:s31+$0x9C0]  }
0xee: {  	v38 =	vld [tilespmem:s31+$0x9D0]  }
0xef: {  	v40 =	vld [tilespmem:s31+$0x9E0]  }
0xf0: {  	[tilespmem:$0x1FE50] =	vst v56;
	v56 =	vld [tilespmem:s31+$0xBE0]  }
0xf1: {  	v45 =	vld [tilespmem:s31+$0x9F0]  }
0xf2: {  	v39 =	vld [tilespmem:s31+$0xA00]  }
0xf3: {  	v42 =	vld [tilespmem:s31+$0xA10]  }
0xf4: {  	v44 =	vld [tilespmem:s31+$0xA20]  }
0xf5: {  	[tilespmem:$0x1FE60] =	vst v56;
	v56 =	vld [tilespmem:s31+$0xBF0]  }
0xf6: {  	v51 =	vld [tilespmem:s31+$0xA30]  }
0xf7: {  	v43 =	vld [tilespmem:s31+$0xA40]  }
0xf8: {  	v46 =	vld [tilespmem:s31+$0xA50]  }
0xf9: {  	v50 =	vld [tilespmem:s31+$0xA60]  }
0xfa: {  	[tilespmem:$0x1FE80] =	vst v56;
	v56 =	vld [tilespmem:s31+$0xC00]  }
0xfb: {  	v60 =	vld [tilespmem:s31+$0xA70]  }
0xfc: {  	v47 =	vld [tilespmem:s31+$0xA80]  }
0xfd: {  	v54 =	vld [tilespmem:s31+$0xA90]  }
0xfe: {  	v61 =	vld [tilespmem:s31+$0xAA0]  }
0xff: {  	[tilespmem:$0x1FE70] =	vst v56;
	v56 =	vld [tilespmem:s31+$0xC10]  }
0x100: {  	v55 =	vld [tilespmem:s31+$0xAB0]  }
0x101: {  	v58 =	vld [tilespmem:s31+$0xAD0]  }
0x102: {  	v57 =	vld [tilespmem:s31+$0xAE0]  }
0x103: {  	v59 =	vld [tilespmem:s31+$0xB00]  }
0x104: {  	[tilespmem:$0x1FE90] =	vst v56;
	v56 =	vld [tilespmem:s31+$0xC20]  }
0x105: {  	[tilespmem:$0x1FD70] =	vst v55;
	v55 =	vld [tilespmem:s31+$0xAC0]  }
0x106: {  	v17 =	vadd.f32 v17, v3;
	v3 =	vld [tilespmem:s31+$0xD90]  }
0x107: {  	v20 =	vadd.f32 v20, v4;
	v4 =	vld [tilespmem:s31+$0xDA0]  }
0x108: {  	v21 =	vadd.f32 v21, v5;
	v5 =	vld [tilespmem:s31+$0xDB0]  }
0x109: {  	v17 =	vadd.f32 v33, v17;
	[tilespmem:$0x1FEA0] =	vst v56;
	v56 =	vld [tilespmem:s31+$0xC30]  }
0x10a: {  	v32 =	vadd.f32 v32, v16;
	v16 =	vld [tilespmem:s31+$0xDC0];
	v20 =	vadd.f32 v36, v20  }
0x10b: {  	v21 =	vadd.f32 v37, v21;
	v33 =	vadd.f32 v49, v17;
	v17 =	vld [tilespmem:s31+$0xDD0]  }
0x10c: {  	v36 =	vadd.f32 v52, v20;
	v20 =	vld [tilespmem:s31+$0xDE0]  }
0x10d: {  	v32 =	vadd.f32 v48, v32;
	v37 =	vadd.f32 v53, v21;
	v21 =	vld [tilespmem:s31+$0xDF0]  }
0x10e: {  	[tilespmem:$0x1FEC0] =	vst v56;
	v56 =	vld [tilespmem:s31+$0xC40]  }
0x10f: {  	v48 =	vadd.f32 v62, v32;
	v32 =	vld [tilespmem:s31+$0xE00]  }
0x110: {  	v49 =	vld [tilespmem:s31+$0xE50]  }
0x111: {  	v52 =	vld [tilespmem:s31+$0xE60]  }
0x112: {  	v0 =	vadd.f32 v0, v36;
	v36 =	vld [tilespmem:s31+$0xE20]  }
0x113: {  	[tilespmem:$0x1FEB0] =	vst v56;
	v56 =	vld [tilespmem:s31+$0xC50]  }
0x114: {  	v33 =	vadd.f32 v63, v33;
	v2 =	vadd.f32 v2, v37;
	v37 =	vld [tilespmem:s31+$0xE30]  }
0x115: {  	v9 =	vadd.f32 v9, v48;
	v48 =	vld [tilespmem:s31+$0xE40]  }
0x116: {  	v1 =	vadd.f32 v1, v33;
	v33 =	vld [tilespmem:s31+$0xE10]  }
0x117: {  	v2 =	vadd.f32 v8, v2;
	v8 =	vld [tilespmem:s31+$0xE90]  }
0x118: {  	[tilespmem:$0x1FED0] =	vst v56;
	v56 =	vld [tilespmem:s31+$0xC60]  }
0x119: {  	v53 =	vadd.f32 v13, v9;
	v9 =	vld [tilespmem:s31+$0xEA0]  }
0x11a: {  	v13 =	vld [tilespmem:s31+$0xEE0]  }
0x11b: {  	v0 =	vadd.f32 v6, v0;
	v6 =	vadd.f32 v19, v53;
	v53 =	vld [tilespmem:s31+$0xE70]  }
0x11c: {  	v1 =	vadd.f32 v7, v1;
	v7 =	vld [tilespmem:s31+$0xE80]  }
0x11d: {  	[tilespmem:$0x1FEE0] =	vst v56;
	v56 =	vld [tilespmem:s31+$0xC70]  }
0x11e: {  	v0 =	vadd.f32 v10, v0;
	v10 =	vld [tilespmem:s31+$0xEB0]  }
0x11f: {  	v2 =	vadd.f32 v12, v2;
	v12 =	vld [tilespmem:s31+$0xED0]  }
0x120: {  	v19 =	vld [tilespmem:s31+$0xF20]  }
0x121: {  	v1 =	vadd.f32 v11, v1;
	v11 =	vld [tilespmem:s31+$0xEC0]  }
0x122: {  	[tilespmem:$0x1FF00] =	vst v56;
	v56 =	vld [tilespmem:s31+$0xC80]  }
0x123: {  	v0 =	vadd.f32 v14, v0;
	v14 =	vld [tilespmem:s31+$0xEF0]  }
0x124: {  	v2 =	vadd.f32 v18, v2;
	v18 =	vld [tilespmem:s31+$0xF10]  }
0x125: {  	v6 =	vadd.f32 v25, v6;
	v25 =	vld [tilespmem:s31+$0xF60]  }
0x126: {  	v1 =	vadd.f32 v15, v1;
	v15 =	vld [tilespmem:s31+$0xF00]  }
0x127: {  	[tilespmem:$0x1FEF0] =	vst v56;
	v56 =	vld [tilespmem:s31+$0xC90]  }
0x128: {  	v0 =	vadd.f32 v22, v0;
	v22 =	vld [tilespmem:s31+$0xF30]  }
0x129: {  	v2 =	vadd.f32 v24, v2;
	v24 =	vld [tilespmem:s31+$0xF50]  }
0x12a: {  	v6 =	vadd.f32 v29, v6;
	v29 =	vld [tilespmem:s31+$0xFA0]  }
0x12b: {  	v1 =	vadd.f32 v23, v1;
	v2 =	vadd.f32 v28, v2;
	v23 =	vld [tilespmem:s31+$0xF40]  }
0x12c: {  	v0 =	vadd.f32 v26, v0;
	v6 =	vadd.f32 v35, v6;
	[tilespmem:$0x1FF10] =	vst v56;
	v56 =	vld [tilespmem:s31+$0xCA0]  }
0x12d: {  	v26 =	vld [tilespmem:s31+$0xF70];
	v1 =	vadd.f32 v27, v1;
	v2 =	vadd.f32 v34, v2  }
0x12e: {  	v28 =	vld [tilespmem:s31+$0xF90];
	v0 =	vadd.f32 v30, v0;
	v6 =	vadd.f32 v41, v6  }
0x12f: {  	v62 =	vld [tilespmem:$0x1FDC0];
	v1 =	vadd.f32 v31, v1;
	v2 =	vadd.f32 v40, v2  }
0x130: {  	v27 =	vld [tilespmem:s31+$0xF80];
	v0 =	vadd.f32 v38, v0;
	v6 =	vadd.f32 v45, v6  }
0x131: {  	v1 =	vadd.f32 v39, v1;
	v2 =	vadd.f32 v44, v2;
	[tilespmem:$0x1FF20] =	vst v56;
	v56 =	vld [tilespmem:s31+$0xCB0]  }
0x132: {  	v30 =	vld [tilespmem:s31+$0xFB0];
	v0 =	vadd.f32 v42, v0;
	v6 =	vadd.f32 v51, v6  }
0x133: {  	v31 =	vld [tilespmem:s31+$0xFC0];
	v1 =	vadd.f32 v43, v1;
	v2 =	vadd.f32 v50, v2  }
0x134: {  	v0 =	vadd.f32 v46, v0;
	v6 =	vadd.f32 v60, v6;
	v60 =	vld [tilespmem:$0x1FDA0]  }
0x135: {  	v1 =	vadd.f32 v47, v1;
	v2 =	vadd.f32 v61, v2;
	v61 =	vld [tilespmem:$0x1FDB0]  }
0x136: {  	[tilespmem:$0x1FF40] =	vst v56;
	v56 =	vld [tilespmem:s31+$0xCC0]  }
0x137: {  	v0 =	vadd.f32 v54, v0;
	v1 =	vadd.f32 v55, v1;
	v55 =	vld [tilespmem:$0x1FD70]  }
0x138: {  	v63 =	vld [tilespmem:$0x1FDD0]  }
0x139: {  	v0 =	vadd.f32 v58, v0;
	v58 =	vld [tilespmem:$0x1FD80]  }
0x13a: {  	v34 =	vld [tilespmem:$0x1FDE0]  }
0x13b: {  	v2 =	vadd.f32 v57, v2;
	[tilespmem:$0x1FF30] =	vst v56;
	v56 =	vld [tilespmem:s31+$0xCD0]  }
0x13c: {  	v1 =	vadd.f32 v59, v1;
	v59 =	vld [tilespmem:$0x1FD90];
	v6 =	vadd.f32 v55, v6  }
0x13d: {  	v2 =	vadd.f32 v60, v2;
	v38 =	vld [tilespmem:$0x1FE00]  }
0x13e: {  	v6 =	vadd.f32 v58, v6;
	v35 =	vld [tilespmem:$0x1FDF0]  }
0x13f: {  	v2 =	vadd.f32 v34, v2;
	v34 =	vld [tilespmem:s31+$0xFD0]  }
0x140: {  	v6 =	vadd.f32 v62, v6;
	[tilespmem:$0x1FF50] =	vst v56;
	v56 =	vld [tilespmem:s31+$0xCE0]  }
0x141: {  	v1 =	vadd.f32 v61, v1;
	v39 =	vld [tilespmem:$0x1FE10]  }
0x142: {  	v0 =	vadd.f32 v59, v0;
	v6 =	vadd.f32 v38, v6;
	v38 =	vld [tilespmem:s31+$0xFF0]  }
0x143: {  	v1 =	vadd.f32 v35, v1;
	v35 =	vld [tilespmem:s31+$0xFE0]  }
0x144: {  	v0 =	vadd.f32 v63, v0;
	v40 =	vld [tilespmem:$0x1FE20]  }
0x145: {  	[tilespmem:$0x1FF60] =	vst v56;
	v56 =	vld [tilespmem:s31+$0xCF0]  }
0x146: {  	v0 =	vadd.f32 v39, v0;
	v39 =	vld [tilespmem:s31+$0x1000]  }
0x147: {  	v42 =	vld [tilespmem:$0x1FE40]  }
0x148: {  	v41 =	vld [tilespmem:$0x1FE30]  }
0x149: {  	v2 =	vadd.f32 v40, v2;
	v40 =	vld [tilespmem:s31+$0x1010]  }
0x14a: {  	[tilespmem:$0x1FF80] =	vst v56;
	v56 =	vld [tilespmem:s31+$0xD00]  }
0x14b: {  	v43 =	vld [tilespmem:$0x1FE50]  }
0x14c: {  	v6 =	vadd.f32 v42, v6;
	v42 =	vld [tilespmem:s31+$0x1030]  }
0x14d: {  	v1 =	vadd.f32 v41, v1;
	v41 =	vld [tilespmem:s31+$0x1020]  }
0x14e: {  	v44 =	vld [tilespmem:$0x1FE60]  }
0x14f: {  	[tilespmem:$0x1FF70] =	vst v56;
	v56 =	vld [tilespmem:s31+$0xD10]  }
0x150: {  	v0 =	vadd.f32 v43, v0;
	v43 =	vld [tilespmem:s31+$0x1040]  }
0x151: {  	v46 =	vld [tilespmem:$0x1FE80]  }
0x152: {  	v45 =	vld [tilespmem:$0x1FE70]  }
0x153: {  	v2 =	vadd.f32 v44, v2;
	v44 =	vld [tilespmem:s31+$0x1050]  }
0x154: {  	[tilespmem:$0x1FF90] =	vst v56;
	v56 =	vld [tilespmem:s31+$0xD20]  }
0x155: {  	v47 =	vld [tilespmem:$0x1FE90]  }
0x156: {  	v6 =	vadd.f32 v46, v6;
	v46 =	vld [tilespmem:s31+$0x1070]  }
0x157: {  	v1 =	vadd.f32 v45, v1;
	v45 =	vld [tilespmem:s31+$0x1060]  }
0x158: {  	v50 =	vld [tilespmem:$0x1FEA0]  }
0x159: {  	[tilespmem:$0x1FFA0] =	vst v56;
	v56 =	vld [tilespmem:s31+$0xD30]  }
0x15a: {  	v0 =	vadd.f32 v47, v0;
	v47 =	vld [tilespmem:s31+$0x1080]  }
0x15b: {  	v54 =	vld [tilespmem:$0x1FEC0]  }
0x15c: {  	v51 =	vld [tilespmem:$0x1FEB0]  }
0x15d: {  	v55 =	vld [tilespmem:$0x1FED0]  }
0x15e: {  	[tilespmem:$0x1FFC0] =	vst v56;
	v56 =	vld [tilespmem:s31+$0xD40]  }
0x15f: {  	v57 =	vld [tilespmem:$0x1FEE0]  }
0x160: {  	v59 =	vld [tilespmem:$0x1FF00]  }
0x161: {  	v58 =	vld [tilespmem:$0x1FEF0]  }
0x162: {  	v60 =	vld [tilespmem:$0x1FF10]  }
0x163: {  	[tilespmem:$0x1FFB0] =	vst v56;
	v56 =	vld [tilespmem:s31+$0xD50]  }
0x164: {  	v61 =	vld [tilespmem:$0x1FF20]  }
0x165: {  	v63 =	vld [tilespmem:$0x1FF40]  }
0x166: {  	v62 =	vld [tilespmem:$0x1FF30]  }
0x167: {  	v2 =	vadd.f32 v50, v2;
	v50 =	vld [tilespmem:$0x1FF50]  }
0x168: {  	[tilespmem:$0x1FFD0] =	vst v56;
	v56 =	vld [tilespmem:s31+$0xD60]  }
0x169: {  	v1 =	vadd.f32 v51, v1;
	v51 =	vld [tilespmem:$0x1FF60]  }
0x16a: {  	v0 =	vadd.f32 v55, v0;
	v55 =	vld [tilespmem:$0x1FF80]  }
0x16b: {  	v6 =	vadd.f32 v54, v6;
	v54 =	vld [tilespmem:$0x1FF70]  }
0x16c: {  	v2 =	vadd.f32 v57, v2;
	v57 =	vld [tilespmem:$0x1FF90]  }
0x16d: {  	[tilespmem:$0x1FFE0] =	vst v56;
	v56 =	vld [tilespmem:s31+$0xD70]  }
0x16e: {  	v1 =	vadd.f32 v58, v1;
	v58 =	vld [tilespmem:$0x1FFA0]  }
0x16f: {  	v0 =	vadd.f32 v60, v0;
	v60 =	vld [tilespmem:$0x1FFC0]  }
0x170: {  	v6 =	vadd.f32 v59, v6;
	v2 =	vadd.f32 v61, v2;
	v61 =	vld [tilespmem:$0x1FFD0]  }
0x171: {  	v1 =	vadd.f32 v62, v1;
	v0 =	vadd.f32 v50, v0;
	v62 =	vld [tilespmem:$0x1FFE0]  }
0x172: {  	v6 =	vadd.f32 v63, v6;
	v2 =	vadd.f32 v51, v2;
	v59 =	vld [tilespmem:$0x1FFB0];
	[tilespmem:$0x1FFF0] =	vst v56  }
0x173: {  	v0 =	vadd.f32 v57, v0;
	v63 =	vld [tilespmem:$0x1FFF0]  }
0x174: {  	v6 =	vadd.f32 v55, v6;
	v2 =	vadd.f32 v58, v2;
	v56 =	vld [tilespmem:s31+$0xD80]  }
0x175: {  	v50 =	vld [tilespmem:s31+$0x1090];
	v1 =	vadd.f32 v54, v1;
	v0 =	vadd.f32 v61, v0  }
0x176: {  	v51 =	vld [tilespmem:s31+$0x10A0];
	v6 =	vadd.f32 v60, v6;
	v2 =	vadd.f32 v62, v2  }
0x177: {  	v55 =	vld [tilespmem:s31+$0x1130];
	v1 =	vadd.f32 v59, v1;
	v0 =	vadd.f32 v3, v0  }
0x178: {  	v54 =	vld [tilespmem:s31+$0x10B0];
	v2 =	vadd.f32 v4, v2;
	v6 =	vadd.f32 v63, v6  }
0x179: {  	v57 =	vld [tilespmem:s31+$0x1150];
	v0 =	vadd.f32 v17, v0;
	v1 =	vadd.f32 v56, v1  }
0x17a: {  	v58 =	vld [tilespmem:s31+$0x1160];
	v2 =	vadd.f32 v20, v2;
	v5 =	vadd.f32 v5, v6  }
0x17b: {  	v60 =	vld [tilespmem:s31+$0x1180];
	v0 =	vadd.f32 v33, v0;
	v1 =	vadd.f32 v16, v1  }
0x17c: {  	v59 =	vld [tilespmem:s31+$0x1170];
	v2 =	vadd.f32 v36, v2;
	v5 =	vadd.f32 v21, v5  }
0x17d: {  	v61 =	vld [tilespmem:s31+$0x1190];
	v0 =	vadd.f32 v49, v0;
	v1 =	vadd.f32 v32, v1  }
0x17e: {  	v3 =	vld [tilespmem:s31+$0x10C0];
	v2 =	vadd.f32 v52, v2;
	v5 =	vadd.f32 v37, v5  }
0x17f: {  	v17 =	vld [tilespmem:s31+$0x1100];
	v0 =	vadd.f32 v8, v0;
	v1 =	vadd.f32 v48, v1  }
0x180: {  	v62 =	vld [tilespmem:s31+$0x11A0];
	v2 =	vadd.f32 v9, v2;
	v5 =	vadd.f32 v53, v5  }
0x181: {  	v33 =	vld [tilespmem:s31+$0x11D0];
	v0 =	vadd.f32 v12, v0;
	v1 =	vadd.f32 v7, v1  }
0x182: {  	v4 =	vld [tilespmem:s31+$0x10D0];
	v2 =	vadd.f32 v13, v2;
	v5 =	vadd.f32 v10, v5  }
0x183: {  	v49 =	vld [tilespmem:s31+$0x1120];
	v0 =	vadd.f32 v18, v0;
	v1 =	vadd.f32 v11, v1  }
0x184: {  	v56 =	vld [tilespmem:s31+$0x1140];
	v2 =	vadd.f32 v19, v2;
	v5 =	vadd.f32 v14, v5  }
0x185: {  	v63 =	vld [tilespmem:s31+$0x11B0];
	v0 =	vadd.f32 v24, v0;
	v1 =	vadd.f32 v15, v1  }
0x186: {  	v16 =	vld [tilespmem:s31+$0x10F0];
	v2 =	vadd.f32 v25, v2;
	v5 =	vadd.f32 v22, v5  }
0x187: {  	v36 =	vld [tilespmem:s31+$0x11F0];
	v0 =	vadd.f32 v28, v0;
	v1 =	vadd.f32 v23, v1  }
0x188: {  	v6 =	vld [tilespmem:s31+$0x10E0];
	v2 =	vadd.f32 v29, v2;
	v5 =	vadd.f32 v26, v5  }
0x189: {  	v32 =	vld [tilespmem:s31+$0x11C0];
	v0 =	vadd.f32 v34, v0;
	v1 =	vadd.f32 v27, v1  }
0x18a: {  	v52 =	vld [tilespmem:s31+$0x12F0];
	v2 =	vadd.f32 v35, v2;
	v5 =	vadd.f32 v30, v5  }
0x18b: {  	v48 =	vld [tilespmem:s31+$0x1110];
	v0 =	vadd.f32 v40, v0;
	v1 =	vadd.f32 v31, v1  }
0x18c: {  	v37 =	vld [tilespmem:s31+$0x1200];
	v2 =	vadd.f32 v41, v2;
	v5 =	vadd.f32 v38, v5  }
0x18d: {  	v53 =	vld [tilespmem:s31+$0x1300];
	v0 =	vadd.f32 v44, v0;
	v1 =	vadd.f32 v39, v1  }
0x18e: {  	v34 =	vld [tilespmem:s31+$0x11E0];
	v2 =	vadd.f32 v45, v2;
	v5 =	vadd.f32 v42, v5  }
0x18f: {  	v40 =	vld [tilespmem:s31+$0x1230];
	v0 =	vadd.f32 v50, v0;
	v1 =	vadd.f32 v43, v1  }
0x190: {  	v44 =	vld [tilespmem:s31+$0x1270];
	v2 =	vadd.f32 v51, v2;
	v5 =	vadd.f32 v46, v5  }
0x191: {  	v50 =	vld [tilespmem:s31+$0x12D0];
	v0 =	vadd.f32 v4, v0;
	v1 =	vadd.f32 v47, v1  }
0x192: {  	v41 =	vld [tilespmem:s31+$0x1240];
	v2 =	vadd.f32 v6, v2;
	v5 =	vadd.f32 v54, v5  }
0x193: {  	v39 =	vld [tilespmem:s31+$0x1220];
	v0 =	vadd.f32 v48, v0;
	v1 =	vadd.f32 v3, v1  }
0x194: {  	v45 =	vld [tilespmem:s31+$0x1280];
	v2 =	vadd.f32 v49, v2;
	v5 =	vadd.f32 v16, v5  }
0x195: {  	v38 =	vld [tilespmem:s31+$0x1210];
	v0 =	vadd.f32 v57, v0;
	v1 =	vadd.f32 v17, v1  }
0x196: {  	v48 =	vld [tilespmem:s31+$0x12B0];
	v2 =	vadd.f32 v58, v2;
	v5 =	vadd.f32 v55, v5  }
0x197: {  	v43 =	vld [tilespmem:s31+$0x1260];
	v0 =	vadd.f32 v61, v0;
	v1 =	vadd.f32 v56, v1  }
0x198: {  	v42 =	vld [tilespmem:s31+$0x1250];
	v2 =	vadd.f32 v62, v2;
	v5 =	vadd.f32 v59, v5  }
0x199: {  	v51 =	vld [tilespmem:s31+$0x12E0];
	v0 =	vadd.f32 v33, v0;
	v1 =	vadd.f32 v60, v1  }
0x19a: {  	v46 =	vld [tilespmem:s31+$0x1290];
	v2 =	vadd.f32 v34, v2;
	v5 =	vadd.f32 v63, v5  }
0x19b: {  	v47 =	vld [tilespmem:s31+$0x12A0];
	v0 =	vadd.f32 v38, v0;
	v1 =	vadd.f32 v32, v1  }
0x19c: {  	v49 =	vld [tilespmem:s31+$0x12C0];
	v2 =	vadd.f32 v39, v2;
	v5 =	vadd.f32 v36, v5  }
0x19d: {  	v54 =	vld [tilespmem:s31+$0x1310];
	v0 =	vadd.f32 v42, v0;
	v1 =	vadd.f32 v37, v1  }
0x19e: {  	v58 =	vld [tilespmem:s31+$0x1350];
	v2 =	vadd.f32 v43, v2;
	v5 =	vadd.f32 v40, v5  }
0x19f: {  	v55 =	vld [tilespmem:s31+$0x1320];
	v0 =	vadd.f32 v46, v0;
	v1 =	vadd.f32 v41, v1  }
0x1a0: {  	v56 =	vld [tilespmem:s31+$0x1330];
	v2 =	vadd.f32 v47, v2;
	v5 =	vadd.f32 v44, v5  }
0x1a1: {  	v59 =	vld [tilespmem:s31+$0x1360];
	v0 =	vadd.f32 v50, v0;
	v1 =	vadd.f32 v45, v1  }
0x1a2: {  	v57 =	vld [tilespmem:s31+$0x1340];
	v2 =	vadd.f32 v51, v2;
	v5 =	vadd.f32 v48, v5  }
0x1a3: {  	v60 =	vld [tilespmem:s31+$0x1370];
	v0 =	vadd.f32 v54, v0;
	v1 =	vadd.f32 v49, v1  }
0x1a4: {  	v2 =	vadd.f32 v55, v2;
	v5 =	vadd.f32 v52, v5  }
0x1a5: {  	v0 =	vadd.f32 v58, v0;
	v1 =	vadd.f32 v53, v1  }
0x1a6: {  	v2 =	vadd.f32 v59, v2;
	v61 =	vadd.f32 v56, v5  }
0x1a7: {  	p0 =	sne.s32 s30, $0x1F;
	s31 =	sshll.u32 s30, $0x6;
	v0 =	vmul.f32 $1.999999960e-02, v0;
	v1 =	vadd.f32 v57, v1  }
.Ltmp0:
0x1a8: {  	s31 =	sand.u32 $0x3FFFFFC0, s31;
	v62 =	vmul.f32 $1.999999960e-02, v2;
	v3 =	vadd.f32 v60, v61;
	(pc) =	sbr.rel @p0 .LBB2_2-.Ltmp0, $4  }
0x1a9: {  	[tilespmem:s31+$0x19710] =	vst v0;
	v1 =	vmul.f32 $1.999999960e-02, v1  }
0x1aa: {  	[tilespmem:s31+$0x19720] =	vst v62;
	v63 =	vmul.f32 $1.999999960e-02, v3  }
0x1ab: {  	[tilespmem:s31+$0x19700] =	vst v1  }
0x1ac: {  	s30 =	sadd.s32 $0x1, s30;
	[tilespmem:s31+$0x19730] =	vst v63  }
0x1ad: {  	s29 =	sadd.s32 $0x1, s29  }
0x1ae: {  	p0 =	sne.s32 s29, s6  }
.Ltmp1:
0x1af: {  	_ = 	snop;
	(pc) =	sbr.rel @p0 .LBB2_1-.Ltmp1, $4  }
0x1b0: {  	[hbm4b:s5+s2] =	stream.linear.scatter [tilespmem:s28], [sflag:$0x2], $0x800, $0x38;
	[tilespmem:$0x19F00] =	vst v63  }
0x1b1: {  	_ =	swait.ge [sflag:s7], $0x800  }
0x1b2: {  	[sflag:s7] =	ssyncset.done $0x0  }
0x1b3: {  	[sflag:s7] =	ssyncadd.s32 $0xFFFFF800  }
0x1b4: {  	_ =	sfence.sel $0x180000  }
0x1b5: {  	[bflag:$0x0] =	sbarrier.arrive $0xFFFF  }
0x1b6: {  	_ =	strace $0x90000047  }
0x1b7: {  	s0 =	stileid.u32;
	[bflag:$0x2] =	sbarrier.arrive $0xFFFF  }
0x1b8: {  	p0 =	sne.s32 s0, $0x0;
	s0 =	rddreg [dreg:$0x1]  }
0x1b9: {  	s0 =	sadd.s32 @!p0 $0x100000, s0  }
0x1ba: {  	[sflag:s0] =	ssyncadd.tile.s32 @!p0 $0x1;
	_ =	shalt  }
.Lfunc_end2:
_tile_overlayer_lowered:
.L_overlay_start_2:
0x1bb: {  	(tag) =	ssettag $0x2  }
0x1bc: {  	s0 =	rddreg [dreg:$0x0];
	s2 =	stileid.u32  }
0x1bd: {  	s1 =	rddreg [dreg:$0x1];
	p0 =	sne.s32 s2, $0x0  }
0x1be: {  	s3 =	rddreg [dreg:$0x2];
	[bflag:$0x3] =	sbarrier.arrive $0xFFFF;
	s2 =	simm.s32 @!p0 $0x1C02  }
0x1bf: {  	[timem:s3], [sflag:s2] =	dma.local @!p0 [hbm:s0], s1  }
0x1c0: {  	s0 =	simm.s32 @!p0 $0x2  }
0x1c1: {  	_ =	swait.ge @!p0 [sflag:s0], s1  }
0x1c2: {  	s1 =	ssub.s32 @!p0 $0x0, s1;
	[sflag:s0] =	ssyncset.done @!p0 $0x0  }
0x1c3: {  	[sflag:s0] =	ssyncadd.s32 @!p0 s1  }
0x1c4: {  	[bflag:$0x3] =	sbarrier.arrive $0xFFFF  }
0x1c5: {  	_ =	shalt  }

</sc_bundles>
